<compile_context>
chip_gen: v7x
topology: tpu7x:2x2x1
jax: 0.10.2.dev20260603
libtpu: 0.0.44.dev20260713+nightly
codegen_flags: <defaults>
</compile_context>

<pallas_src>
import functools

import jax
import jax.numpy as jnp
from jax import lax
from jax.experimental import pallas as pl
from jax.experimental.pallas import tpu as pltpu
from jax.experimental.pallas import tpu_sc as plsc

_B, _N, _C, _G = 16, 8192, 23, 8
_LANES = 16
_NW = 32
_BH = _B // 2
_RC = 512
_NCHUNK = 4
_CR = _RC // _NCHUNK
_PART = _BH * _C * _LANES
_BOUNDS = (0, 3, 6, 9, 12, 15, 18, 20, 23)

_sc_mesh = plsc.VectorSubcoreMesh(core_axis_name="c", subcore_axis_name="s")


@functools.partial(
    pl.kernel,
    out_type=jax.ShapeDtypeStruct((_NW * _PART,), jnp.float32),
    mesh=_sc_mesh,
    compiler_params=pltpu.CompilerParams(
        needs_layout_passes=False, use_tc_tiling_on_sc=True
    ),
    scratch_types=[
        pltpu.VMEM((_NCHUNK, _C, _BH, _CR), jnp.float32),
        pltpu.VMEM((_PART,), jnp.float32),
        pltpu.SemaphoreType.DMA,
        pltpu.SemaphoreType.DMA,
        pltpu.SemaphoreType.DMA,
        pltpu.SemaphoreType.DMA,
    ],
)
def _sc_partials(x_hbm, out_hbm, buf, acc, s0, s1, s2, s3):
    cid = lax.axis_index("c")
    sid = lax.axis_index("s")
    wid = cid * 16 + sid
    sems = (s0, s1, s2, s3)
    cps = [
        pltpu.async_copy(
            x_hbm.at[
                :, pl.ds(cid * _BH, _BH), pl.ds(sid * _RC + ch * _CR, _CR)
            ],
            buf.at[ch],
            sems[ch],
        )
        for ch in range(_NCHUNK)
    ]

    zero = jnp.zeros((_LANES,), jnp.float32)

    def zbody(i, _):
        acc[pl.ds(i * _LANES, _LANES)] = zero
        return 0

    lax.fori_loop(0, _PART // _LANES, zbody, 0)

    def _tree_sum(vs):
        while len(vs) > 1:
            vs = [
                vs[k] + vs[k + 1] if k + 1 < len(vs) else vs[k]
                for k in range(0, len(vs), 2)
            ]
        return vs[0]

    for ch in range(_NCHUNK):
        cps[ch].wait()

        def body(i, _, _ch=ch):
            b2 = i & 7
            n0 = (i >> 3) * _LANES
            es = [
                jnp.exp(buf[_ch, j, b2, pl.ds(n0, _LANES)])
                for j in range(_C)
            ]
            t = (es[20] + es[21]) + es[22]
            s = _tree_sum(es[:20]) + t
            f = (s - t) / (s * s)
            for j in range(_C):
                plsc.addupdate(
                    acc.at[pl.ds(j * (_BH * _LANES) + b2 * _LANES, _LANES)],
                    es[j] * f,
                )
            return 0

        lax.fori_loop(0, _BH * (_CR // _LANES), body, 0)

    pltpu.sync_copy(acc, out_hbm.at[pl.ds(wid * _PART, _PART)])


def _epilogue_body(partials_ref, targets_ref, out_ref):
    p = partials_ref[...]
    p = p.reshape(2, 16, _C, 128)
    z = jnp.sum(p, axis=1).reshape(2 * _C, 128)
    lane = jax.lax.broadcasted_iota(jnp.int32, (128, _BH), 0) // _LANES
    sel = (lane == jax.lax.broadcasted_iota(jnp.int32, (128, _BH), 1))
    wa = jnp.dot(z, sel.astype(jnp.float32),
                 precision=jax.lax.Precision.HIGHEST)
    wa = wa.reshape(2, _C, _BH)
    ji = jax.lax.broadcasted_iota(jnp.int32, (_C, _G), 0)
    gi = jax.lax.broadcasted_iota(jnp.int32, (_C, _G), 1)
    gidx = jnp.zeros((_C, _G), jnp.int32)
    for k in range(1, _G):
        gidx = gidx + (ji >= _BOUNDS[k]).astype(jnp.int32)
    gmap = (gidx == gi).astype(jnp.float32)
    ga = jax.lax.dot_general(wa, gmap, (((1,), (0,)), ((), ())),
                             precision=jax.lax.Precision.HIGHEST)
    ga = ga.reshape(_B, _G)
    sp = jax.nn.softmax(ga, axis=1)
    st = jax.nn.softmax(targets_ref[...] / 100.0, axis=1)
    lp = jnp.log(sp + 1e-8)
    kl = jnp.sum(st * (jnp.log(st) - lp), axis=1) / _G
    out_ref[...] = jnp.broadcast_to(jnp.mean(kl), (1, 1))


def kernel(inputs_list, targets_list):
    x_t = jnp.transpose(inputs_list, (2, 0, 1))
    partials = _sc_partials(x_t)
    partials = partials.reshape(_NW * _C, 128)
    out = pl.pallas_call(
        _epilogue_body,
        out_shape=jax.ShapeDtypeStruct((1, 1), jnp.float32),
    )(partials, targets_list)
    return out[0, 0]

# --- scband reference (transcript-rebuilt; emitter-appended) ---
"""Pipeline reference for scband-grouped-loss-with-index-map-43739946943230 (READ-ONLY COPY).

The authoritative reference and input builder live on the scoring server;
editing this copy changes nothing except your own understanding.
"""

import jax, jax.numpy as jnp
import numpy as np

B, N, C, G = 16, 8192, 23, 8
# module-level global in the original torch code: classes NOT removed
non_removed_indices = np.arange(20)
index_map = {0: [0, 1, 2], 1: [3, 4, 5], 2: [6, 7, 8], 3: [9, 10, 11], 4: [12, 13, 14], 5: [15, 16, 17], 6: [18, 19], 7: [20, 21, 22]}


def setup_inputs(seed: int = 0) -> dict:
    key = jax.random.key(seed)
    k1, k2 = jax.random.split(key)
    inputs_list = jax.random.normal(k1, (B, N, C), dtype=jnp.float32)
    targets_list = jax.random.uniform(k2, (B, G), dtype=jnp.float32)
    return {"inputs_list": inputs_list, "targets_list": targets_list}


def _class_removed_diff(class_prob_tens):
    weights = class_prob_tens[:, jnp.asarray(non_removed_indices)].sum(axis=1)
    weighted_avg = jnp.einsum('ij,i->j', class_prob_tens, weights)
    return weighted_avg


def _one_loss(inputs, targets):
    probs = jax.nn.softmax(inputs, axis=1)
    group_removed_diff = _class_removed_diff(probs)
    average_probabilities = jnp.zeros((len(index_map),), dtype=inputs.dtype)
    for new_idx, old_indices in index_map.items():
        for old_idx in old_indices:
            average_probabilities = average_probabilities.at[new_idx].add(group_removed_diff[old_idx])
    smoothed_probabilities = jax.nn.softmax(average_probabilities, axis=0)
    t = targets / 100.0
    smoothed_targets = jax.nn.softmax(jnp.squeeze(t), axis=0)
    log_probabilities = jnp.log(smoothed_probabilities + 1e-08)
    # KLDivLoss(reduction='batchmean'): sum(target * (log(target) - input)) / input.shape[0]
    kl = jnp.sum(smoothed_targets * (jnp.log(smoothed_targets) - log_probabilities))
    return kl / log_probabilities.shape[0]


def reference(inputs_list, targets_list):
    batch_losses = [_one_loss(inputs_list[i], targets_list[i]) for i in range(B)]
    return jnp.mean(jnp.stack(batch_losses))

if __name__ == "__main__":
    import jax
    _d = setup_inputs()
    print(jax.jit(kernel)(*tuple(_d.values())))

</pallas_src>

<mosaic_0001>
#map = affine_map<(d0, d1) -> (0, 0, 0)>
#map1 = affine_map<(d0, d1) -> (0)>
module attributes {stable_mosaic.version = 14 : i64} {
  func.func @_sc_partials(%arg0: i32, %arg1: i32, %arg2: memref<23x16x8192xf32, #tpu.memory_space<hbm>>, %arg3: memref<94208xf32, #tpu.memory_space<hbm>>, %arg4: memref<4x23x8x128xf32, #tpu.memory_space<vmem>>, %arg5: memref<2944xf32, #tpu.memory_space<vmem>>, %arg6: memref<!tpu.dma_semaphore, #tpu.memory_space<semaphore_mem>>, %arg7: memref<!tpu.dma_semaphore, #tpu.memory_space<semaphore_mem>>, %arg8: memref<!tpu.dma_semaphore, #tpu.memory_space<semaphore_mem>>, %arg9: memref<!tpu.dma_semaphore, #tpu.memory_space<semaphore_mem>>) attributes {dimension_semantics = [#tpu.dimension_semantics<core_parallel>, #tpu.dimension_semantics<subcore_parallel>], iteration_bounds = array<i64: 2, 16>, scalar_prefetch = 0 : i64, scratch_operands = 6 : i64, tpu.core_type = #tpu.core_type<sc_vector_subcore>, window_params = [{transform_indices = #map}, {transform_indices = #map1}]} {
    %mul3A = arith.constant 16 : i32
    %mul3A_0 = arith.muli %arg0, %mul3A : i32
    %add3A = arith.addi %mul3A_0, %arg1 : i32
    %mul3A_1 = arith.constant 8 : i32
    %mul3A_2 = arith.muli %arg0, %mul3A_1 : i32
    %mul3A_3 = arith.constant 512 : i32
    %mul3A_4 = arith.muli %arg1, %mul3A_3 : i32
    %add3A_5 = arith.constant 0 : i32
    %add3A_6 = arith.addi %mul3A_4, %add3A_5 : i32
    %dma_start3A = arith.constant 0 : i32
    %dma_start3A_7 = arith.constant 0 : i32
    %dma_start3A_8 = arith.constant 0 : i32
    %dma_start3A_9 = arith.constant 0 : i32
    %dma_start3A_10 = tpu.memref_slice %arg4[%dma_start3A, %dma_start3A_7, %dma_start3A_8, %dma_start3A_9] : memref<4x23x8x128xf32, #tpu.memory_space<vmem>> -> memref<1x23x8x128xf32, #tpu.memory_space<vmem>>
    %dma_start3A_11 = tpu.memref_squeeze %dma_start3A_10 : memref<1x23x8x128xf32, #tpu.memory_space<vmem>> -> memref<23x8x128xf32, #tpu.memory_space<vmem>>
    %dma_start3A_12 = arith.constant 0 : i32
    %dma_start3A_13 = tpu.memref_slice %arg2[%dma_start3A_12, %mul3A_2, %add3A_6] : memref<23x16x8192xf32, #tpu.memory_space<hbm>> -> memref<23x8x128xf32, #tpu.memory_space<hbm>>
    %dma_start3A_14 = arith.constant 0 : i32
    %dma_start3A_15 = arith.constant 0 : i32
    %dma_start3A_16 = arith.constant 0 : i32
    %dma_start3A_17 = tpu.memref_slice %arg4[%dma_start3A, %dma_start3A_14, %dma_start3A_15, %dma_start3A_16] : memref<4x23x8x128xf32, #tpu.memory_space<vmem>> -> memref<1x23x8x128xf32, #tpu.memory_space<vmem>>
    %dma_start3A_18 = tpu.memref_squeeze %dma_start3A_17 : memref<1x23x8x128xf32, #tpu.memory_space<vmem>> -> memref<23x8x128xf32, #tpu.memory_space<vmem>>
    %dma_start3A_19 = arith.constant 0 : i32
    %dma_start3A_20 = tpu.memref_slice %arg2[%dma_start3A_19, %mul3A_2, %add3A_6] : memref<23x16x8192xf32, #tpu.memory_space<hbm>> -> memref<23x8x128xf32, #tpu.memory_space<hbm>>
    tpu.enqueue_dma source(%dma_start3A_20 : memref<23x8x128xf32, #tpu.memory_space<hbm>>) target(%dma_start3A_18 : memref<23x8x128xf32, #tpu.memory_space<vmem>>) target_semaphore(%arg6 : memref<!tpu.dma_semaphore, #tpu.memory_space<semaphore_mem>>)
    %mul3A_21 = arith.constant 8 : i32
    %mul3A_22 = arith.muli %arg0, %mul3A_21 : i32
    %mul3A_23 = arith.constant 512 : i32
    %mul3A_24 = arith.muli %arg1, %mul3A_23 : i32
    %add3A_25 = arith.constant 128 : i32
    %add3A_26 = arith.addi %mul3A_24, %add3A_25 : i32
    %dma_start3A_27 = arith.constant 1 : i32
    %dma_start3A_28 = arith.constant 0 : i32
    %dma_start3A_29 = arith.constant 0 : i32
    %dma_start3A_30 = arith.constant 0 : i32
    %dma_start3A_31 = tpu.memref_slice %arg4[%dma_start3A_27, %dma_start3A_28, %dma_start3A_29, %dma_start3A_30] : memref<4x23x8x128xf32, #tpu.memory_space<vmem>> -> memref<1x23x8x128xf32, #tpu.memory_space<vmem>>
    %dma_start3A_32 = tpu.memref_squeeze %dma_start3A_31 : memref<1x23x8x128xf32, #tpu.memory_space<vmem>> -> memref<23x8x128xf32, #tpu.memory_space<vmem>>
    %dma_start3A_33 = arith.constant 0 : i32
    %dma_start3A_34 = tpu.memref_slice %arg2[%dma_start3A_33, %mul3A_22, %add3A_26] : memref<23x16x8192xf32, #tpu.memory_space<hbm>> -> memref<23x8x128xf32, #tpu.memory_space<hbm>>
    %dma_start3A_35 = arith.constant 0 : i32
    %dma_start3A_36 = arith.constant 0 : i32
    %dma_start3A_37 = arith.constant 0 : i32
    %dma_start3A_38 = tpu.memref_slice %arg4[%dma_start3A_27, %dma_start3A_35, %dma_start3A_36, %dma_start3A_37] : memref<4x23x8x128xf32, #tpu.memory_space<vmem>> -> memref<1x23x8x128xf32, #tpu.memory_space<vmem>>
    %dma_start3A_39 = tpu.memref_squeeze %dma_start3A_38 : memref<1x23x8x128xf32, #tpu.memory_space<vmem>> -> memref<23x8x128xf32, #tpu.memory_space<vmem>>
    %dma_start3A_40 = arith.constant 0 : i32
    %dma_start3A_41 = tpu.memref_slice %arg2[%dma_start3A_40, %mul3A_22, %add3A_26] : memref<23x16x8192xf32, #tpu.memory_space<hbm>> -> memref<23x8x128xf32, #tpu.memory_space<hbm>>
    tpu.enqueue_dma source(%dma_start3A_41 : memref<23x8x128xf32, #tpu.memory_space<hbm>>) target(%dma_start3A_39 : memref<23x8x128xf32, #tpu.memory_space<vmem>>) target_semaphore(%arg7 : memref<!tpu.dma_semaphore, #tpu.memory_space<semaphore_mem>>)
    %mul3A_42 = arith.constant 8 : i32
    %mul3A_43 = arith.muli %arg0, %mul3A_42 : i32
    %mul3A_44 = arith.constant 512 : i32
    %mul3A_45 = arith.muli %arg1, %mul3A_44 : i32
    %add3A_46 = arith.constant 256 : i32
    %add3A_47 = arith.addi %mul3A_45, %add3A_46 : i32
    %dma_start3A_48 = arith.constant 2 : i32
    %dma_start3A_49 = arith.constant 0 : i32
    %dma_start3A_50 = arith.constant 0 : i32
    %dma_start3A_51 = arith.constant 0 : i32
    %dma_start3A_52 = tpu.memref_slice %arg4[%dma_start3A_48, %dma_start3A_49, %dma_start3A_50, %dma_start3A_51] : memref<4x23x8x128xf32, #tpu.memory_space<vmem>> -> memref<1x23x8x128xf32, #tpu.memory_space<vmem>>
    %dma_start3A_53 = tpu.memref_squeeze %dma_start3A_52 : memref<1x23x8x128xf32, #tpu.memory_space<vmem>> -> memref<23x8x128xf32, #tpu.memory_space<vmem>>
    %dma_start3A_54 = arith.constant 0 : i32
    %dma_start3A_55 = tpu.memref_slice %arg2[%dma_start3A_54, %mul3A_43, %add3A_47] : memref<23x16x8192xf32, #tpu.memory_space<hbm>> -> memref<23x8x128xf32, #tpu.memory_space<hbm>>
    %dma_start3A_56 = arith.constant 0 : i32
    %dma_start3A_57 = arith.constant 0 : i32
    %dma_start3A_58 = arith.constant 0 : i32
    %dma_start3A_59 = tpu.memref_slice %arg4[%dma_start3A_48, %dma_start3A_56, %dma_start3A_57, %dma_start3A_58] : memref<4x23x8x128xf32, #tpu.memory_space<vmem>> -> memref<1x23x8x128xf32, #tpu.memory_space<vmem>>
    %dma_start3A_60 = tpu.memref_squeeze %dma_start3A_59 : memref<1x23x8x128xf32, #tpu.memory_space<vmem>> -> memref<23x8x128xf32, #tpu.memory_space<vmem>>
    %dma_start3A_61 = arith.constant 0 : i32
    %dma_start3A_62 = tpu.memref_slice %arg2[%dma_start3A_61, %mul3A_43, %add3A_47] : memref<23x16x8192xf32, #tpu.memory_space<hbm>> -> memref<23x8x128xf32, #tpu.memory_space<hbm>>
    tpu.enqueue_dma source(%dma_start3A_62 : memref<23x8x128xf32, #tpu.memory_space<hbm>>) target(%dma_start3A_60 : memref<23x8x128xf32, #tpu.memory_space<vmem>>) target_semaphore(%arg8 : memref<!tpu.dma_semaphore, #tpu.memory_space<semaphore_mem>>)
    %mul3A_63 = arith.constant 8 : i32
    %mul3A_64 = arith.muli %arg0, %mul3A_63 : i32
    %mul3A_65 = arith.constant 512 : i32
    %mul3A_66 = arith.muli %arg1, %mul3A_65 : i32
    %add3A_67 = arith.constant 384 : i32
    %add3A_68 = arith.addi %mul3A_66, %add3A_67 : i32
    %dma_start3A_69 = arith.constant 3 : i32
    %dma_start3A_70 = arith.constant 0 : i32
    %dma_start3A_71 = arith.constant 0 : i32
    %dma_start3A_72 = arith.constant 0 : i32
    %dma_start3A_73 = tpu.memref_slice %arg4[%dma_start3A_69, %dma_start3A_70, %dma_start3A_71, %dma_start3A_72] : memref<4x23x8x128xf32, #tpu.memory_space<vmem>> -> memref<1x23x8x128xf32, #tpu.memory_space<vmem>>
    %dma_start3A_74 = tpu.memref_squeeze %dma_start3A_73 : memref<1x23x8x128xf32, #tpu.memory_space<vmem>> -> memref<23x8x128xf32, #tpu.memory_space<vmem>>
    %dma_start3A_75 = arith.constant 0 : i32
    %dma_start3A_76 = tpu.memref_slice %arg2[%dma_start3A_75, %mul3A_64, %add3A_68] : memref<23x16x8192xf32, #tpu.memory_space<hbm>> -> memref<23x8x128xf32, #tpu.memory_space<hbm>>
    %dma_start3A_77 = arith.constant 0 : i32
    %dma_start3A_78 = arith.constant 0 : i32
    %dma_start3A_79 = arith.constant 0 : i32
    %dma_start3A_80 = tpu.memref_slice %arg4[%dma_start3A_69, %dma_start3A_77, %dma_start3A_78, %dma_start3A_79] : memref<4x23x8x128xf32, #tpu.memory_space<vmem>> -> memref<1x23x8x128xf32, #tpu.memory_space<vmem>>
    %dma_start3A_81 = tpu.memref_squeeze %dma_start3A_80 : memref<1x23x8x128xf32, #tpu.memory_space<vmem>> -> memref<23x8x128xf32, #tpu.memory_space<vmem>>
    %dma_start3A_82 = arith.constant 0 : i32
    %dma_start3A_83 = tpu.memref_slice %arg2[%dma_start3A_82, %mul3A_64, %add3A_68] : memref<23x16x8192xf32, #tpu.memory_space<hbm>> -> memref<23x8x128xf32, #tpu.memory_space<hbm>>
    tpu.enqueue_dma source(%dma_start3A_83 : memref<23x8x128xf32, #tpu.memory_space<hbm>>) target(%dma_start3A_81 : memref<23x8x128xf32, #tpu.memory_space<vmem>>) target_semaphore(%arg9 : memref<!tpu.dma_semaphore, #tpu.memory_space<semaphore_mem>>)
    %broadcast_in_dim3A = arith.constant 0.000000e+00 : f32
    %broadcast_in_dim3A_84 = vector.broadcast %broadcast_in_dim3A : f32 to vector<16xf32>
    %scan3A = arith.constant 0 : i32
    %scan3A_85 = arith.constant 0 : i32
    %scan3A_86 = arith.constant 184 : i32
    %scan3A_87 = arith.addi %scan3A_85, %scan3A_86 : i32
    %scan3A_88 = arith.constant 1 : i32
    %scan3A_89 = scf.for %scan3A_180 = %scan3A_85 to %scan3A_87 step %scan3A_88 iter_args(%scan3A_181 = %scan3A) -> (i32)  : i32 {
      %mul3A_182 = arith.constant 16 : i32
      %mul3A_183 = arith.muli %scan3A_180, %mul3A_182 : i32
      %swap3A = arith.index_cast %mul3A_183 : i32 to index
      %swap3A_184 = tpu.vector_load %arg5[%swap3A] {strides = array<i32>} : memref<2944xf32, #tpu.memory_space<vmem>>, vector<16xf32>,
      tpu.vector_store %arg5[%swap3A], %broadcast_in_dim3A_84 {strides = array<i32>} : memref<2944xf32, #tpu.memory_space<vmem>>, vector<16xf32>,
      %scan3A_185 = arith.constant 0 : i32
      scf.yield %scan3A_185 : i32
    }
    %scan3A_90 = arith.constant 184 : i32
    %dma_wait3A = arith.constant 0 : i32
    %dma_wait3A_91 = arith.constant 0 : i32
    %dma_wait3A_92 = arith.constant 0 : i32
    %dma_wait3A_93 = arith.constant 0 : i32
    %dma_wait3A_94 = tpu.memref_slice %arg4[%dma_wait3A, %dma_wait3A_91, %dma_wait3A_92, %dma_wait3A_93] : memref<4x23x8x128xf32, #tpu.memory_space<vmem>> -> memref<1x23x8x128xf32, #tpu.memory_space<vmem>>
    %dma_wait3A_95 = tpu.memref_squeeze %dma_wait3A_94 : memref<1x23x8x128xf32, #tpu.memory_space<vmem>> -> memref<23x8x128xf32, #tpu.memory_space<vmem>>
    %dma_wait3A_96 = arith.constant 0 : i32
    %dma_wait3A_97 = tpu.memref_slice %arg2[%dma_wait3A_96, %mul3A_2, %add3A_6] : memref<23x16x8192xf32, #tpu.memory_space<hbm>> -> memref<23x8x128xf32, #tpu.memory_space<hbm>>
    %dma_wait3A_98 = arith.constant 0 : i32
    %dma_wait3A_99 = arith.constant 0 : i32
    %dma_wait3A_100 = arith.constant 0 : i32
    %dma_wait3A_101 = tpu.memref_slice %arg4[%dma_wait3A, %dma_wait3A_98, %dma_wait3A_99, %dma_wait3A_100] : memref<4x23x8x128xf32, #tpu.memory_space<vmem>> -> memref<1x23x8x128xf32, #tpu.memory_space<vmem>>
    %dma_wait3A_102 = tpu.memref_squeeze %dma_wait3A_101 : memref<1x23x8x128xf32, #tpu.memory_space<vmem>> -> memref<23x8x128xf32, #tpu.memory_space<vmem>>
    %dma_wait3A_103 = arith.constant 0 : i32
    %dma_wait3A_104 = tpu.memref_slice %arg2[%dma_wait3A_103, %mul3A_2, %add3A_6] : memref<23x16x8192xf32, #tpu.memory_space<hbm>> -> memref<23x8x128xf32, #tpu.memory_space<hbm>>
    tpu.wait_dma2 semaphore(%arg6 : memref<!tpu.dma_semaphore, #tpu.memory_space<semaphore_mem>>) src(%dma_wait3A_104 : memref<23x8x128xf32, #tpu.memory_space<hbm>>) dst(%dma_wait3A_102 : memref<23x8x128xf32, #tpu.memory_space<vmem>>)
    %scan3A_105 = arith.constant 0 : i32
    %scan3A_106 = arith.constant 0 : i32
    %scan3A_107 = arith.constant 64 : i32
    %scan3A_108 = arith.addi %scan3A_106, %scan3A_107 : i32
    %scan3A_109 = arith.constant 1 : i32
    %scan3A_110 = scf.for %scan3A_180 = %scan3A_106 to %scan3A_108 step %scan3A_109 iter_args(%scan3A_181 = %scan3A_105) -> (i32)  : i32 {
      %and3A = arith.constant 7 : i32
      %and3A_182 = arith.andi %scan3A_180, %and3A : i32
      %shift_right_arithmetic3A = arith.constant 3 : i32
      %shift_right_arithmetic3A_183 = arith.shrsi %scan3A_180, %shift_right_arithmetic3A : i32
      %mul3A_184 = arith.constant 16 : i32
      %mul3A_185 = arith.muli %shift_right_arithmetic3A_183, %mul3A_184 : i32
      %get3A = arith.constant 0 : i32
      %get3A_186 = arith.constant 0 : i32
      %get3A_187 = arith.index_cast %get3A : i32 to index
      %get3A_188 = arith.index_cast %get3A_186 : i32 to index
      %get3A_189 = arith.index_cast %and3A_182 : i32 to index
      %get3A_190 = arith.index_cast %mul3A_185 : i32 to index
      %get3A_191 = tpu.vector_load %arg4[%get3A_187, %get3A_188, %get3A_189, %get3A_190] {strides = array<i32>} : memref<4x23x8x128xf32, #tpu.memory_space<vmem>>, vector<16xf32>,
      %exp3A = math.exp %get3A_191 : vector<16xf32>
      %get3A_192 = arith.constant 0 : i32
      %get3A_193 = arith.constant 1 : i32
      %get3A_194 = arith.index_cast %get3A_192 : i32 to index
      %get3A_195 = arith.index_cast %get3A_193 : i32 to index
      %get3A_196 = arith.index_cast %and3A_182 : i32 to index
      %get3A_197 = arith.index_cast %mul3A_185 : i32 to index
      %get3A_198 = tpu.vector_load %arg4[%get3A_194, %get3A_195, %get3A_196, %get3A_197] {strides = array<i32>} : memref<4x23x8x128xf32, #tpu.memory_space<vmem>>, vector<16xf32>,
      %exp3A_199 = math.exp %get3A_198 : vector<16xf32>
      %get3A_200 = arith.constant 0 : i32
      %get3A_201 = arith.constant 2 : i32
      %get3A_202 = arith.index_cast %get3A_200 : i32 to index
      %get3A_203 = arith.index_cast %get3A_201 : i32 to index
      %get3A_204 = arith.index_cast %and3A_182 : i32 to index
      %get3A_205 = arith.index_cast %mul3A_185 : i32 to index
      %get3A_206 = tpu.vector_load %arg4[%get3A_202, %get3A_203, %get3A_204, %get3A_205] {strides = array<i32>} : memref<4x23x8x128xf32, #tpu.memory_space<vmem>>, vector<16xf32>,
      %exp3A_207 = math.exp %get3A_206 : vector<16xf32>
      %get3A_208 = arith.constant 0 : i32
      %get3A_209 = arith.constant 3 : i32
      %get3A_210 = arith.index_cast %get3A_208 : i32 to index
      %get3A_211 = arith.index_cast %get3A_209 : i32 to index
      %get3A_212 = arith.index_cast %and3A_182 : i32 to index
      %get3A_213 = arith.index_cast %mul3A_185 : i32 to index
      %get3A_214 = tpu.vector_load %arg4[%get3A_210, %get3A_211, %get3A_212, %get3A_213] {strides = array<i32>} : memref<4x23x8x128xf32, #tpu.memory_space<vmem>>, vector<16xf32>,
      %exp3A_215 = math.exp %get3A_214 : vector<16xf32>
      %get3A_216 = arith.constant 0 : i32
      %get3A_217 = arith.constant 4 : i32
      %get3A_218 = arith.index_cast %get3A_216 : i32 to index
      %get3A_219 = arith.index_cast %get3A_217 : i32 to index
      %get3A_220 = arith.index_cast %and3A_182 : i32 to index
      %get3A_221 = arith.index_cast %mul3A_185 : i32 to index
      %get3A_222 = tpu.vector_load %arg4[%get3A_218, %get3A_219, %get3A_220, %get3A_221] {strides = array<i32>} : memref<4x23x8x128xf32, #tpu.memory_space<vmem>>, vector<16xf32>,
      %exp3A_223 = math.exp %get3A_222 : vector<16xf32>
      %get3A_224 = arith.constant 0 : i32
      %get3A_225 = arith.constant 5 : i32
      %get3A_226 = arith.index_cast %get3A_224 : i32 to index
      %get3A_227 = arith.index_cast %get3A_225 : i32 to index
      %get3A_228 = arith.index_cast %and3A_182 : i32 to index
      %get3A_229 = arith.index_cast %mul3A_185 : i32 to index
      %get3A_230 = tpu.vector_load %arg4[%get3A_226, %get3A_227, %get3A_228, %get3A_229] {strides = array<i32>} : memref<4x23x8x128xf32, #tpu.memory_space<vmem>>, vector<16xf32>,
      %exp3A_231 = math.exp %get3A_230 : vector<16xf32>
      %get3A_232 = arith.constant 0 : i32
      %get3A_233 = arith.constant 6 : i32
      %get3A_234 = arith.index_cast %get3A_232 : i32 to index
      %get3A_235 = arith.index_cast %get3A_233 : i32 to index
      %get3A_236 = arith.index_cast %and3A_182 : i32 to index
      %get3A_237 = arith.index_cast %mul3A_185 : i32 to index
      %get3A_238 = tpu.vector_load %arg4[%get3A_234, %get3A_235, %get3A_236, %get3A_237] {strides = array<i32>} : memref<4x23x8x128xf32, #tpu.memory_space<vmem>>, vector<16xf32>,
      %exp3A_239 = math.exp %get3A_238 : vector<16xf32>
      %get3A_240 = arith.constant 0 : i32
      %get3A_241 = arith.constant 7 : i32
      %get3A_242 = arith.index_cast %get3A_240 : i32 to index
      %get3A_243 = arith.index_cast %get3A_241 : i32 to index
      %get3A_244 = arith.index_cast %and3A_182 : i32 to index
      %get3A_245 = arith.index_cast %mul3A_185 : i32 to index
      %get3A_246 = tpu.vector_load %arg4[%get3A_242, %get3A_243, %get3A_244, %get3A_245] {strides = array<i32>} : memref<4x23x8x128xf32, #tpu.memory_space<vmem>>, vector<16xf32>,
      %exp3A_247 = math.exp %get3A_246 : vector<16xf32>
      %get3A_248 = arith.constant 0 : i32
      %get3A_249 = arith.constant 8 : i32
      %get3A_250 = arith.index_cast %get3A_248 : i32 to index
      %get3A_251 = arith.index_cast %get3A_249 : i32 to index
      %get3A_252 = arith.index_cast %and3A_182 : i32 to index
      %get3A_253 = arith.index_cast %mul3A_185 : i32 to index
      %get3A_254 = tpu.vector_load %arg4[%get3A_250, %get3A_251, %get3A_252, %get3A_253] {strides = array<i32>} : memref<4x23x8x128xf32, #tpu.memory_space<vmem>>, vector<16xf32>,
      %exp3A_255 = math.exp %get3A_254 : vector<16xf32>
      %get3A_256 = arith.constant 0 : i32
      %get3A_257 = arith.constant 9 : i32
      %get3A_258 = arith.index_cast %get3A_256 : i32 to index
      %get3A_259 = arith.index_cast %get3A_257 : i32 to index
      %get3A_260 = arith.index_cast %and3A_182 : i32 to index
      %get3A_261 = arith.index_cast %mul3A_185 : i32 to index
      %get3A_262 = tpu.vector_load %arg4[%get3A_258, %get3A_259, %get3A_260, %get3A_261] {strides = array<i32>} : memref<4x23x8x128xf32, #tpu.memory_space<vmem>>, vector<16xf32>,
      %exp3A_263 = math.exp %get3A_262 : vector<16xf32>
      %get3A_264 = arith.constant 0 : i32
      %get3A_265 = arith.constant 10 : i32
      %get3A_266 = arith.index_cast %get3A_264 : i32 to index
      %get3A_267 = arith.index_cast %get3A_265 : i32 to index
      %get3A_268 = arith.index_cast %and3A_182 : i32 to index
      %get3A_269 = arith.index_cast %mul3A_185 : i32 to index
      %get3A_270 = tpu.vector_load %arg4[%get3A_266, %get3A_267, %get3A_268, %get3A_269] {strides = array<i32>} : memref<4x23x8x128xf32, #tpu.memory_space<vmem>>, vector<16xf32>,
      %exp3A_271 = math.exp %get3A_270 : vector<16xf32>
      %get3A_272 = arith.constant 0 : i32
      %get3A_273 = arith.constant 11 : i32
      %get3A_274 = arith.index_cast %get3A_272 : i32 to index
      %get3A_275 = arith.index_cast %get3A_273 : i32 to index
      %get3A_276 = arith.index_cast %and3A_182 : i32 to index
      %get3A_277 = arith.index_cast %mul3A_185 : i32 to index
      %get3A_278 = tpu.vector_load %arg4[%get3A_274, %get3A_275, %get3A_276, %get3A_277] {strides = array<i32>} : memref<4x23x8x128xf32, #tpu.memory_space<vmem>>, vector<16xf32>,
      %exp3A_279 = math.exp %get3A_278 : vector<16xf32>
      %get3A_280 = arith.constant 0 : i32
      %get3A_281 = arith.constant 12 : i32
      %get3A_282 = arith.index_cast %get3A_280 : i32 to index
      %get3A_283 = arith.index_cast %get3A_281 : i32 to index
      %get3A_284 = arith.index_cast %and3A_182 : i32 to index
      %get3A_285 = arith.index_cast %mul3A_185 : i32 to index
      %get3A_286 = tpu.vector_load %arg4[%get3A_282, %get3A_283, %get3A_284, %get3A_285] {strides = array<i32>} : memref<4x23x8x128xf32, #tpu.memory_space<vmem>>, vector<16xf32>,
      %exp3A_287 = math.exp %get3A_286 : vector<16xf32>
      %get3A_288 = arith.constant 0 : i32
      %get3A_289 = arith.constant 13 : i32
      %get3A_290 = arith.index_cast %get3A_288 : i32 to index
      %get3A_291 = arith.index_cast %get3A_289 : i32 to index
      %get3A_292 = arith.index_cast %and3A_182 : i32 to index
      %get3A_293 = arith.index_cast %mul3A_185 : i32 to index
      %get3A_294 = tpu.vector_load %arg4[%get3A_290, %get3A_291, %get3A_292, %get3A_293] {strides = array<i32>} : memref<4x23x8x128xf32, #tpu.memory_space<vmem>>, vector<16xf32>,
      %exp3A_295 = math.exp %get3A_294 : vector<16xf32>
      %get3A_296 = arith.constant 0 : i32
      %get3A_297 = arith.constant 14 : i32
      %get3A_298 = arith.index_cast %get3A_296 : i32 to index
      %get3A_299 = arith.index_cast %get3A_297 : i32 to index
      %get3A_300 = arith.index_cast %and3A_182 : i32 to index
      %get3A_301 = arith.index_cast %mul3A_185 : i32 to index
      %get3A_302 = tpu.vector_load %arg4[%get3A_298, %get3A_299, %get3A_300, %get3A_301] {strides = array<i32>} : memref<4x23x8x128xf32, #tpu.memory_space<vmem>>, vector<16xf32>,
      %exp3A_303 = math.exp %get3A_302 : vector<16xf32>
      %get3A_304 = arith.constant 0 : i32
      %get3A_305 = arith.constant 15 : i32
      %get3A_306 = arith.index_cast %get3A_304 : i32 to index
      %get3A_307 = arith.index_cast %get3A_305 : i32 to index
      %get3A_308 = arith.index_cast %and3A_182 : i32 to index
      %get3A_309 = arith.index_cast %mul3A_185 : i32 to index
      %get3A_310 = tpu.vector_load %arg4[%get3A_306, %get3A_307, %get3A_308, %get3A_309] {strides = array<i32>} : memref<4x23x8x128xf32, #tpu.memory_space<vmem>>, vector<16xf32>,
      %exp3A_311 = math.exp %get3A_310 : vector<16xf32>
      %get3A_312 = arith.constant 0 : i32
      %get3A_313 = arith.constant 16 : i32
      %get3A_314 = arith.index_cast %get3A_312 : i32 to index
      %get3A_315 = arith.index_cast %get3A_313 : i32 to index
      %get3A_316 = arith.index_cast %and3A_182 : i32 to index
      %get3A_317 = arith.index_cast %mul3A_185 : i32 to index
      %get3A_318 = tpu.vector_load %arg4[%get3A_314, %get3A_315, %get3A_316, %get3A_317] {strides = array<i32>} : memref<4x23x8x128xf32, #tpu.memory_space<vmem>>, vector<16xf32>,
      %exp3A_319 = math.exp %get3A_318 : vector<16xf32>
      %get3A_320 = arith.constant 0 : i32
      %get3A_321 = arith.constant 17 : i32
      %get3A_322 = arith.index_cast %get3A_320 : i32 to index
      %get3A_323 = arith.index_cast %get3A_321 : i32 to index
      %get3A_324 = arith.index_cast %and3A_182 : i32 to index
      %get3A_325 = arith.index_cast %mul3A_185 : i32 to index
      %get3A_326 = tpu.vector_load %arg4[%get3A_322, %get3A_323, %get3A_324, %get3A_325] {strides = array<i32>} : memref<4x23x8x128xf32, #tpu.memory_space<vmem>>, vector<16xf32>,
      %exp3A_327 = math.exp %get3A_326 : vector<16xf32>
      %get3A_328 = arith.constant 0 : i32
      %get3A_329 = arith.constant 18 : i32
      %get3A_330 = arith.index_cast %get3A_328 : i32 to index
      %get3A_331 = arith.index_cast %get3A_329 : i32 to index
      %get3A_332 = arith.index_cast %and3A_182 : i32 to index
      %get3A_333 = arith.index_cast %mul3A_185 : i32 to index
      %get3A_334 = tpu.vector_load %arg4[%get3A_330, %get3A_331, %get3A_332, %get3A_333] {strides = array<i32>} : memref<4x23x8x128xf32, #tpu.memory_space<vmem>>, vector<16xf32>,
      %exp3A_335 = math.exp %get3A_334 : vector<16xf32>
      %get3A_336 = arith.constant 0 : i32
      %get3A_337 = arith.constant 19 : i32
      %get3A_338 = arith.index_cast %get3A_336 : i32 to index
      %get3A_339 = arith.index_cast %get3A_337 : i32 to index
      %get3A_340 = arith.index_cast %and3A_182 : i32 to index
      %get3A_341 = arith.index_cast %mul3A_185 : i32 to index
      %get3A_342 = tpu.vector_load %arg4[%get3A_338, %get3A_339, %get3A_340, %get3A_341] {strides = array<i32>} : memref<4x23x8x128xf32, #tpu.memory_space<vmem>>, vector<16xf32>,
      %exp3A_343 = math.exp %get3A_342 : vector<16xf32>
      %get3A_344 = arith.constant 0 : i32
      %get3A_345 = arith.constant 20 : i32
      %get3A_346 = arith.index_cast %get3A_344 : i32 to index
      %get3A_347 = arith.index_cast %get3A_345 : i32 to index
      %get3A_348 = arith.index_cast %and3A_182 : i32 to index
      %get3A_349 = arith.index_cast %mul3A_185 : i32 to index
      %get3A_350 = tpu.vector_load %arg4[%get3A_346, %get3A_347, %get3A_348, %get3A_349] {strides = array<i32>} : memref<4x23x8x128xf32, #tpu.memory_space<vmem>>, vector<16xf32>,
      %exp3A_351 = math.exp %get3A_350 : vector<16xf32>
      %get3A_352 = arith.constant 0 : i32
      %get3A_353 = arith.constant 21 : i32
      %get3A_354 = arith.index_cast %get3A_352 : i32 to index
      %get3A_355 = arith.index_cast %get3A_353 : i32 to index
      %get3A_356 = arith.index_cast %and3A_182 : i32 to index
      %get3A_357 = arith.index_cast %mul3A_185 : i32 to index
      %get3A_358 = tpu.vector_load %arg4[%get3A_354, %get3A_355, %get3A_356, %get3A_357] {strides = array<i32>} : memref<4x23x8x128xf32, #tpu.memory_space<vmem>>, vector<16xf32>,
      %exp3A_359 = math.exp %get3A_358 : vector<16xf32>
      %get3A_360 = arith.constant 0 : i32
      %get3A_361 = arith.constant 22 : i32
      %get3A_362 = arith.index_cast %get3A_360 : i32 to index
      %get3A_363 = arith.index_cast %get3A_361 : i32 to index
      %get3A_364 = arith.index_cast %and3A_182 : i32 to index
      %get3A_365 = arith.index_cast %mul3A_185 : i32 to index
      %get3A_366 = tpu.vector_load %arg4[%get3A_362, %get3A_363, %get3A_364, %get3A_365] {strides = array<i32>} : memref<4x23x8x128xf32, #tpu.memory_space<vmem>>, vector<16xf32>,
      %exp3A_367 = math.exp %get3A_366 : vector<16xf32>
      %add3A_368 = arith.addf %exp3A_351, %exp3A_359 : vector<16xf32>
      %add3A_369 = arith.addf %add3A_368, %exp3A_367 : vector<16xf32>
      %add3A_370 = arith.addf %exp3A, %exp3A_199 : vector<16xf32>
      %add3A_371 = arith.addf %exp3A_207, %exp3A_215 : vector<16xf32>
      %add3A_372 = arith.addf %exp3A_223, %exp3A_231 : vector<16xf32>
      %add3A_373 = arith.addf %exp3A_239, %exp3A_247 : vector<16xf32>
      %add3A_374 = arith.addf %exp3A_255, %exp3A_263 : vector<16xf32>
      %add3A_375 = arith.addf %exp3A_271, %exp3A_279 : vector<16xf32>
      %add3A_376 = arith.addf %exp3A_287, %exp3A_295 : vector<16xf32>
      %add3A_377 = arith.addf %exp3A_303, %exp3A_311 : vector<16xf32>
      %add3A_378 = arith.addf %exp3A_319, %exp3A_327 : vector<16xf32>
      %add3A_379 = arith.addf %exp3A_335, %exp3A_343 : vector<16xf32>
      %add3A_380 = arith.addf %add3A_370, %add3A_371 : vector<16xf32>
      %add3A_381 = arith.addf %add3A_372, %add3A_373 : vector<16xf32>
      %add3A_382 = arith.addf %add3A_374, %add3A_375 : vector<16xf32>
      %add3A_383 = arith.addf %add3A_376, %add3A_377 : vector<16xf32>
      %add3A_384 = arith.addf %add3A_378, %add3A_379 : vector<16xf32>
      %add3A_385 = arith.addf %add3A_380, %add3A_381 : vector<16xf32>
      %add3A_386 = arith.addf %add3A_382, %add3A_383 : vector<16xf32>
      %add3A_387 = arith.addf %add3A_385, %add3A_386 : vector<16xf32>
      %add3A_388 = arith.addf %add3A_387, %add3A_384 : vector<16xf32>
      %add3A_389 = arith.addf %add3A_388, %add3A_369 : vector<16xf32>
      %sub3A = arith.subf %add3A_389, %add3A_369 : vector<16xf32>
      %mul3A_390 = arith.mulf %add3A_389, %add3A_389 : vector<16xf32>
      %div3A = arith.divf %sub3A, %mul3A_390 : vector<16xf32>
      %mul3A_391 = arith.constant 16 : i32
      %mul3A_392 = arith.muli %and3A_182, %mul3A_391 : i32
      %add3A_393 = arith.constant 0 : i32
      %add3A_394 = arith.addi %add3A_393, %mul3A_392 : i32
      %mul3A_395 = arith.mulf %exp3A, %div3A : vector<16xf32>
      %swap3A = arith.index_cast %add3A_394 : i32 to index
      %swap3A_396 = tpu.vector_load %arg5[%swap3A] {strides = array<i32>} : memref<2944xf32, #tpu.memory_space<vmem>>, vector<16xf32>,
      tpu.vector_store %arg5[%swap3A], %mul3A_395 {add = true, strides = array<i32>} : memref<2944xf32, #tpu.memory_space<vmem>>, vector<16xf32>,
      %mul3A_397 = arith.constant 16 : i32
      %mul3A_398 = arith.muli %and3A_182, %mul3A_397 : i32
      %add3A_399 = arith.constant 128 : i32
      %add3A_400 = arith.addi %add3A_399, %mul3A_398 : i32
      %mul3A_401 = arith.mulf %exp3A_199, %div3A : vector<16xf32>
      %swap3A_402 = arith.index_cast %add3A_400 : i32 to index
      %swap3A_403 = tpu.vector_load %arg5[%swap3A_402] {strides = array<i32>} : memref<2944xf32, #tpu.memory_space<vmem>>, vector<16xf32>,
      tpu.vector_store %arg5[%swap3A_402], %mul3A_401 {add = true, strides = array<i32>} : memref<2944xf32, #tpu.memory_space<vmem>>, vector<16xf32>,
      %mul3A_404 = arith.constant 16 : i32
      %mul3A_405 = arith.muli %and3A_182, %mul3A_404 : i32
      %add3A_406 = arith.constant 256 : i32
      %add3A_407 = arith.addi %add3A_406, %mul3A_405 : i32
      %mul3A_408 = arith.mulf %exp3A_207, %div3A : vector<16xf32>
      %swap3A_409 = arith.index_cast %add3A_407 : i32 to index
      %swap3A_410 = tpu.vector_load %arg5[%swap3A_409] {strides = array<i32>} : memref<2944xf32, #tpu.memory_space<vmem>>, vector<16xf32>,
      tpu.vector_store %arg5[%swap3A_409], %mul3A_408 {add = true, strides = array<i32>} : memref<2944xf32, #tpu.memory_space<vmem>>, vector<16xf32>,
      %mul3A_411 = arith.constant 16 : i32
      %mul3A_412 = arith.muli %and3A_182, %mul3A_411 : i32
      %add3A_413 = arith.constant 384 : i32
      %add3A_414 = arith.addi %add3A_413, %mul3A_412 : i32
      %mul3A_415 = arith.mulf %exp3A_215, %div3A : vector<16xf32>
      %swap3A_416 = arith.index_cast %add3A_414 : i32 to index
      %swap3A_417 = tpu.vector_load %arg5[%swap3A_416] {strides = array<i32>} : memref<2944xf32, #tpu.memory_space<vmem>>, vector<16xf32>,
      tpu.vector_store %arg5[%swap3A_416], %mul3A_415 {add = true, strides = array<i32>} : memref<2944xf32, #tpu.memory_space<vmem>>, vector<16xf32>,
      %mul3A_418 = arith.constant 16 : i32
      %mul3A_419 = arith.muli %and3A_182, %mul3A_418 : i32
      %add3A_420 = arith.constant 512 : i32
      %add3A_421 = arith.addi %add3A_420, %mul3A_419 : i32
      %mul3A_422 = arith.mulf %exp3A_223, %div3A : vector<16xf32>
      %swap3A_423 = arith.index_cast %add3A_421 : i32 to index
      %swap3A_424 = tpu.vector_load %arg5[%swap3A_423] {strides = array<i32>} : memref<2944xf32, #tpu.memory_space<vmem>>, vector<16xf32>,
      tpu.vector_store %arg5[%swap3A_423], %mul3A_422 {add = true, strides = array<i32>} : memref<2944xf32, #tpu.memory_space<vmem>>, vector<16xf32>,
      %mul3A_425 = arith.constant 16 : i32
      %mul3A_426 = arith.muli %and3A_182, %mul3A_425 : i32
      %add3A_427 = arith.constant 640 : i32
      %add3A_428 = arith.addi %add3A_427, %mul3A_426 : i32
      %mul3A_429 = arith.mulf %exp3A_231, %div3A : vector<16xf32>
      %swap3A_430 = arith.index_cast %add3A_428 : i32 to index
      %swap3A_431 = tpu.vector_load %arg5[%swap3A_430] {strides = array<i32>} : memref<2944xf32, #tpu.memory_space<vmem>>, vector<16xf32>,
      tpu.vector_store %arg5[%swap3A_430], %mul3A_429 {add = true, strides = array<i32>} : memref<2944xf32, #tpu.memory_space<vmem>>, vector<16xf32>,
      %mul3A_432 = arith.constant 16 : i32
      %mul3A_433 = arith.muli %and3A_182, %mul3A_432 : i32
      %add3A_434 = arith.constant 768 : i32
      %add3A_435 = arith.addi %add3A_434, %mul3A_433 : i32
      %mul3A_436 = arith.mulf %exp3A_239, %div3A : vector<16xf32>
      %swap3A_437 = arith.index_cast %add3A_435 : i32 to index
      %swap3A_438 = tpu.vector_load %arg5[%swap3A_437] {strides = array<i32>} : memref<2944xf32, #tpu.memory_space<vmem>>, vector<16xf32>,
      tpu.vector_store %arg5[%swap3A_437], %mul3A_436 {add = true, strides = array<i32>} : memref<2944xf32, #tpu.memory_space<vmem>>, vector<16xf32>,
      %mul3A_439 = arith.constant 16 : i32
      %mul3A_440 = arith.muli %and3A_182, %mul3A_439 : i32
      %add3A_441 = arith.constant 896 : i32
      %add3A_442 = arith.addi %add3A_441, %mul3A_440 : i32
      %mul3A_443 = arith.mulf %exp3A_247, %div3A : vector<16xf32>
      %swap3A_444 = arith.index_cast %add3A_442 : i32 to index
      %swap3A_445 = tpu.vector_load %arg5[%swap3A_444] {strides = array<i32>} : memref<2944xf32, #tpu.memory_space<vmem>>, vector<16xf32>,
      tpu.vector_store %arg5[%swap3A_444], %mul3A_443 {add = true, strides = array<i32>} : memref<2944xf32, #tpu.memory_space<vmem>>, vector<16xf32>,
      %mul3A_446 = arith.constant 16 : i32
      %mul3A_447 = arith.muli %and3A_182, %mul3A_446 : i32
      %add3A_448 = arith.constant 1024 : i32
      %add3A_449 = arith.addi %add3A_448, %mul3A_447 : i32
      %mul3A_450 = arith.mulf %exp3A_255, %div3A : vector<16xf32>
      %swap3A_451 = arith.index_cast %add3A_449 : i32 to index
      %swap3A_452 = tpu.vector_load %arg5[%swap3A_451] {strides = array<i32>} : memref<2944xf32, #tpu.memory_space<vmem>>, vector<16xf32>,
      tpu.vector_store %arg5[%swap3A_451], %mul3A_450 {add = true, strides = array<i32>} : memref<2944xf32, #tpu.memory_space<vmem>>, vector<16xf32>,
      %mul3A_453 = arith.constant 16 : i32
      %mul3A_454 = arith.muli %and3A_182, %mul3A_453 : i32
      %add3A_455 = arith.constant 1152 : i32
      %add3A_456 = arith.addi %add3A_455, %mul3A_454 : i32
      %mul3A_457 = arith.mulf %exp3A_263, %div3A : vector<16xf32>
      %swap3A_458 = arith.index_cast %add3A_456 : i32 to index
      %swap3A_459 = tpu.vector_load %arg5[%swap3A_458] {strides = array<i32>} : memref<2944xf32, #tpu.memory_space<vmem>>, vector<16xf32>,
      tpu.vector_store %arg5[%swap3A_458], %mul3A_457 {add = true, strides = array<i32>} : memref<2944xf32, #tpu.memory_space<vmem>>, vector<16xf32>,
      %mul3A_460 = arith.constant 16 : i32
      %mul3A_461 = arith.muli %and3A_182, %mul3A_460 : i32
      %add3A_462 = arith.constant 1280 : i32
      %add3A_463 = arith.addi %add3A_462, %mul3A_461 : i32
      %mul3A_464 = arith.mulf %exp3A_271, %div3A : vector<16xf32>
      %swap3A_465 = arith.index_cast %add3A_463 : i32 to index
      %swap3A_466 = tpu.vector_load %arg5[%swap3A_465] {strides = array<i32>} : memref<2944xf32, #tpu.memory_space<vmem>>, vector<16xf32>,
      tpu.vector_store %arg5[%swap3A_465], %mul3A_464 {add = true, strides = array<i32>} : memref<2944xf32, #tpu.memory_space<vmem>>, vector<16xf32>,
      %mul3A_467 = arith.constant 16 : i32
      %mul3A_468 = arith.muli %and3A_182, %mul3A_467 : i32
      %add3A_469 = arith.constant 1408 : i32
      %add3A_470 = arith.addi %add3A_469, %mul3A_468 : i32
      %mul3A_471 = arith.mulf %exp3A_279, %div3A : vector<16xf32>
      %swap3A_472 = arith.index_cast %add3A_470 : i32 to index
      %swap3A_473 = tpu.vector_load %arg5[%swap3A_472] {strides = array<i32>} : memref<2944xf32, #tpu.memory_space<vmem>>, vector<16xf32>,
      tpu.vector_store %arg5[%swap3A_472], %mul3A_471 {add = true, strides = array<i32>} : memref<2944xf32, #tpu.memory_space<vmem>>, vector<16xf32>,
      %mul3A_474 = arith.constant 16 : i32
      %mul3A_475 = arith.muli %and3A_182, %mul3A_474 : i32
      %add3A_476 = arith.constant 1536 : i32
      %add3A_477 = arith.addi %add3A_476, %mul3A_475 : i32
      %mul3A_478 = arith.mulf %exp3A_287, %div3A : vector<16xf32>
      %swap3A_479 = arith.index_cast %add3A_477 : i32 to index
      %swap3A_480 = tpu.vector_load %arg5[%swap3A_479] {strides = array<i32>} : memref<2944xf32, #tpu.memory_space<vmem>>, vector<16xf32>,
      tpu.vector_store %arg5[%swap3A_479], %mul3A_478 {add = true, strides = array<i32>} : memref<2944xf32, #tpu.memory_space<vmem>>, vector<16xf32>,
      %mul3A_481 = arith.constant 16 : i32
      %mul3A_482 = arith.muli %and3A_182, %mul3A_481 : i32
      %add3A_483 = arith.constant 1664 : i32
      %add3A_484 = arith.addi %add3A_483, %mul3A_482 : i32
      %mul3A_485 = arith.mulf %exp3A_295, %div3A : vector<16xf32>
      %swap3A_486 = arith.index_cast %add3A_484 : i32 to index
      %swap3A_487 = tpu.vector_load %arg5[%swap3A_486] {strides = array<i32>} : memref<2944xf32, #tpu.memory_space<vmem>>, vector<16xf32>,
      tpu.vector_store %arg5[%swap3A_486], %mul3A_485 {add = true, strides = array<i32>} : memref<2944xf32, #tpu.memory_space<vmem>>, vector<16xf32>,
      %mul3A_488 = arith.constant 16 : i32
      %mul3A_489 = arith.muli %and3A_182, %mul3A_488 : i32
      %add3A_490 = arith.constant 1792 : i32
      %add3A_491 = arith.addi %add3A_490, %mul3A_489 : i32
      %mul3A_492 = arith.mulf %exp3A_303, %div3A : vector<16xf32>
      %swap3A_493 = arith.index_cast %add3A_491 : i32 to index
      %swap3A_494 = tpu.vector_load %arg5[%swap3A_493] {strides = array<i32>} : memref<2944xf32, #tpu.memory_space<vmem>>, vector<16xf32>,
      tpu.vector_store %arg5[%swap3A_493], %mul3A_492 {add = true, strides = array<i32>} : memref<2944xf32, #tpu.memory_space<vmem>>, vector<16xf32>,
      %mul3A_495 = arith.constant 16 : i32
      %mul3A_496 = arith.muli %and3A_182, %mul3A_495 : i32
      %add3A_497 = arith.constant 1920 : i32
      %add3A_498 = arith.addi %add3A_497, %mul3A_496 : i32
      %mul3A_499 = arith.mulf %exp3A_311, %div3A : vector<16xf32>
      %swap3A_500 = arith.index_cast %add3A_498 : i32 to index
      %swap3A_501 = tpu.vector_load %arg5[%swap3A_500] {strides = array<i32>} : memref<2944xf32, #tpu.memory_space<vmem>>, vector<16xf32>,
      tpu.vector_store %arg5[%swap3A_500], %mul3A_499 {add = true, strides = array<i32>} : memref<2944xf32, #tpu.memory_space<vmem>>, vector<16xf32>,
      %mul3A_502 = arith.constant 16 : i32
      %mul3A_503 = arith.muli %and3A_182, %mul3A_502 : i32
      %add3A_504 = arith.constant 2048 : i32
      %add3A_505 = arith.addi %add3A_504, %mul3A_503 : i32
      %mul3A_506 = arith.mulf %exp3A_319, %div3A : vector<16xf32>
      %swap3A_507 = arith.index_cast %add3A_505 : i32 to index
      %swap3A_508 = tpu.vector_load %arg5[%swap3A_507] {strides = array<i32>} : memref<2944xf32, #tpu.memory_space<vmem>>, vector<16xf32>,
      tpu.vector_store %arg5[%swap3A_507], %mul3A_506 {add = true, strides = array<i32>} : memref<2944xf32, #tpu.memory_space<vmem>>, vector<16xf32>,
      %mul3A_509 = arith.constant 16 : i32
      %mul3A_510 = arith.muli %and3A_182, %mul3A_509 : i32
      %add3A_511 = arith.constant 2176 : i32
      %add3A_512 = arith.addi %add3A_511, %mul3A_510 : i32
      %mul3A_513 = arith.mulf %exp3A_327, %div3A : vector<16xf32>
      %swap3A_514 = arith.index_cast %add3A_512 : i32 to index
      %swap3A_515 = tpu.vector_load %arg5[%swap3A_514] {strides = array<i32>} : memref<2944xf32, #tpu.memory_space<vmem>>, vector<16xf32>,
      tpu.vector_store %arg5[%swap3A_514], %mul3A_513 {add = true, strides = array<i32>} : memref<2944xf32, #tpu.memory_space<vmem>>, vector<16xf32>,
      %mul3A_516 = arith.constant 16 : i32
      %mul3A_517 = arith.muli %and3A_182, %mul3A_516 : i32
      %add3A_518 = arith.constant 2304 : i32
      %add3A_519 = arith.addi %add3A_518, %mul3A_517 : i32
      %mul3A_520 = arith.mulf %exp3A_335, %div3A : vector<16xf32>
      %swap3A_521 = arith.index_cast %add3A_519 : i32 to index
      %swap3A_522 = tpu.vector_load %arg5[%swap3A_521] {strides = array<i32>} : memref<2944xf32, #tpu.memory_space<vmem>>, vector<16xf32>,
      tpu.vector_store %arg5[%swap3A_521], %mul3A_520 {add = true, strides = array<i32>} : memref<2944xf32, #tpu.memory_space<vmem>>, vector<16xf32>,
      %mul3A_523 = arith.constant 16 : i32
      %mul3A_524 = arith.muli %and3A_182, %mul3A_523 : i32
      %add3A_525 = arith.constant 2432 : i32
      %add3A_526 = arith.addi %add3A_525, %mul3A_524 : i32
      %mul3A_527 = arith.mulf %exp3A_343, %div3A : vector<16xf32>
      %swap3A_528 = arith.index_cast %add3A_526 : i32 to index
      %swap3A_529 = tpu.vector_load %arg5[%swap3A_528] {strides = array<i32>} : memref<2944xf32, #tpu.memory_space<vmem>>, vector<16xf32>,
      tpu.vector_store %arg5[%swap3A_528], %mul3A_527 {add = true, strides = array<i32>} : memref<2944xf32, #tpu.memory_space<vmem>>, vector<16xf32>,
      %mul3A_530 = arith.constant 16 : i32
      %mul3A_531 = arith.muli %and3A_182, %mul3A_530 : i32
      %add3A_532 = arith.constant 2560 : i32
      %add3A_533 = arith.addi %add3A_532, %mul3A_531 : i32
      %mul3A_534 = arith.mulf %exp3A_351, %div3A : vector<16xf32>
      %swap3A_535 = arith.index_cast %add3A_533 : i32 to index
      %swap3A_536 = tpu.vector_load %arg5[%swap3A_535] {strides = array<i32>} : memref<2944xf32, #tpu.memory_space<vmem>>, vector<16xf32>,
      tpu.vector_store %arg5[%swap3A_535], %mul3A_534 {add = true, strides = array<i32>} : memref<2944xf32, #tpu.memory_space<vmem>>, vector<16xf32>,
      %mul3A_537 = arith.constant 16 : i32
      %mul3A_538 = arith.muli %and3A_182, %mul3A_537 : i32
      %add3A_539 = arith.constant 2688 : i32
      %add3A_540 = arith.addi %add3A_539, %mul3A_538 : i32
      %mul3A_541 = arith.mulf %exp3A_359, %div3A : vector<16xf32>
      %swap3A_542 = arith.index_cast %add3A_540 : i32 to index
      %swap3A_543 = tpu.vector_load %arg5[%swap3A_542] {strides = array<i32>} : memref<2944xf32, #tpu.memory_space<vmem>>, vector<16xf32>,
      tpu.vector_store %arg5[%swap3A_542], %mul3A_541 {add = true, strides = array<i32>} : memref<2944xf32, #tpu.memory_space<vmem>>, vector<16xf32>,
      %mul3A_544 = arith.constant 16 : i32
      %mul3A_545 = arith.muli %and3A_182, %mul3A_544 : i32
      %add3A_546 = arith.constant 2816 : i32
      %add3A_547 = arith.addi %add3A_546, %mul3A_545 : i32
      %mul3A_548 = arith.mulf %exp3A_367, %div3A : vector<16xf32>
      %swap3A_549 = arith.index_cast %add3A_547 : i32 to index
      %swap3A_550 = tpu.vector_load %arg5[%swap3A_549] {strides = array<i32>} : memref<2944xf32, #tpu.memory_space<vmem>>, vector<16xf32>,
      tpu.vector_store %arg5[%swap3A_549], %mul3A_548 {add = true, strides = array<i32>} : memref<2944xf32, #tpu.memory_space<vmem>>, vector<16xf32>,
      %scan3A_551 = arith.constant 0 : i32
      scf.yield %scan3A_551 : i32
    }
    %scan3A_111 = arith.constant 64 : i32
    %dma_wait3A_112 = arith.constant 1 : i32
    %dma_wait3A_113 = arith.constant 0 : i32
    %dma_wait3A_114 = arith.constant 0 : i32
    %dma_wait3A_115 = arith.constant 0 : i32
    %dma_wait3A_116 = tpu.memref_slice %arg4[%dma_wait3A_112, %dma_wait3A_113, %dma_wait3A_114, %dma_wait3A_115] : memref<4x23x8x128xf32, #tpu.memory_space<vmem>> -> memref<1x23x8x128xf32, #tpu.memory_space<vmem>>
    %dma_wait3A_117 = tpu.memref_squeeze %dma_wait3A_116 : memref<1x23x8x128xf32, #tpu.memory_space<vmem>> -> memref<23x8x128xf32, #tpu.memory_space<vmem>>
    %dma_wait3A_118 = arith.constant 0 : i32
    %dma_wait3A_119 = tpu.memref_slice %arg2[%dma_wait3A_118, %mul3A_22, %add3A_26] : memref<23x16x8192xf32, #tpu.memory_space<hbm>> -> memref<23x8x128xf32, #tpu.memory_space<hbm>>
    %dma_wait3A_120 = arith.constant 0 : i32
    %dma_wait3A_121 = arith.constant 0 : i32
    %dma_wait3A_122 = arith.constant 0 : i32
    %dma_wait3A_123 = tpu.memref_slice %arg4[%dma_wait3A_112, %dma_wait3A_120, %dma_wait3A_121, %dma_wait3A_122] : memref<4x23x8x128xf32, #tpu.memory_space<vmem>> -> memref<1x23x8x128xf32, #tpu.memory_space<vmem>>
    %dma_wait3A_124 = tpu.memref_squeeze %dma_wait3A_123 : memref<1x23x8x128xf32, #tpu.memory_space<vmem>> -> memref<23x8x128xf32, #tpu.memory_space<vmem>>
    %dma_wait3A_125 = arith.constant 0 : i32
    %dma_wait3A_126 = tpu.memref_slice %arg2[%dma_wait3A_125, %mul3A_22, %add3A_26] : memref<23x16x8192xf32, #tpu.memory_space<hbm>> -> memref<23x8x128xf32, #tpu.memory_space<hbm>>
    tpu.wait_dma2 semaphore(%arg7 : memref<!tpu.dma_semaphore, #tpu.memory_space<semaphore_mem>>) src(%dma_wait3A_126 : memref<23x8x128xf32, #tpu.memory_space<hbm>>) dst(%dma_wait3A_124 : memref<23x8x128xf32, #tpu.memory_space<vmem>>)
    %scan3A_127 = arith.constant 0 : i32
    %scan3A_128 = arith.constant 0 : i32
    %scan3A_129 = arith.constant 64 : i32
    %scan3A_130 = arith.addi %scan3A_128, %scan3A_129 : i32
    %scan3A_131 = arith.constant 1 : i32
    %scan3A_132 = scf.for %scan3A_180 = %scan3A_128 to %scan3A_130 step %scan3A_131 iter_args(%scan3A_181 = %scan3A_127) -> (i32)  : i32 {
      %and3A = arith.constant 7 : i32
      %and3A_182 = arith.andi %scan3A_180, %and3A : i32
      %shift_right_arithmetic3A = arith.constant 3 : i32
      %shift_right_arithmetic3A_183 = arith.shrsi %scan3A_180, %shift_right_arithmetic3A : i32
      %mul3A_184 = arith.constant 16 : i32
      %mul3A_185 = arith.muli %shift_right_arithmetic3A_183, %mul3A_184 : i32
      %get3A = arith.constant 1 : i32
      %get3A_186 = arith.constant 0 : i32
      %get3A_187 = arith.index_cast %get3A : i32 to index
      %get3A_188 = arith.index_cast %get3A_186 : i32 to index
      %get3A_189 = arith.index_cast %and3A_182 : i32 to index
      %get3A_190 = arith.index_cast %mul3A_185 : i32 to index
      %get3A_191 = tpu.vector_load %arg4[%get3A_187, %get3A_188, %get3A_189, %get3A_190] {strides = array<i32>} : memref<4x23x8x128xf32, #tpu.memory_space<vmem>>, vector<16xf32>,
      %exp3A = math.exp %get3A_191 : vector<16xf32>
      %get3A_192 = arith.constant 1 : i32
      %get3A_193 = arith.constant 1 : i32
      %get3A_194 = arith.index_cast %get3A_192 : i32 to index
      %get3A_195 = arith.index_cast %get3A_193 : i32 to index
      %get3A_196 = arith.index_cast %and3A_182 : i32 to index
      %get3A_197 = arith.index_cast %mul3A_185 : i32 to index
      %get3A_198 = tpu.vector_load %arg4[%get3A_194, %get3A_195, %get3A_196, %get3A_197] {strides = array<i32>} : memref<4x23x8x128xf32, #tpu.memory_space<vmem>>, vector<16xf32>,
      %exp3A_199 = math.exp %get3A_198 : vector<16xf32>
      %get3A_200 = arith.constant 1 : i32
      %get3A_201 = arith.constant 2 : i32
      %get3A_202 = arith.index_cast %get3A_200 : i32 to index
      %get3A_203 = arith.index_cast %get3A_201 : i32 to index
      %get3A_204 = arith.index_cast %and3A_182 : i32 to index
      %get3A_205 = arith.index_cast %mul3A_185 : i32 to index
      %get3A_206 = tpu.vector_load %arg4[%get3A_202, %get3A_203, %get3A_204, %get3A_205] {strides = array<i32>} : memref<4x23x8x128xf32, #tpu.memory_space<vmem>>, vector<16xf32>,
      %exp3A_207 = math.exp %get3A_206 : vector<16xf32>
      %get3A_208 = arith.constant 1 : i32
      %get3A_209 = arith.constant 3 : i32
      %get3A_210 = arith.index_cast %get3A_208 : i32 to index
      %get3A_211 = arith.index_cast %get3A_209 : i32 to index
      %get3A_212 = arith.index_cast %and3A_182 : i32 to index
      %get3A_213 = arith.index_cast %mul3A_185 : i32 to index
      %get3A_214 = tpu.vector_load %arg4[%get3A_210, %get3A_211, %get3A_212, %get3A_213] {strides = array<i32>} : memref<4x23x8x128xf32, #tpu.memory_space<vmem>>, vector<16xf32>,
      %exp3A_215 = math.exp %get3A_214 : vector<16xf32>
      %get3A_216 = arith.constant 1 : i32
      %get3A_217 = arith.constant 4 : i32
      %get3A_218 = arith.index_cast %get3A_216 : i32 to index
      %get3A_219 = arith.index_cast %get3A_217 : i32 to index
      %get3A_220 = arith.index_cast %and3A_182 : i32 to index
      %get3A_221 = arith.index_cast %mul3A_185 : i32 to index
      %get3A_222 = tpu.vector_load %arg4[%get3A_218, %get3A_219, %get3A_220, %get3A_221] {strides = array<i32>} : memref<4x23x8x128xf32, #tpu.memory_space<vmem>>, vector<16xf32>,
      %exp3A_223 = math.exp %get3A_222 : vector<16xf32>
      %get3A_224 = arith.constant 1 : i32
      %get3A_225 = arith.constant 5 : i32
      %get3A_226 = arith.index_cast %get3A_224 : i32 to index
      %get3A_227 = arith.index_cast %get3A_225 : i32 to index
      %get3A_228 = arith.index_cast %and3A_182 : i32 to index
      %get3A_229 = arith.index_cast %mul3A_185 : i32 to index
      %get3A_230 = tpu.vector_load %arg4[%get3A_226, %get3A_227, %get3A_228, %get3A_229] {strides = array<i32>} : memref<4x23x8x128xf32, #tpu.memory_space<vmem>>, vector<16xf32>,
      %exp3A_231 = math.exp %get3A_230 : vector<16xf32>
      %get3A_232 = arith.constant 1 : i32
      %get3A_233 = arith.constant 6 : i32
      %get3A_234 = arith.index_cast %get3A_232 : i32 to index
      %get3A_235 = arith.index_cast %get3A_233 : i32 to index
      %get3A_236 = arith.index_cast %and3A_182 : i32 to index
      %get3A_237 = arith.index_cast %mul3A_185 : i32 to index
      %get3A_238 = tpu.vector_load %arg4[%get3A_234, %get3A_235, %get3A_236, %get3A_237] {strides = array<i32>} : memref<4x23x8x128xf32, #tpu.memory_space<vmem>>, vector<16xf32>,
      %exp3A_239 = math.exp %get3A_238 : vector<16xf32>
      %get3A_240 = arith.constant 1 : i32
      %get3A_241 = arith.constant 7 : i32
      %get3A_242 = arith.index_cast %get3A_240 : i32 to index
      %get3A_243 = arith.index_cast %get3A_241 : i32 to index
      %get3A_244 = arith.index_cast %and3A_182 : i32 to index
      %get3A_245 = arith.index_cast %mul3A_185 : i32 to index
      %get3A_246 = tpu.vector_load %arg4[%get3A_242, %get3A_243, %get3A_244, %get3A_245] {strides = array<i32>} : memref<4x23x8x128xf32, #tpu.memory_space<vmem>>, vector<16xf32>,
      %exp3A_247 = math.exp %get3A_246 : vector<16xf32>
      %get3A_248 = arith.constant 1 : i32
      %get3A_249 = arith.constant 8 : i32
      %get3A_250 = arith.index_cast %get3A_248 : i32 to index
      %get3A_251 = arith.index_cast %get3A_249 : i32 to index
      %get3A_252 = arith.index_cast %and3A_182 : i32 to index
      %get3A_253 = arith.index_cast %mul3A_185 : i32 to index
      %get3A_254 = tpu.vector_load %arg4[%get3A_250, %get3A_251, %get3A_252, %get3A_253] {strides = array<i32>} : memref<4x23x8x128xf32, #tpu.memory_space<vmem>>, vector<16xf32>,
      %exp3A_255 = math.exp %get3A_254 : vector<16xf32>
      %get3A_256 = arith.constant 1 : i32
      %get3A_257 = arith.constant 9 : i32
      %get3A_258 = arith.index_cast %get3A_256 : i32 to index
      %get3A_259 = arith.index_cast %get3A_257 : i32 to index
      %get3A_260 = arith.index_cast %and3A_182 : i32 to index
      %get3A_261 = arith.index_cast %mul3A_185 : i32 to index
      %get3A_262 = tpu.vector_load %arg4[%get3A_258, %get3A_259, %get3A_260, %get3A_261] {strides = array<i32>} : memref<4x23x8x128xf32, #tpu.memory_space<vmem>>, vector<16xf32>,
      %exp3A_263 = math.exp %get3A_262 : vector<16xf32>
      %get3A_264 = arith.constant 1 : i32
      %get3A_265 = arith.constant 10 : i32
      %get3A_266 = arith.index_cast %get3A_264 : i32 to index
      %get3A_267 = arith.index_cast %get3A_265 : i32 to index
      %get3A_268 = arith.index_cast %and3A_182 : i32 to index
      %get3A_269 = arith.index_cast %mul3A_185 : i32 to index
      %get3A_270 = tpu.vector_load %arg4[%get3A_266, %get3A_267, %get3A_268, %get3A_269] {strides = array<i32>} : memref<4x23x8x128xf32, #tpu.memory_space<vmem>>, vector<16xf32>,
      %exp3A_271 = math.exp %get3A_270 : vector<16xf32>
      %get3A_272 = arith.constant 1 : i32
      %get3A_273 = arith.constant 11 : i32
      %get3A_274 = arith.index_cast %get3A_272 : i32 to index
      %get3A_275 = arith.index_cast %get3A_273 : i32 to index
      %get3A_276 = arith.index_cast %and3A_182 : i32 to index
      %get3A_277 = arith.index_cast %mul3A_185 : i32 to index
      %get3A_278 = tpu.vector_load %arg4[%get3A_274, %get3A_275, %get3A_276, %get3A_277] {strides = array<i32>} : memref<4x23x8x128xf32, #tpu.memory_space<vmem>>, vector<16xf32>,
      %exp3A_279 = math.exp %get3A_278 : vector<16xf32>
      %get3A_280 = arith.constant 1 : i32
      %get3A_281 = arith.constant 12 : i32
      %get3A_282 = arith.index_cast %get3A_280 : i32 to index
      %get3A_283 = arith.index_cast %get3A_281 : i32 to index
      %get3A_284 = arith.index_cast %and3A_182 : i32 to index
      %get3A_285 = arith.index_cast %mul3A_185 : i32 to index
      %get3A_286 = tpu.vector_load %arg4[%get3A_282, %get3A_283, %get3A_284, %get3A_285] {strides = array<i32>} : memref<4x23x8x128xf32, #tpu.memory_space<vmem>>, vector<16xf32>,
      %exp3A_287 = math.exp %get3A_286 : vector<16xf32>
      %get3A_288 = arith.constant 1 : i32
      %get3A_289 = arith.constant 13 : i32
      %get3A_290 = arith.index_cast %get3A_288 : i32 to index
      %get3A_291 = arith.index_cast %get3A_289 : i32 to index
      %get3A_292 = arith.index_cast %and3A_182 : i32 to index
      %get3A_293 = arith.index_cast %mul3A_185 : i32 to index
      %get3A_294 = tpu.vector_load %arg4[%get3A_290, %get3A_291, %get3A_292, %get3A_293] {strides = array<i32>} : memref<4x23x8x128xf32, #tpu.memory_space<vmem>>, vector<16xf32>,
      %exp3A_295 = math.exp %get3A_294 : vector<16xf32>
      %get3A_296 = arith.constant 1 : i32
      %get3A_297 = arith.constant 14 : i32
      %get3A_298 = arith.index_cast %get3A_296 : i32 to index
      %get3A_299 = arith.index_cast %get3A_297 : i32 to index
      %get3A_300 = arith.index_cast %and3A_182 : i32 to index
      %get3A_301 = arith.index_cast %mul3A_185 : i32 to index
      %get3A_302 = tpu.vector_load %arg4[%get3A_298, %get3A_299, %get3A_300, %get3A_301] {strides = array<i32>} : memref<4x23x8x128xf32, #tpu.memory_space<vmem>>, vector<16xf32>,
      %exp3A_303 = math.exp %get3A_302 : vector<16xf32>
      %get3A_304 = arith.constant 1 : i32
      %get3A_305 = arith.constant 15 : i32
      %get3A_306 = arith.index_cast %get3A_304 : i32 to index
      %get3A_307 = arith.index_cast %get3A_305 : i32 to index
      %get3A_308 = arith.index_cast %and3A_182 : i32 to index
      %get3A_309 = arith.index_cast %mul3A_185 : i32 to index
      %get3A_310 = tpu.vector_load %arg4[%get3A_306, %get3A_307, %get3A_308, %get3A_309] {strides = array<i32>} : memref<4x23x8x128xf32, #tpu.memory_space<vmem>>, vector<16xf32>,
      %exp3A_311 = math.exp %get3A_310 : vector<16xf32>
      %get3A_312 = arith.constant 1 : i32
      %get3A_313 = arith.constant 16 : i32
      %get3A_314 = arith.index_cast %get3A_312 : i32 to index
      %get3A_315 = arith.index_cast %get3A_313 : i32 to index
      %get3A_316 = arith.index_cast %and3A_182 : i32 to index
      %get3A_317 = arith.index_cast %mul3A_185 : i32 to index
      %get3A_318 = tpu.vector_load %arg4[%get3A_314, %get3A_315, %get3A_316, %get3A_317] {strides = array<i32>} : memref<4x23x8x128xf32, #tpu.memory_space<vmem>>, vector<16xf32>,
      %exp3A_319 = math.exp %get3A_318 : vector<16xf32>
      %get3A_320 = arith.constant 1 : i32
      %get3A_321 = arith.constant 17 : i32
      %get3A_322 = arith.index_cast %get3A_320 : i32 to index
      %get3A_323 = arith.index_cast %get3A_321 : i32 to index
      %get3A_324 = arith.index_cast %and3A_182 : i32 to index
      %get3A_325 = arith.index_cast %mul3A_185 : i32 to index
      %get3A_326 = tpu.vector_load %arg4[%get3A_322, %get3A_323, %get3A_324, %get3A_325] {strides = array<i32>} : memref<4x23x8x128xf32, #tpu.memory_space<vmem>>, vector<16xf32>,
      %exp3A_327 = math.exp %get3A_326 : vector<16xf32>
      %get3A_328 = arith.constant 1 : i32
      %get3A_329 = arith.constant 18 : i32
      %get3A_330 = arith.index_cast %get3A_328 : i32 to index
      %get3A_331 = arith.index_cast %get3A_329 : i32 to index
      %get3A_332 = arith.index_cast %and3A_182 : i32 to index
      %get3A_333 = arith.index_cast %mul3A_185 : i32 to index
      %get3A_334 = tpu.vector_load %arg4[%get3A_330, %get3A_331, %get3A_332, %get3A_333] {strides = array<i32>} : memref<4x23x8x128xf32, #tpu.memory_space<vmem>>, vector<16xf32>,
      %exp3A_335 = math.exp %get3A_334 : vector<16xf32>
      %get3A_336 = arith.constant 1 : i32
      %get3A_337 = arith.constant 19 : i32
      %get3A_338 = arith.index_cast %get3A_336 : i32 to index
      %get3A_339 = arith.index_cast %get3A_337 : i32 to index
      %get3A_340 = arith.index_cast %and3A_182 : i32 to index
      %get3A_341 = arith.index_cast %mul3A_185 : i32 to index
      %get3A_342 = tpu.vector_load %arg4[%get3A_338, %get3A_339, %get3A_340, %get3A_341] {strides = array<i32>} : memref<4x23x8x128xf32, #tpu.memory_space<vmem>>, vector<16xf32>,
      %exp3A_343 = math.exp %get3A_342 : vector<16xf32>
      %get3A_344 = arith.constant 1 : i32
      %get3A_345 = arith.constant 20 : i32
      %get3A_346 = arith.index_cast %get3A_344 : i32 to index
      %get3A_347 = arith.index_cast %get3A_345 : i32 to index
      %get3A_348 = arith.index_cast %and3A_182 : i32 to index
      %get3A_349 = arith.index_cast %mul3A_185 : i32 to index
      %get3A_350 = tpu.vector_load %arg4[%get3A_346, %get3A_347, %get3A_348, %get3A_349] {strides = array<i32>} : memref<4x23x8x128xf32, #tpu.memory_space<vmem>>, vector<16xf32>,
      %exp3A_351 = math.exp %get3A_350 : vector<16xf32>
      %get3A_352 = arith.constant 1 : i32
      %get3A_353 = arith.constant 21 : i32
      %get3A_354 = arith.index_cast %get3A_352 : i32 to index
      %get3A_355 = arith.index_cast %get3A_353 : i32 to index
      %get3A_356 = arith.index_cast %and3A_182 : i32 to index
      %get3A_357 = arith.index_cast %mul3A_185 : i32 to index
      %get3A_358 = tpu.vector_load %arg4[%get3A_354, %get3A_355, %get3A_356, %get3A_357] {strides = array<i32>} : memref<4x23x8x128xf32, #tpu.memory_space<vmem>>, vector<16xf32>,
      %exp3A_359 = math.exp %get3A_358 : vector<16xf32>
      %get3A_360 = arith.constant 1 : i32
      %get3A_361 = arith.constant 22 : i32
      %get3A_362 = arith.index_cast %get3A_360 : i32 to index
      %get3A_363 = arith.index_cast %get3A_361 : i32 to index
      %get3A_364 = arith.index_cast %and3A_182 : i32 to index
      %get3A_365 = arith.index_cast %mul3A_185 : i32 to index
      %get3A_366 = tpu.vector_load %arg4[%get3A_362, %get3A_363, %get3A_364, %get3A_365] {strides = array<i32>} : memref<4x23x8x128xf32, #tpu.memory_space<vmem>>, vector<16xf32>,
      %exp3A_367 = math.exp %get3A_366 : vector<16xf32>
      %add3A_368 = arith.addf %exp3A_351, %exp3A_359 : vector<16xf32>
      %add3A_369 = arith.addf %add3A_368, %exp3A_367 : vector<16xf32>
      %add3A_370 = arith.addf %exp3A, %exp3A_199 : vector<16xf32>
      %add3A_371 = arith.addf %exp3A_207, %exp3A_215 : vector<16xf32>
      %add3A_372 = arith.addf %exp3A_223, %exp3A_231 : vector<16xf32>
      %add3A_373 = arith.addf %exp3A_239, %exp3A_247 : vector<16xf32>
      %add3A_374 = arith.addf %exp3A_255, %exp3A_263 : vector<16xf32>
      %add3A_375 = arith.addf %exp3A_271, %exp3A_279 : vector<16xf32>
      %add3A_376 = arith.addf %exp3A_287, %exp3A_295 : vector<16xf32>
      %add3A_377 = arith.addf %exp3A_303, %exp3A_311 : vector<16xf32>
      %add3A_378 = arith.addf %exp3A_319, %exp3A_327 : vector<16xf32>
      %add3A_379 = arith.addf %exp3A_335, %exp3A_343 : vector<16xf32>
      %add3A_380 = arith.addf %add3A_370, %add3A_371 : vector<16xf32>
      %add3A_381 = arith.addf %add3A_372, %add3A_373 : vector<16xf32>
      %add3A_382 = arith.addf %add3A_374, %add3A_375 : vector<16xf32>
      %add3A_383 = arith.addf %add3A_376, %add3A_377 : vector<16xf32>
      %add3A_384 = arith.addf %add3A_378, %add3A_379 : vector<16xf32>
      %add3A_385 = arith.addf %add3A_380, %add3A_381 : vector<16xf32>
      %add3A_386 = arith.addf %add3A_382, %add3A_383 : vector<16xf32>
      %add3A_387 = arith.addf %add3A_385, %add3A_386 : vector<16xf32>
      %add3A_388 = arith.addf %add3A_387, %add3A_384 : vector<16xf32>
      %add3A_389 = arith.addf %add3A_388, %add3A_369 : vector<16xf32>
      %sub3A = arith.subf %add3A_389, %add3A_369 : vector<16xf32>
      %mul3A_390 = arith.mulf %add3A_389, %add3A_389 : vector<16xf32>
      %div3A = arith.divf %sub3A, %mul3A_390 : vector<16xf32>
      %mul3A_391 = arith.constant 16 : i32
      %mul3A_392 = arith.muli %and3A_182, %mul3A_391 : i32
      %add3A_393 = arith.constant 0 : i32
      %add3A_394 = arith.addi %add3A_393, %mul3A_392 : i32
      %mul3A_395 = arith.mulf %exp3A, %div3A : vector<16xf32>
      %swap3A = arith.index_cast %add3A_394 : i32 to index
      %swap3A_396 = tpu.vector_load %arg5[%swap3A] {strides = array<i32>} : memref<2944xf32, #tpu.memory_space<vmem>>, vector<16xf32>,
      tpu.vector_store %arg5[%swap3A], %mul3A_395 {add = true, strides = array<i32>} : memref<2944xf32, #tpu.memory_space<vmem>>, vector<16xf32>,
      %mul3A_397 = arith.constant 16 : i32
      %mul3A_398 = arith.muli %and3A_182, %mul3A_397 : i32
      %add3A_399 = arith.constant 128 : i32
      %add3A_400 = arith.addi %add3A_399, %mul3A_398 : i32
      %mul3A_401 = arith.mulf %exp3A_199, %div3A : vector<16xf32>
      %swap3A_402 = arith.index_cast %add3A_400 : i32 to index
      %swap3A_403 = tpu.vector_load %arg5[%swap3A_402] {strides = array<i32>} : memref<2944xf32, #tpu.memory_space<vmem>>, vector<16xf32>,
      tpu.vector_store %arg5[%swap3A_402], %mul3A_401 {add = true, strides = array<i32>} : memref<2944xf32, #tpu.memory_space<vmem>>, vector<16xf32>,
      %mul3A_404 = arith.constant 16 : i32
      %mul3A_405 = arith.muli %and3A_182, %mul3A_404 : i32
      %add3A_406 = arith.constant 256 : i32
      %add3A_407 = arith.addi %add3A_406, %mul3A_405 : i32
      %mul3A_408 = arith.mulf %exp3A_207, %div3A : vector<16xf32>
      %swap3A_409 = arith.index_cast %add3A_407 : i32 to index
      %swap3A_410 = tpu.vector_load %arg5[%swap3A_409] {strides = array<i32>} : memref<2944xf32, #tpu.memory_space<vmem>>, vector<16xf32>,
      tpu.vector_store %arg5[%swap3A_409], %mul3A_408 {add = true, strides = array<i32>} : memref<2944xf32, #tpu.memory_space<vmem>>, vector<16xf32>,
      %mul3A_411 = arith.constant 16 : i32
      %mul3A_412 = arith.muli %and3A_182, %mul3A_411 : i32
      %add3A_413 = arith.constant 384 : i32
      %add3A_414 = arith.addi %add3A_413, %mul3A_412 : i32
      %mul3A_415 = arith.mulf %exp3A_215, %div3A : vector<16xf32>
      %swap3A_416 = arith.index_cast %add3A_414 : i32 to index
      %swap3A_417 = tpu.vector_load %arg5[%swap3A_416] {strides = array<i32>} : memref<2944xf32, #tpu.memory_space<vmem>>, vector<16xf32>,
      tpu.vector_store %arg5[%swap3A_416], %mul3A_415 {add = true, strides = array<i32>} : memref<2944xf32, #tpu.memory_space<vmem>>, vector<16xf32>,
      %mul3A_418 = arith.constant 16 : i32
      %mul3A_419 = arith.muli %and3A_182, %mul3A_418 : i32
      %add3A_420 = arith.constant 512 : i32
      %add3A_421 = arith.addi %add3A_420, %mul3A_419 : i32
      %mul3A_422 = arith.mulf %exp3A_223, %div3A : vector<16xf32>
      %swap3A_423 = arith.index_cast %add3A_421 : i32 to index
      %swap3A_424 = tpu.vector_load %arg5[%swap3A_423] {strides = array<i32>} : memref<2944xf32, #tpu.memory_space<vmem>>, vector<16xf32>,
      tpu.vector_store %arg5[%swap3A_423], %mul3A_422 {add = true, strides = array<i32>} : memref<2944xf32, #tpu.memory_space<vmem>>, vector<16xf32>,
      %mul3A_425 = arith.constant 16 : i32
      %mul3A_426 = arith.muli %and3A_182, %mul3A_425 : i32
      %add3A_427 = arith.constant 640 : i32
      %add3A_428 = arith.addi %add3A_427, %mul3A_426 : i32
      %mul3A_429 = arith.mulf %exp3A_231, %div3A : vector<16xf32>
      %swap3A_430 = arith.index_cast %add3A_428 : i32 to index
      %swap3A_431 = tpu.vector_load %arg5[%swap3A_430] {strides = array<i32>} : memref<2944xf32, #tpu.memory_space<vmem>>, vector<16xf32>,
      tpu.vector_store %arg5[%swap3A_430], %mul3A_429 {add = true, strides = array<i32>} : memref<2944xf32, #tpu.memory_space<vmem>>, vector<16xf32>,
      %mul3A_432 = arith.constant 16 : i32
      %mul3A_433 = arith.muli %and3A_182, %mul3A_432 : i32
      %add3A_434 = arith.constant 768 : i32
      %add3A_435 = arith.addi %add3A_434, %mul3A_433 : i32
      %mul3A_436 = arith.mulf %exp3A_239, %div3A : vector<16xf32>
      %swap3A_437 = arith.index_cast %add3A_435 : i32 to index
      %swap3A_438 = tpu.vector_load %arg5[%swap3A_437] {strides = array<i32>} : memref<2944xf32, #tpu.memory_space<vmem>>, vector<16xf32>,
      tpu.vector_store %arg5[%swap3A_437], %mul3A_436 {add = true, strides = array<i32>} : memref<2944xf32, #tpu.memory_space<vmem>>, vector<16xf32>,
      %mul3A_439 = arith.constant 16 : i32
      %mul3A_440 = arith.muli %and3A_182, %mul3A_439 : i32
      %add3A_441 = arith.constant 896 : i32
      %add3A_442 = arith.addi %add3A_441, %mul3A_440 : i32
      %mul3A_443 = arith.mulf %exp3A_247, %div3A : vector<16xf32>
      %swap3A_444 = arith.index_cast %add3A_442 : i32 to index
      %swap3A_445 = tpu.vector_load %arg5[%swap3A_444] {strides = array<i32>} : memref<2944xf32, #tpu.memory_space<vmem>>, vector<16xf32>,
      tpu.vector_store %arg5[%swap3A_444], %mul3A_443 {add = true, strides = array<i32>} : memref<2944xf32, #tpu.memory_space<vmem>>, vector<16xf32>,
      %mul3A_446 = arith.constant 16 : i32
      %mul3A_447 = arith.muli %and3A_182, %mul3A_446 : i32
      %add3A_448 = arith.constant 1024 : i32
      %add3A_449 = arith.addi %add3A_448, %mul3A_447 : i32
      %mul3A_450 = arith.mulf %exp3A_255, %div3A : vector<16xf32>
      %swap3A_451 = arith.index_cast %add3A_449 : i32 to index
      %swap3A_452 = tpu.vector_load %arg5[%swap3A_451] {strides = array<i32>} : memref<2944xf32, #tpu.memory_space<vmem>>, vector<16xf32>,
      tpu.vector_store %arg5[%swap3A_451], %mul3A_450 {add = true, strides = array<i32>} : memref<2944xf32, #tpu.memory_space<vmem>>, vector<16xf32>,
      %mul3A_453 = arith.constant 16 : i32
      %mul3A_454 = arith.muli %and3A_182, %mul3A_453 : i32
      %add3A_455 = arith.constant 1152 : i32
      %add3A_456 = arith.addi %add3A_455, %mul3A_454 : i32
      %mul3A_457 = arith.mulf %exp3A_263, %div3A : vector<16xf32>
      %swap3A_458 = arith.index_cast %add3A_456 : i32 to index
      %swap3A_459 = tpu.vector_load %arg5[%swap3A_458] {strides = array<i32>} : memref<2944xf32, #tpu.memory_space<vmem>>, vector<16xf32>,
      tpu.vector_store %arg5[%swap3A_458], %mul3A_457 {add = true, strides = array<i32>} : memref<2944xf32, #tpu.memory_space<vmem>>, vector<16xf32>,
      %mul3A_460 = arith.constant 16 : i32
      %mul3A_461 = arith.muli %and3A_182, %mul3A_460 : i32
      %add3A_462 = arith.constant 1280 : i32
      %add3A_463 = arith.addi %add3A_462, %mul3A_461 : i32
      %mul3A_464 = arith.mulf %exp3A_271, %div3A : vector<16xf32>
      %swap3A_465 = arith.index_cast %add3A_463 : i32 to index
      %swap3A_466 = tpu.vector_load %arg5[%swap3A_465] {strides = array<i32>} : memref<2944xf32, #tpu.memory_space<vmem>>, vector<16xf32>,
      tpu.vector_store %arg5[%swap3A_465], %mul3A_464 {add = true, strides = array<i32>} : memref<2944xf32, #tpu.memory_space<vmem>>, vector<16xf32>,
      %mul3A_467 = arith.constant 16 : i32
      %mul3A_468 = arith.muli %and3A_182, %mul3A_467 : i32
      %add3A_469 = arith.constant 1408 : i32
      %add3A_470 = arith.addi %add3A_469, %mul3A_468 : i32
      %mul3A_471 = arith.mulf %exp3A_279, %div3A : vector<16xf32>
      %swap3A_472 = arith.index_cast %add3A_470 : i32 to index
      %swap3A_473 = tpu.vector_load %arg5[%swap3A_472] {strides = array<i32>} : memref<2944xf32, #tpu.memory_space<vmem>>, vector<16xf32>,
      tpu.vector_store %arg5[%swap3A_472], %mul3A_471 {add = true, strides = array<i32>} : memref<2944xf32, #tpu.memory_space<vmem>>, vector<16xf32>,
      %mul3A_474 = arith.constant 16 : i32
      %mul3A_475 = arith.muli %and3A_182, %mul3A_474 : i32
      %add3A_476 = arith.constant 1536 : i32
      %add3A_477 = arith.addi %add3A_476, %mul3A_475 : i32
      %mul3A_478 = arith.mulf %exp3A_287, %div3A : vector<16xf32>
      %swap3A_479 = arith.index_cast %add3A_477 : i32 to index
      %swap3A_480 = tpu.vector_load %arg5[%swap3A_479] {strides = array<i32>} : memref<2944xf32, #tpu.memory_space<vmem>>, vector<16xf32>,
      tpu.vector_store %arg5[%swap3A_479], %mul3A_478 {add = true, strides = array<i32>} : memref<2944xf32, #tpu.memory_space<vmem>>, vector<16xf32>,
      %mul3A_481 = arith.constant 16 : i32
      %mul3A_482 = arith.muli %and3A_182, %mul3A_481 : i32
      %add3A_483 = arith.constant 1664 : i32
      %add3A_484 = arith.addi %add3A_483, %mul3A_482 : i32
      %mul3A_485 = arith.mulf %exp3A_295, %div3A : vector<16xf32>
      %swap3A_486 = arith.index_cast %add3A_484 : i32 to index
      %swap3A_487 = tpu.vector_load %arg5[%swap3A_486] {strides = array<i32>} : memref<2944xf32, #tpu.memory_space<vmem>>, vector<16xf32>,
      tpu.vector_store %arg5[%swap3A_486], %mul3A_485 {add = true, strides = array<i32>} : memref<2944xf32, #tpu.memory_space<vmem>>, vector<16xf32>,
      %mul3A_488 = arith.constant 16 : i32
      %mul3A_489 = arith.muli %and3A_182, %mul3A_488 : i32
      %add3A_490 = arith.constant 1792 : i32
      %add3A_491 = arith.addi %add3A_490, %mul3A_489 : i32
      %mul3A_492 = arith.mulf %exp3A_303, %div3A : vector<16xf32>
      %swap3A_493 = arith.index_cast %add3A_491 : i32 to index
      %swap3A_494 = tpu.vector_load %arg5[%swap3A_493] {strides = array<i32>} : memref<2944xf32, #tpu.memory_space<vmem>>, vector<16xf32>,
      tpu.vector_store %arg5[%swap3A_493], %mul3A_492 {add = true, strides = array<i32>} : memref<2944xf32, #tpu.memory_space<vmem>>, vector<16xf32>,
      %mul3A_495 = arith.constant 16 : i32
      %mul3A_496 = arith.muli %and3A_182, %mul3A_495 : i32
      %add3A_497 = arith.constant 1920 : i32
      %add3A_498 = arith.addi %add3A_497, %mul3A_496 : i32
      %mul3A_499 = arith.mulf %exp3A_311, %div3A : vector<16xf32>
      %swap3A_500 = arith.index_cast %add3A_498 : i32 to index
      %swap3A_501 = tpu.vector_load %arg5[%swap3A_500] {strides = array<i32>} : memref<2944xf32, #tpu.memory_space<vmem>>, vector<16xf32>,
      tpu.vector_store %arg5[%swap3A_500], %mul3A_499 {add = true, strides = array<i32>} : memref<2944xf32, #tpu.memory_space<vmem>>, vector<16xf32>,
      %mul3A_502 = arith.constant 16 : i32
      %mul3A_503 = arith.muli %and3A_182, %mul3A_502 : i32
      %add3A_504 = arith.constant 2048 : i32
      %add3A_505 = arith.addi %add3A_504, %mul3A_503 : i32
      %mul3A_506 = arith.mulf %exp3A_319, %div3A : vector<16xf32>
      %swap3A_507 = arith.index_cast %add3A_505 : i32 to index
      %swap3A_508 = tpu.vector_load %arg5[%swap3A_507] {strides = array<i32>} : memref<2944xf32, #tpu.memory_space<vmem>>, vector<16xf32>,
      tpu.vector_store %arg5[%swap3A_507], %mul3A_506 {add = true, strides = array<i32>} : memref<2944xf32, #tpu.memory_space<vmem>>, vector<16xf32>,
      %mul3A_509 = arith.constant 16 : i32
      %mul3A_510 = arith.muli %and3A_182, %mul3A_509 : i32
      %add3A_511 = arith.constant 2176 : i32
      %add3A_512 = arith.addi %add3A_511, %mul3A_510 : i32
      %mul3A_513 = arith.mulf %exp3A_327, %div3A : vector<16xf32>
      %swap3A_514 = arith.index_cast %add3A_512 : i32 to index
      %swap3A_515 = tpu.vector_load %arg5[%swap3A_514] {strides = array<i32>} : memref<2944xf32, #tpu.memory_space<vmem>>, vector<16xf32>,
      tpu.vector_store %arg5[%swap3A_514], %mul3A_513 {add = true, strides = array<i32>} : memref<2944xf32, #tpu.memory_space<vmem>>, vector<16xf32>,
      %mul3A_516 = arith.constant 16 : i32
      %mul3A_517 = arith.muli %and3A_182, %mul3A_516 : i32
      %add3A_518 = arith.constant 2304 : i32
      %add3A_519 = arith.addi %add3A_518, %mul3A_517 : i32
      %mul3A_520 = arith.mulf %exp3A_335, %div3A : vector<16xf32>
      %swap3A_521 = arith.index_cast %add3A_519 : i32 to index
      %swap3A_522 = tpu.vector_load %arg5[%swap3A_521] {strides = array<i32>} : memref<2944xf32, #tpu.memory_space<vmem>>, vector<16xf32>,
      tpu.vector_store %arg5[%swap3A_521], %mul3A_520 {add = true, strides = array<i32>} : memref<2944xf32, #tpu.memory_space<vmem>>, vector<16xf32>,
      %mul3A_523 = arith.constant 16 : i32
      %mul3A_524 = arith.muli %and3A_182, %mul3A_523 : i32
      %add3A_525 = arith.constant 2432 : i32
      %add3A_526 = arith.addi %add3A_525, %mul3A_524 : i32
      %mul3A_527 = arith.mulf %exp3A_343, %div3A : vector<16xf32>
      %swap3A_528 = arith.index_cast %add3A_526 : i32 to index
      %swap3A_529 = tpu.vector_load %arg5[%swap3A_528] {strides = array<i32>} : memref<2944xf32, #tpu.memory_space<vmem>>, vector<16xf32>,
      tpu.vector_store %arg5[%swap3A_528], %mul3A_527 {add = true, strides = array<i32>} : memref<2944xf32, #tpu.memory_space<vmem>>, vector<16xf32>,
      %mul3A_530 = arith.constant 16 : i32
      %mul3A_531 = arith.muli %and3A_182, %mul3A_530 : i32
      %add3A_532 = arith.constant 2560 : i32
      %add3A_533 = arith.addi %add3A_532, %mul3A_531 : i32
      %mul3A_534 = arith.mulf %exp3A_351, %div3A : vector<16xf32>
      %swap3A_535 = arith.index_cast %add3A_533 : i32 to index
      %swap3A_536 = tpu.vector_load %arg5[%swap3A_535] {strides = array<i32>} : memref<2944xf32, #tpu.memory_space<vmem>>, vector<16xf32>,
      tpu.vector_store %arg5[%swap3A_535], %mul3A_534 {add = true, strides = array<i32>} : memref<2944xf32, #tpu.memory_space<vmem>>, vector<16xf32>,
      %mul3A_537 = arith.constant 16 : i32
      %mul3A_538 = arith.muli %and3A_182, %mul3A_537 : i32
      %add3A_539 = arith.constant 2688 : i32
      %add3A_540 = arith.addi %add3A_539, %mul3A_538 : i32
      %mul3A_541 = arith.mulf %exp3A_359, %div3A : vector<16xf32>
      %swap3A_542 = arith.index_cast %add3A_540 : i32 to index
      %swap3A_543 = tpu.vector_load %arg5[%swap3A_542] {strides = array<i32>} : memref<2944xf32, #tpu.memory_space<vmem>>, vector<16xf32>,
      tpu.vector_store %arg5[%swap3A_542], %mul3A_541 {add = true, strides = array<i32>} : memref<2944xf32, #tpu.memory_space<vmem>>, vector<16xf32>,
      %mul3A_544 = arith.constant 16 : i32
      %mul3A_545 = arith.muli %and3A_182, %mul3A_544 : i32
      %add3A_546 = arith.constant 2816 : i32
      %add3A_547 = arith.addi %add3A_546, %mul3A_545 : i32
      %mul3A_548 = arith.mulf %exp3A_367, %div3A : vector<16xf32>
      %swap3A_549 = arith.index_cast %add3A_547 : i32 to index
      %swap3A_550 = tpu.vector_load %arg5[%swap3A_549] {strides = array<i32>} : memref<2944xf32, #tpu.memory_space<vmem>>, vector<16xf32>,
      tpu.vector_store %arg5[%swap3A_549], %mul3A_548 {add = true, strides = array<i32>} : memref<2944xf32, #tpu.memory_space<vmem>>, vector<16xf32>,
      %scan3A_551 = arith.constant 0 : i32
      scf.yield %scan3A_551 : i32
    }
    %scan3A_133 = arith.constant 64 : i32
    %dma_wait3A_134 = arith.constant 2 : i32
    %dma_wait3A_135 = arith.constant 0 : i32
    %dma_wait3A_136 = arith.constant 0 : i32
    %dma_wait3A_137 = arith.constant 0 : i32
    %dma_wait3A_138 = tpu.memref_slice %arg4[%dma_wait3A_134, %dma_wait3A_135, %dma_wait3A_136, %dma_wait3A_137] : memref<4x23x8x128xf32, #tpu.memory_space<vmem>> -> memref<1x23x8x128xf32, #tpu.memory_space<vmem>>
    %dma_wait3A_139 = tpu.memref_squeeze %dma_wait3A_138 : memref<1x23x8x128xf32, #tpu.memory_space<vmem>> -> memref<23x8x128xf32, #tpu.memory_space<vmem>>
    %dma_wait3A_140 = arith.constant 0 : i32
    %dma_wait3A_141 = tpu.memref_slice %arg2[%dma_wait3A_140, %mul3A_43, %add3A_47] : memref<23x16x8192xf32, #tpu.memory_space<hbm>> -> memref<23x8x128xf32, #tpu.memory_space<hbm>>
    %dma_wait3A_142 = arith.constant 0 : i32
    %dma_wait3A_143 = arith.constant 0 : i32
    %dma_wait3A_144 = arith.constant 0 : i32
    %dma_wait3A_145 = tpu.memref_slice %arg4[%dma_wait3A_134, %dma_wait3A_142, %dma_wait3A_143, %dma_wait3A_144] : memref<4x23x8x128xf32, #tpu.memory_space<vmem>> -> memref<1x23x8x128xf32, #tpu.memory_space<vmem>>
    %dma_wait3A_146 = tpu.memref_squeeze %dma_wait3A_145 : memref<1x23x8x128xf32, #tpu.memory_space<vmem>> -> memref<23x8x128xf32, #tpu.memory_space<vmem>>
    %dma_wait3A_147 = arith.constant 0 : i32
    %dma_wait3A_148 = tpu.memref_slice %arg2[%dma_wait3A_147, %mul3A_43, %add3A_47] : memref<23x16x8192xf32, #tpu.memory_space<hbm>> -> memref<23x8x128xf32, #tpu.memory_space<hbm>>
    tpu.wait_dma2 semaphore(%arg8 : memref<!tpu.dma_semaphore, #tpu.memory_space<semaphore_mem>>) src(%dma_wait3A_148 : memref<23x8x128xf32, #tpu.memory_space<hbm>>) dst(%dma_wait3A_146 : memref<23x8x128xf32, #tpu.memory_space<vmem>>)
    %scan3A_149 = arith.constant 0 : i32
    %scan3A_150 = arith.constant 0 : i32
    %scan3A_151 = arith.constant 64 : i32
    %scan3A_152 = arith.addi %scan3A_150, %scan3A_151 : i32
    %scan3A_153 = arith.constant 1 : i32
    %scan3A_154 = scf.for %scan3A_180 = %scan3A_150 to %scan3A_152 step %scan3A_153 iter_args(%scan3A_181 = %scan3A_149) -> (i32)  : i32 {
      %and3A = arith.constant 7 : i32
      %and3A_182 = arith.andi %scan3A_180, %and3A : i32
      %shift_right_arithmetic3A = arith.constant 3 : i32
      %shift_right_arithmetic3A_183 = arith.shrsi %scan3A_180, %shift_right_arithmetic3A : i32
      %mul3A_184 = arith.constant 16 : i32
      %mul3A_185 = arith.muli %shift_right_arithmetic3A_183, %mul3A_184 : i32
      %get3A = arith.constant 2 : i32
      %get3A_186 = arith.constant 0 : i32
      %get3A_187 = arith.index_cast %get3A : i32 to index
      %get3A_188 = arith.index_cast %get3A_186 : i32 to index
      %get3A_189 = arith.index_cast %and3A_182 : i32 to index
      %get3A_190 = arith.index_cast %mul3A_185 : i32 to index
      %get3A_191 = tpu.vector_load %arg4[%get3A_187, %get3A_188, %get3A_189, %get3A_190] {strides = array<i32>} : memref<4x23x8x128xf32, #tpu.memory_space<vmem>>, vector<16xf32>,
      %exp3A = math.exp %get3A_191 : vector<16xf32>
      %get3A_192 = arith.constant 2 : i32
      %get3A_193 = arith.constant 1 : i32
      %get3A_194 = arith.index_cast %get3A_192 : i32 to index
      %get3A_195 = arith.index_cast %get3A_193 : i32 to index
      %get3A_196 = arith.index_cast %and3A_182 : i32 to index
      %get3A_197 = arith.index_cast %mul3A_185 : i32 to index
      %get3A_198 = tpu.vector_load %arg4[%get3A_194, %get3A_195, %get3A_196, %get3A_197] {strides = array<i32>} : memref<4x23x8x128xf32, #tpu.memory_space<vmem>>, vector<16xf32>,
      %exp3A_199 = math.exp %get3A_198 : vector<16xf32>
      %get3A_200 = arith.constant 2 : i32
      %get3A_201 = arith.constant 2 : i32
      %get3A_202 = arith.index_cast %get3A_200 : i32 to index
      %get3A_203 = arith.index_cast %get3A_201 : i32 to index
      %get3A_204 = arith.index_cast %and3A_182 : i32 to index
      %get3A_205 = arith.index_cast %mul3A_185 : i32 to index
      %get3A_206 = tpu.vector_load %arg4[%get3A_202, %get3A_203, %get3A_204, %get3A_205] {strides = array<i32>} : memref<4x23x8x128xf32, #tpu.memory_space<vmem>>, vector<16xf32>,
      %exp3A_207 = math.exp %get3A_206 : vector<16xf32>
      %get3A_208 = arith.constant 2 : i32
      %get3A_209 = arith.constant 3 : i32
      %get3A_210 = arith.index_cast %get3A_208 : i32 to index
      %get3A_211 = arith.index_cast %get3A_209 : i32 to index
      %get3A_212 = arith.index_cast %and3A_182 : i32 to index
      %get3A_213 = arith.index_cast %mul3A_185 : i32 to index
      %get3A_214 = tpu.vector_load %arg4[%get3A_210, %get3A_211, %get3A_212, %get3A_213] {strides = array<i32>} : memref<4x23x8x128xf32, #tpu.memory_space<vmem>>, vector<16xf32>,
      %exp3A_215 = math.exp %get3A_214 : vector<16xf32>
      %get3A_216 = arith.constant 2 : i32
      %get3A_217 = arith.constant 4 : i32
      %get3A_218 = arith.index_cast %get3A_216 : i32 to index
      %get3A_219 = arith.index_cast %get3A_217 : i32 to index
      %get3A_220 = arith.index_cast %and3A_182 : i32 to index
      %get3A_221 = arith.index_cast %mul3A_185 : i32 to index
      %get3A_222 = tpu.vector_load %arg4[%get3A_218, %get3A_219, %get3A_220, %get3A_221] {strides = array<i32>} : memref<4x23x8x128xf32, #tpu.memory_space<vmem>>, vector<16xf32>,
      %exp3A_223 = math.exp %get3A_222 : vector<16xf32>
      %get3A_224 = arith.constant 2 : i32
      %get3A_225 = arith.constant 5 : i32
      %get3A_226 = arith.index_cast %get3A_224 : i32 to index
      %get3A_227 = arith.index_cast %get3A_225 : i32 to index
      %get3A_228 = arith.index_cast %and3A_182 : i32 to index
      %get3A_229 = arith.index_cast %mul3A_185 : i32 to index
      %get3A_230 = tpu.vector_load %arg4[%get3A_226, %get3A_227, %get3A_228, %get3A_229] {strides = array<i32>} : memref<4x23x8x128xf32, #tpu.memory_space<vmem>>, vector<16xf32>,
      %exp3A_231 = math.exp %get3A_230 : vector<16xf32>
      %get3A_232 = arith.constant 2 : i32
      %get3A_233 = arith.constant 6 : i32
      %get3A_234 = arith.index_cast %get3A_232 : i32 to index
      %get3A_235 = arith.index_cast %get3A_233 : i32 to index
      %get3A_236 = arith.index_cast %and3A_182 : i32 to index
      %get3A_237 = arith.index_cast %mul3A_185 : i32 to index
      %get3A_238 = tpu.vector_load %arg4[%get3A_234, %get3A_235, %get3A_236, %get3A_237] {strides = array<i32>} : memref<4x23x8x128xf32, #tpu.memory_space<vmem>>, vector<16xf32>,
      %exp3A_239 = math.exp %get3A_238 : vector<16xf32>
      %get3A_240 = arith.constant 2 : i32
      %get3A_241 = arith.constant 7 : i32
      %get3A_242 = arith.index_cast %get3A_240 : i32 to index
      %get3A_243 = arith.index_cast %get3A_241 : i32 to index
      %get3A_244 = arith.index_cast %and3A_182 : i32 to index
      %get3A_245 = arith.index_cast %mul3A_185 : i32 to index
      %get3A_246 = tpu.vector_load %arg4[%get3A_242, %get3A_243, %get3A_244, %get3A_245] {strides = array<i32>} : memref<4x23x8x128xf32, #tpu.memory_space<vmem>>, vector<16xf32>,
      %exp3A_247 = math.exp %get3A_246 : vector<16xf32>
      %get3A_248 = arith.constant 2 : i32
      %get3A_249 = arith.constant 8 : i32
      %get3A_250 = arith.index_cast %get3A_248 : i32 to index
      %get3A_251 = arith.index_cast %get3A_249 : i32 to index
      %get3A_252 = arith.index_cast %and3A_182 : i32 to index
      %get3A_253 = arith.index_cast %mul3A_185 : i32 to index
      %get3A_254 = tpu.vector_load %arg4[%get3A_250, %get3A_251, %get3A_252, %get3A_253] {strides = array<i32>} : memref<4x23x8x128xf32, #tpu.memory_space<vmem>>, vector<16xf32>,
      %exp3A_255 = math.exp %get3A_254 : vector<16xf32>
      %get3A_256 = arith.constant 2 : i32
      %get3A_257 = arith.constant 9 : i32
      %get3A_258 = arith.index_cast %get3A_256 : i32 to index
      %get3A_259 = arith.index_cast %get3A_257 : i32 to index
      %get3A_260 = arith.index_cast %and3A_182 : i32 to index
      %get3A_261 = arith.index_cast %mul3A_185 : i32 to index
      %get3A_262 = tpu.vector_load %arg4[%get3A_258, %get3A_259, %get3A_260, %get3A_261] {strides = array<i32>} : memref<4x23x8x128xf32, #tpu.memory_space<vmem>>, vector<16xf32>,
      %exp3A_263 = math.exp %get3A_262 : vector<16xf32>
      %get3A_264 = arith.constant 2 : i32
      %get3A_265 = arith.constant 10 : i32
      %get3A_266 = arith.index_cast %get3A_264 : i32 to index
      %get3A_267 = arith.index_cast %get3A_265 : i32 to index
      %get3A_268 = arith.index_cast %and3A_182 : i32 to index
      %get3A_269 = arith.index_cast %mul3A_185 : i32 to index
      %get3A_270 = tpu.vector_load %arg4[%get3A_266, %get3A_267, %get3A_268, %get3A_269] {strides = array<i32>} : memref<4x23x8x128xf32, #tpu.memory_space<vmem>>, vector<16xf32>,
      %exp3A_271 = math.exp %get3A_270 : vector<16xf32>
      %get3A_272 = arith.constant 2 : i32
      %get3A_273 = arith.constant 11 : i32
      %get3A_274 = arith.index_cast %get3A_272 : i32 to index
      %get3A_275 = arith.index_cast %get3A_273 : i32 to index
      %get3A_276 = arith.index_cast %and3A_182 : i32 to index
      %get3A_277 = arith.index_cast %mul3A_185 : i32 to index
      %get3A_278 = tpu.vector_load %arg4[%get3A_274, %get3A_275, %get3A_276, %get3A_277] {strides = array<i32>} : memref<4x23x8x128xf32, #tpu.memory_space<vmem>>, vector<16xf32>,
      %exp3A_279 = math.exp %get3A_278 : vector<16xf32>
      %get3A_280 = arith.constant 2 : i32
      %get3A_281 = arith.constant 12 : i32
      %get3A_282 = arith.index_cast %get3A_280 : i32 to index
      %get3A_283 = arith.index_cast %get3A_281 : i32 to index
      %get3A_284 = arith.index_cast %and3A_182 : i32 to index
      %get3A_285 = arith.index_cast %mul3A_185 : i32 to index
      %get3A_286 = tpu.vector_load %arg4[%get3A_282, %get3A_283, %get3A_284, %get3A_285] {strides = array<i32>} : memref<4x23x8x128xf32, #tpu.memory_space<vmem>>, vector<16xf32>,
      %exp3A_287 = math.exp %get3A_286 : vector<16xf32>
      %get3A_288 = arith.constant 2 : i32
      %get3A_289 = arith.constant 13 : i32
      %get3A_290 = arith.index_cast %get3A_288 : i32 to index
      %get3A_291 = arith.index_cast %get3A_289 : i32 to index
      %get3A_292 = arith.index_cast %and3A_182 : i32 to index
      %get3A_293 = arith.index_cast %mul3A_185 : i32 to index
      %get3A_294 = tpu.vector_load %arg4[%get3A_290, %get3A_291, %get3A_292, %get3A_293] {strides = array<i32>} : memref<4x23x8x128xf32, #tpu.memory_space<vmem>>, vector<16xf32>,
      %exp3A_295 = math.exp %get3A_294 : vector<16xf32>
      %get3A_296 = arith.constant 2 : i32
      %get3A_297 = arith.constant 14 : i32
      %get3A_298 = arith.index_cast %get3A_296 : i32 to index
      %get3A_299 = arith.index_cast %get3A_297 : i32 to index
      %get3A_300 = arith.index_cast %and3A_182 : i32 to index
      %get3A_301 = arith.index_cast %mul3A_185 : i32 to index
      %get3A_302 = tpu.vector_load %arg4[%get3A_298, %get3A_299, %get3A_300, %get3A_301] {strides = array<i32>} : memref<4x23x8x128xf32, #tpu.memory_space<vmem>>, vector<16xf32>,
      %exp3A_303 = math.exp %get3A_302 : vector<16xf32>
      %get3A_304 = arith.constant 2 : i32
      %get3A_305 = arith.constant 15 : i32
      %get3A_306 = arith.index_cast %get3A_304 : i32 to index
      %get3A_307 = arith.index_cast %get3A_305 : i32 to index
      %get3A_308 = arith.index_cast %and3A_182 : i32 to index
      %get3A_309 = arith.index_cast %mul3A_185 : i32 to index
      %get3A_310 = tpu.vector_load %arg4[%get3A_306, %get3A_307, %get3A_308, %get3A_309] {strides = array<i32>} : memref<4x23x8x128xf32, #tpu.memory_space<vmem>>, vector<16xf32>,
      %exp3A_311 = math.exp %get3A_310 : vector<16xf32>
      %get3A_312 = arith.constant 2 : i32
      %get3A_313 = arith.constant 16 : i32
      %get3A_314 = arith.index_cast %get3A_312 : i32 to index
      %get3A_315 = arith.index_cast %get3A_313 : i32 to index
      %get3A_316 = arith.index_cast %and3A_182 : i32 to index
      %get3A_317 = arith.index_cast %mul3A_185 : i32 to index
      %get3A_318 = tpu.vector_load %arg4[%get3A_314, %get3A_315, %get3A_316, %get3A_317] {strides = array<i32>} : memref<4x23x8x128xf32, #tpu.memory_space<vmem>>, vector<16xf32>,
      %exp3A_319 = math.exp %get3A_318 : vector<16xf32>
      %get3A_320 = arith.constant 2 : i32
      %get3A_321 = arith.constant 17 : i32
      %get3A_322 = arith.index_cast %get3A_320 : i32 to index
      %get3A_323 = arith.index_cast %get3A_321 : i32 to index
      %get3A_324 = arith.index_cast %and3A_182 : i32 to index
      %get3A_325 = arith.index_cast %mul3A_185 : i32 to index
      %get3A_326 = tpu.vector_load %arg4[%get3A_322, %get3A_323, %get3A_324, %get3A_325] {strides = array<i32>} : memref<4x23x8x128xf32, #tpu.memory_space<vmem>>, vector<16xf32>,
      %exp3A_327 = math.exp %get3A_326 : vector<16xf32>
      %get3A_328 = arith.constant 2 : i32
      %get3A_329 = arith.constant 18 : i32
      %get3A_330 = arith.index_cast %get3A_328 : i32 to index
      %get3A_331 = arith.index_cast %get3A_329 : i32 to index
      %get3A_332 = arith.index_cast %and3A_182 : i32 to index
      %get3A_333 = arith.index_cast %mul3A_185 : i32 to index
      %get3A_334 = tpu.vector_load %arg4[%get3A_330, %get3A_331, %get3A_332, %get3A_333] {strides = array<i32>} : memref<4x23x8x128xf32, #tpu.memory_space<vmem>>, vector<16xf32>,
      %exp3A_335 = math.exp %get3A_334 : vector<16xf32>
      %get3A_336 = arith.constant 2 : i32
      %get3A_337 = arith.constant 19 : i32
      %get3A_338 = arith.index_cast %get3A_336 : i32 to index
      %get3A_339 = arith.index_cast %get3A_337 : i32 to index
      %get3A_340 = arith.index_cast %and3A_182 : i32 to index
      %get3A_341 = arith.index_cast %mul3A_185 : i32 to index
      %get3A_342 = tpu.vector_load %arg4[%get3A_338, %get3A_339, %get3A_340, %get3A_341] {strides = array<i32>} : memref<4x23x8x128xf32, #tpu.memory_space<vmem>>, vector<16xf32>,
      %exp3A_343 = math.exp %get3A_342 : vector<16xf32>
      %get3A_344 = arith.constant 2 : i32
      %get3A_345 = arith.constant 20 : i32
      %get3A_346 = arith.index_cast %get3A_344 : i32 to index
      %get3A_347 = arith.index_cast %get3A_345 : i32 to index
      %get3A_348 = arith.index_cast %and3A_182 : i32 to index
      %get3A_349 = arith.index_cast %mul3A_185 : i32 to index
      %get3A_350 = tpu.vector_load %arg4[%get3A_346, %get3A_347, %get3A_348, %get3A_349] {strides = array<i32>} : memref<4x23x8x128xf32, #tpu.memory_space<vmem>>, vector<16xf32>,
      %exp3A_351 = math.exp %get3A_350 : vector<16xf32>
      %get3A_352 = arith.constant 2 : i32
      %get3A_353 = arith.constant 21 : i32
      %get3A_354 = arith.index_cast %get3A_352 : i32 to index
      %get3A_355 = arith.index_cast %get3A_353 : i32 to index
      %get3A_356 = arith.index_cast %and3A_182 : i32 to index
      %get3A_357 = arith.index_cast %mul3A_185 : i32 to index
      %get3A_358 = tpu.vector_load %arg4[%get3A_354, %get3A_355, %get3A_356, %get3A_357] {strides = array<i32>} : memref<4x23x8x128xf32, #tpu.memory_space<vmem>>, vector<16xf32>,
      %exp3A_359 = math.exp %get3A_358 : vector<16xf32>
      %get3A_360 = arith.constant 2 : i32
      %get3A_361 = arith.constant 22 : i32
      %get3A_362 = arith.index_cast %get3A_360 : i32 to index
      %get3A_363 = arith.index_cast %get3A_361 : i32 to index
      %get3A_364 = arith.index_cast %and3A_182 : i32 to index
      %get3A_365 = arith.index_cast %mul3A_185 : i32 to index
      %get3A_366 = tpu.vector_load %arg4[%get3A_362, %get3A_363, %get3A_364, %get3A_365] {strides = array<i32>} : memref<4x23x8x128xf32, #tpu.memory_space<vmem>>, vector<16xf32>,
      %exp3A_367 = math.exp %get3A_366 : vector<16xf32>
      %add3A_368 = arith.addf %exp3A_351, %exp3A_359 : vector<16xf32>
      %add3A_369 = arith.addf %add3A_368, %exp3A_367 : vector<16xf32>
      %add3A_370 = arith.addf %exp3A, %exp3A_199 : vector<16xf32>
      %add3A_371 = arith.addf %exp3A_207, %exp3A_215 : vector<16xf32>
      %add3A_372 = arith.addf %exp3A_223, %exp3A_231 : vector<16xf32>
      %add3A_373 = arith.addf %exp3A_239, %exp3A_247 : vector<16xf32>
      %add3A_374 = arith.addf %exp3A_255, %exp3A_263 : vector<16xf32>
      %add3A_375 = arith.addf %exp3A_271, %exp3A_279 : vector<16xf32>
      %add3A_376 = arith.addf %exp3A_287, %exp3A_295 : vector<16xf32>
      %add3A_377 = arith.addf %exp3A_303, %exp3A_311 : vector<16xf32>
      %add3A_378 = arith.addf %exp3A_319, %exp3A_327 : vector<16xf32>
      %add3A_379 = arith.addf %exp3A_335, %exp3A_343 : vector<16xf32>
      %add3A_380 = arith.addf %add3A_370, %add3A_371 : vector<16xf32>
      %add3A_381 = arith.addf %add3A_372, %add3A_373 : vector<16xf32>
      %add3A_382 = arith.addf %add3A_374, %add3A_375 : vector<16xf32>
      %add3A_383 = arith.addf %add3A_376, %add3A_377 : vector<16xf32>
      %add3A_384 = arith.addf %add3A_378, %add3A_379 : vector<16xf32>
      %add3A_385 = arith.addf %add3A_380, %add3A_381 : vector<16xf32>
      %add3A_386 = arith.addf %add3A_382, %add3A_383 : vector<16xf32>
      %add3A_387 = arith.addf %add3A_385, %add3A_386 : vector<16xf32>
      %add3A_388 = arith.addf %add3A_387, %add3A_384 : vector<16xf32>
      %add3A_389 = arith.addf %add3A_388, %add3A_369 : vector<16xf32>
      %sub3A = arith.subf %add3A_389, %add3A_369 : vector<16xf32>
      %mul3A_390 = arith.mulf %add3A_389, %add3A_389 : vector<16xf32>
      %div3A = arith.divf %sub3A, %mul3A_390 : vector<16xf32>
      %mul3A_391 = arith.constant 16 : i32
      %mul3A_392 = arith.muli %and3A_182, %mul3A_391 : i32
      %add3A_393 = arith.constant 0 : i32
      %add3A_394 = arith.addi %add3A_393, %mul3A_392 : i32
      %mul3A_395 = arith.mulf %exp3A, %div3A : vector<16xf32>
      %swap3A = arith.index_cast %add3A_394 : i32 to index
      %swap3A_396 = tpu.vector_load %arg5[%swap3A] {strides = array<i32>} : memref<2944xf32, #tpu.memory_space<vmem>>, vector<16xf32>,
      tpu.vector_store %arg5[%swap3A], %mul3A_395 {add = true, strides = array<i32>} : memref<2944xf32, #tpu.memory_space<vmem>>, vector<16xf32>,
      %mul3A_397 = arith.constant 16 : i32
      %mul3A_398 = arith.muli %and3A_182, %mul3A_397 : i32
      %add3A_399 = arith.constant 128 : i32
      %add3A_400 = arith.addi %add3A_399, %mul3A_398 : i32
      %mul3A_401 = arith.mulf %exp3A_199, %div3A : vector<16xf32>
      %swap3A_402 = arith.index_cast %add3A_400 : i32 to index
      %swap3A_403 = tpu.vector_load %arg5[%swap3A_402] {strides = array<i32>} : memref<2944xf32, #tpu.memory_space<vmem>>, vector<16xf32>,
      tpu.vector_store %arg5[%swap3A_402], %mul3A_401 {add = true, strides = array<i32>} : memref<2944xf32, #tpu.memory_space<vmem>>, vector<16xf32>,
      %mul3A_404 = arith.constant 16 : i32
      %mul3A_405 = arith.muli %and3A_182, %mul3A_404 : i32
      %add3A_406 = arith.constant 256 : i32
      %add3A_407 = arith.addi %add3A_406, %mul3A_405 : i32
      %mul3A_408 = arith.mulf %exp3A_207, %div3A : vector<16xf32>
      %swap3A_409 = arith.index_cast %add3A_407 : i32 to index
      %swap3A_410 = tpu.vector_load %arg5[%swap3A_409] {strides = array<i32>} : memref<2944xf32, #tpu.memory_space<vmem>>, vector<16xf32>,
      tpu.vector_store %arg5[%swap3A_409], %mul3A_408 {add = true, strides = array<i32>} : memref<2944xf32, #tpu.memory_space<vmem>>, vector<16xf32>,
      %mul3A_411 = arith.constant 16 : i32
      %mul3A_412 = arith.muli %and3A_182, %mul3A_411 : i32
      %add3A_413 = arith.constant 384 : i32
      %add3A_414 = arith.addi %add3A_413, %mul3A_412 : i32
      %mul3A_415 = arith.mulf %exp3A_215, %div3A : vector<16xf32>
      %swap3A_416 = arith.index_cast %add3A_414 : i32 to index
      %swap3A_417 = tpu.vector_load %arg5[%swap3A_416] {strides = array<i32>} : memref<2944xf32, #tpu.memory_space<vmem>>, vector<16xf32>,
      tpu.vector_store %arg5[%swap3A_416], %mul3A_415 {add = true, strides = array<i32>} : memref<2944xf32, #tpu.memory_space<vmem>>, vector<16xf32>,
      %mul3A_418 = arith.constant 16 : i32
      %mul3A_419 = arith.muli %and3A_182, %mul3A_418 : i32
      %add3A_420 = arith.constant 512 : i32
      %add3A_421 = arith.addi %add3A_420, %mul3A_419 : i32
      %mul3A_422 = arith.mulf %exp3A_223, %div3A : vector<16xf32>
      %swap3A_423 = arith.index_cast %add3A_421 : i32 to index
      %swap3A_424 = tpu.vector_load %arg5[%swap3A_423] {strides = array<i32>} : memref<2944xf32, #tpu.memory_space<vmem>>, vector<16xf32>,
      tpu.vector_store %arg5[%swap3A_423], %mul3A_422 {add = true, strides = array<i32>} : memref<2944xf32, #tpu.memory_space<vmem>>, vector<16xf32>,
      %mul3A_425 = arith.constant 16 : i32
      %mul3A_426 = arith.muli %and3A_182, %mul3A_425 : i32
      %add3A_427 = arith.constant 640 : i32
      %add3A_428 = arith.addi %add3A_427, %mul3A_426 : i32
      %mul3A_429 = arith.mulf %exp3A_231, %div3A : vector<16xf32>
      %swap3A_430 = arith.index_cast %add3A_428 : i32 to index
      %swap3A_431 = tpu.vector_load %arg5[%swap3A_430] {strides = array<i32>} : memref<2944xf32, #tpu.memory_space<vmem>>, vector<16xf32>,
      tpu.vector_store %arg5[%swap3A_430], %mul3A_429 {add = true, strides = array<i32>} : memref<2944xf32, #tpu.memory_space<vmem>>, vector<16xf32>,
      %mul3A_432 = arith.constant 16 : i32
      %mul3A_433 = arith.muli %and3A_182, %mul3A_432 : i32
      %add3A_434 = arith.constant 768 : i32
      %add3A_435 = arith.addi %add3A_434, %mul3A_433 : i32
      %mul3A_436 = arith.mulf %exp3A_239, %div3A : vector<16xf32>
      %swap3A_437 = arith.index_cast %add3A_435 : i32 to index
      %swap3A_438 = tpu.vector_load %arg5[%swap3A_437] {strides = array<i32>} : memref<2944xf32, #tpu.memory_space<vmem>>, vector<16xf32>,
      tpu.vector_store %arg5[%swap3A_437], %mul3A_436 {add = true, strides = array<i32>} : memref<2944xf32, #tpu.memory_space<vmem>>, vector<16xf32>,
      %mul3A_439 = arith.constant 16 : i32
      %mul3A_440 = arith.muli %and3A_182, %mul3A_439 : i32
      %add3A_441 = arith.constant 896 : i32
      %add3A_442 = arith.addi %add3A_441, %mul3A_440 : i32
      %mul3A_443 = arith.mulf %exp3A_247, %div3A : vector<16xf32>
      %swap3A_444 = arith.index_cast %add3A_442 : i32 to index
      %swap3A_445 = tpu.vector_load %arg5[%swap3A_444] {strides = array<i32>} : memref<2944xf32, #tpu.memory_space<vmem>>, vector<16xf32>,
      tpu.vector_store %arg5[%swap3A_444], %mul3A_443 {add = true, strides = array<i32>} : memref<2944xf32, #tpu.memory_space<vmem>>, vector<16xf32>,
      %mul3A_446 = arith.constant 16 : i32
      %mul3A_447 = arith.muli %and3A_182, %mul3A_446 : i32
      %add3A_448 = arith.constant 1024 : i32
      %add3A_449 = arith.addi %add3A_448, %mul3A_447 : i32
      %mul3A_450 = arith.mulf %exp3A_255, %div3A : vector<16xf32>
      %swap3A_451 = arith.index_cast %add3A_449 : i32 to index
      %swap3A_452 = tpu.vector_load %arg5[%swap3A_451] {strides = array<i32>} : memref<2944xf32, #tpu.memory_space<vmem>>, vector<16xf32>,
      tpu.vector_store %arg5[%swap3A_451], %mul3A_450 {add = true, strides = array<i32>} : memref<2944xf32, #tpu.memory_space<vmem>>, vector<16xf32>,
      %mul3A_453 = arith.constant 16 : i32
      %mul3A_454 = arith.muli %and3A_182, %mul3A_453 : i32
      %add3A_455 = arith.constant 1152 : i32
      %add3A_456 = arith.addi %add3A_455, %mul3A_454 : i32
      %mul3A_457 = arith.mulf %exp3A_263, %div3A : vector<16xf32>
      %swap3A_458 = arith.index_cast %add3A_456 : i32 to index
      %swap3A_459 = tpu.vector_load %arg5[%swap3A_458] {strides = array<i32>} : memref<2944xf32, #tpu.memory_space<vmem>>, vector<16xf32>,
      tpu.vector_store %arg5[%swap3A_458], %mul3A_457 {add = true, strides = array<i32>} : memref<2944xf32, #tpu.memory_space<vmem>>, vector<16xf32>,
      %mul3A_460 = arith.constant 16 : i32
      %mul3A_461 = arith.muli %and3A_182, %mul3A_460 : i32
      %add3A_462 = arith.constant 1280 : i32
      %add3A_463 = arith.addi %add3A_462, %mul3A_461 : i32
      %mul3A_464 = arith.mulf %exp3A_271, %div3A : vector<16xf32>
      %swap3A_465 = arith.index_cast %add3A_463 : i32 to index
      %swap3A_466 = tpu.vector_load %arg5[%swap3A_465] {strides = array<i32>} : memref<2944xf32, #tpu.memory_space<vmem>>, vector<16xf32>,
      tpu.vector_store %arg5[%swap3A_465], %mul3A_464 {add = true, strides = array<i32>} : memref<2944xf32, #tpu.memory_space<vmem>>, vector<16xf32>,
      %mul3A_467 = arith.constant 16 : i32
      %mul3A_468 = arith.muli %and3A_182, %mul3A_467 : i32
      %add3A_469 = arith.constant 1408 : i32
      %add3A_470 = arith.addi %add3A_469, %mul3A_468 : i32
      %mul3A_471 = arith.mulf %exp3A_279, %div3A : vector<16xf32>
      %swap3A_472 = arith.index_cast %add3A_470 : i32 to index
      %swap3A_473 = tpu.vector_load %arg5[%swap3A_472] {strides = array<i32>} : memref<2944xf32, #tpu.memory_space<vmem>>, vector<16xf32>,
      tpu.vector_store %arg5[%swap3A_472], %mul3A_471 {add = true, strides = array<i32>} : memref<2944xf32, #tpu.memory_space<vmem>>, vector<16xf32>,
      %mul3A_474 = arith.constant 16 : i32
      %mul3A_475 = arith.muli %and3A_182, %mul3A_474 : i32
      %add3A_476 = arith.constant 1536 : i32
      %add3A_477 = arith.addi %add3A_476, %mul3A_475 : i32
      %mul3A_478 = arith.mulf %exp3A_287, %div3A : vector<16xf32>
      %swap3A_479 = arith.index_cast %add3A_477 : i32 to index
      %swap3A_480 = tpu.vector_load %arg5[%swap3A_479] {strides = array<i32>} : memref<2944xf32, #tpu.memory_space<vmem>>, vector<16xf32>,
      tpu.vector_store %arg5[%swap3A_479], %mul3A_478 {add = true, strides = array<i32>} : memref<2944xf32, #tpu.memory_space<vmem>>, vector<16xf32>,
      %mul3A_481 = arith.constant 16 : i32
      %mul3A_482 = arith.muli %and3A_182, %mul3A_481 : i32
      %add3A_483 = arith.constant 1664 : i32
      %add3A_484 = arith.addi %add3A_483, %mul3A_482 : i32
      %mul3A_485 = arith.mulf %exp3A_295, %div3A : vector<16xf32>
      %swap3A_486 = arith.index_cast %add3A_484 : i32 to index
      %swap3A_487 = tpu.vector_load %arg5[%swap3A_486] {strides = array<i32>} : memref<2944xf32, #tpu.memory_space<vmem>>, vector<16xf32>,
      tpu.vector_store %arg5[%swap3A_486], %mul3A_485 {add = true, strides = array<i32>} : memref<2944xf32, #tpu.memory_space<vmem>>, vector<16xf32>,
      %mul3A_488 = arith.constant 16 : i32
      %mul3A_489 = arith.muli %and3A_182, %mul3A_488 : i32
      %add3A_490 = arith.constant 1792 : i32
      %add3A_491 = arith.addi %add3A_490, %mul3A_489 : i32
      %mul3A_492 = arith.mulf %exp3A_303, %div3A : vector<16xf32>
      %swap3A_493 = arith.index_cast %add3A_491 : i32 to index
      %swap3A_494 = tpu.vector_load %arg5[%swap3A_493] {strides = array<i32>} : memref<2944xf32, #tpu.memory_space<vmem>>, vector<16xf32>,
      tpu.vector_store %arg5[%swap3A_493], %mul3A_492 {add = true, strides = array<i32>} : memref<2944xf32, #tpu.memory_space<vmem>>, vector<16xf32>,
      %mul3A_495 = arith.constant 16 : i32
      %mul3A_496 = arith.muli %and3A_182, %mul3A_495 : i32
      %add3A_497 = arith.constant 1920 : i32
      %add3A_498 = arith.addi %add3A_497, %mul3A_496 : i32
      %mul3A_499 = arith.mulf %exp3A_311, %div3A : vector<16xf32>
      %swap3A_500 = arith.index_cast %add3A_498 : i32 to index
      %swap3A_501 = tpu.vector_load %arg5[%swap3A_500] {strides = array<i32>} : memref<2944xf32, #tpu.memory_space<vmem>>, vector<16xf32>,
      tpu.vector_store %arg5[%swap3A_500], %mul3A_499 {add = true, strides = array<i32>} : memref<2944xf32, #tpu.memory_space<vmem>>, vector<16xf32>,
      %mul3A_502 = arith.constant 16 : i32
      %mul3A_503 = arith.muli %and3A_182, %mul3A_502 : i32
      %add3A_504 = arith.constant 2048 : i32
      %add3A_505 = arith.addi %add3A_504, %mul3A_503 : i32
      %mul3A_506 = arith.mulf %exp3A_319, %div3A : vector<16xf32>
      %swap3A_507 = arith.index_cast %add3A_505 : i32 to index
      %swap3A_508 = tpu.vector_load %arg5[%swap3A_507] {strides = array<i32>} : memref<2944xf32, #tpu.memory_space<vmem>>, vector<16xf32>,
      tpu.vector_store %arg5[%swap3A_507], %mul3A_506 {add = true, strides = array<i32>} : memref<2944xf32, #tpu.memory_space<vmem>>, vector<16xf32>,
      %mul3A_509 = arith.constant 16 : i32
      %mul3A_510 = arith.muli %and3A_182, %mul3A_509 : i32
      %add3A_511 = arith.constant 2176 : i32
      %add3A_512 = arith.addi %add3A_511, %mul3A_510 : i32
      %mul3A_513 = arith.mulf %exp3A_327, %div3A : vector<16xf32>
      %swap3A_514 = arith.index_cast %add3A_512 : i32 to index
      %swap3A_515 = tpu.vector_load %arg5[%swap3A_514] {strides = array<i32>} : memref<2944xf32, #tpu.memory_space<vmem>>, vector<16xf32>,
      tpu.vector_store %arg5[%swap3A_514], %mul3A_513 {add = true, strides = array<i32>} : memref<2944xf32, #tpu.memory_space<vmem>>, vector<16xf32>,
      %mul3A_516 = arith.constant 16 : i32
      %mul3A_517 = arith.muli %and3A_182, %mul3A_516 : i32
      %add3A_518 = arith.constant 2304 : i32
      %add3A_519 = arith.addi %add3A_518, %mul3A_517 : i32
      %mul3A_520 = arith.mulf %exp3A_335, %div3A : vector<16xf32>
      %swap3A_521 = arith.index_cast %add3A_519 : i32 to index
      %swap3A_522 = tpu.vector_load %arg5[%swap3A_521] {strides = array<i32>} : memref<2944xf32, #tpu.memory_space<vmem>>, vector<16xf32>,
      tpu.vector_store %arg5[%swap3A_521], %mul3A_520 {add = true, strides = array<i32>} : memref<2944xf32, #tpu.memory_space<vmem>>, vector<16xf32>,
      %mul3A_523 = arith.constant 16 : i32
      %mul3A_524 = arith.muli %and3A_182, %mul3A_523 : i32
      %add3A_525 = arith.constant 2432 : i32
      %add3A_526 = arith.addi %add3A_525, %mul3A_524 : i32
      %mul3A_527 = arith.mulf %exp3A_343, %div3A : vector<16xf32>
      %swap3A_528 = arith.index_cast %add3A_526 : i32 to index
      %swap3A_529 = tpu.vector_load %arg5[%swap3A_528] {strides = array<i32>} : memref<2944xf32, #tpu.memory_space<vmem>>, vector<16xf32>,
      tpu.vector_store %arg5[%swap3A_528], %mul3A_527 {add = true, strides = array<i32>} : memref<2944xf32, #tpu.memory_space<vmem>>, vector<16xf32>,
      %mul3A_530 = arith.constant 16 : i32
      %mul3A_531 = arith.muli %and3A_182, %mul3A_530 : i32
      %add3A_532 = arith.constant 2560 : i32
      %add3A_533 = arith.addi %add3A_532, %mul3A_531 : i32
      %mul3A_534 = arith.mulf %exp3A_351, %div3A : vector<16xf32>
      %swap3A_535 = arith.index_cast %add3A_533 : i32 to index
      %swap3A_536 = tpu.vector_load %arg5[%swap3A_535] {strides = array<i32>} : memref<2944xf32, #tpu.memory_space<vmem>>, vector<16xf32>,
      tpu.vector_store %arg5[%swap3A_535], %mul3A_534 {add = true, strides = array<i32>} : memref<2944xf32, #tpu.memory_space<vmem>>, vector<16xf32>,
      %mul3A_537 = arith.constant 16 : i32
      %mul3A_538 = arith.muli %and3A_182, %mul3A_537 : i32
      %add3A_539 = arith.constant 2688 : i32
      %add3A_540 = arith.addi %add3A_539, %mul3A_538 : i32
      %mul3A_541 = arith.mulf %exp3A_359, %div3A : vector<16xf32>
      %swap3A_542 = arith.index_cast %add3A_540 : i32 to index
      %swap3A_543 = tpu.vector_load %arg5[%swap3A_542] {strides = array<i32>} : memref<2944xf32, #tpu.memory_space<vmem>>, vector<16xf32>,
      tpu.vector_store %arg5[%swap3A_542], %mul3A_541 {add = true, strides = array<i32>} : memref<2944xf32, #tpu.memory_space<vmem>>, vector<16xf32>,
      %mul3A_544 = arith.constant 16 : i32
      %mul3A_545 = arith.muli %and3A_182, %mul3A_544 : i32
      %add3A_546 = arith.constant 2816 : i32
      %add3A_547 = arith.addi %add3A_546, %mul3A_545 : i32
      %mul3A_548 = arith.mulf %exp3A_367, %div3A : vector<16xf32>
      %swap3A_549 = arith.index_cast %add3A_547 : i32 to index
      %swap3A_550 = tpu.vector_load %arg5[%swap3A_549] {strides = array<i32>} : memref<2944xf32, #tpu.memory_space<vmem>>, vector<16xf32>,
      tpu.vector_store %arg5[%swap3A_549], %mul3A_548 {add = true, strides = array<i32>} : memref<2944xf32, #tpu.memory_space<vmem>>, vector<16xf32>,
      %scan3A_551 = arith.constant 0 : i32
      scf.yield %scan3A_551 : i32
    }
    %scan3A_155 = arith.constant 64 : i32
    %dma_wait3A_156 = arith.constant 3 : i32
    %dma_wait3A_157 = arith.constant 0 : i32
    %dma_wait3A_158 = arith.constant 0 : i32
    %dma_wait3A_159 = arith.constant 0 : i32
    %dma_wait3A_160 = tpu.memref_slice %arg4[%dma_wait3A_156, %dma_wait3A_157, %dma_wait3A_158, %dma_wait3A_159] : memref<4x23x8x128xf32, #tpu.memory_space<vmem>> -> memref<1x23x8x128xf32, #tpu.memory_space<vmem>>
    %dma_wait3A_161 = tpu.memref_squeeze %dma_wait3A_160 : memref<1x23x8x128xf32, #tpu.memory_space<vmem>> -> memref<23x8x128xf32, #tpu.memory_space<vmem>>
    %dma_wait3A_162 = arith.constant 0 : i32
    %dma_wait3A_163 = tpu.memref_slice %arg2[%dma_wait3A_162, %mul3A_64, %add3A_68] : memref<23x16x8192xf32, #tpu.memory_space<hbm>> -> memref<23x8x128xf32, #tpu.memory_space<hbm>>
    %dma_wait3A_164 = arith.constant 0 : i32
    %dma_wait3A_165 = arith.constant 0 : i32
    %dma_wait3A_166 = arith.constant 0 : i32
    %dma_wait3A_167 = tpu.memref_slice %arg4[%dma_wait3A_156, %dma_wait3A_164, %dma_wait3A_165, %dma_wait3A_166] : memref<4x23x8x128xf32, #tpu.memory_space<vmem>> -> memref<1x23x8x128xf32, #tpu.memory_space<vmem>>
    %dma_wait3A_168 = tpu.memref_squeeze %dma_wait3A_167 : memref<1x23x8x128xf32, #tpu.memory_space<vmem>> -> memref<23x8x128xf32, #tpu.memory_space<vmem>>
    %dma_wait3A_169 = arith.constant 0 : i32
    %dma_wait3A_170 = tpu.memref_slice %arg2[%dma_wait3A_169, %mul3A_64, %add3A_68] : memref<23x16x8192xf32, #tpu.memory_space<hbm>> -> memref<23x8x128xf32, #tpu.memory_space<hbm>>
    tpu.wait_dma2 semaphore(%arg9 : memref<!tpu.dma_semaphore, #tpu.memory_space<semaphore_mem>>) src(%dma_wait3A_170 : memref<23x8x128xf32, #tpu.memory_space<hbm>>) dst(%dma_wait3A_168 : memref<23x8x128xf32, #tpu.memory_space<vmem>>)
    %scan3A_171 = arith.constant 0 : i32
    %scan3A_172 = arith.constant 0 : i32
    %scan3A_173 = arith.constant 64 : i32
    %scan3A_174 = arith.addi %scan3A_172, %scan3A_173 : i32
    %scan3A_175 = arith.constant 1 : i32
    %scan3A_176 = scf.for %scan3A_180 = %scan3A_172 to %scan3A_174 step %scan3A_175 iter_args(%scan3A_181 = %scan3A_171) -> (i32)  : i32 {
      %and3A = arith.constant 7 : i32
      %and3A_182 = arith.andi %scan3A_180, %and3A : i32
      %shift_right_arithmetic3A = arith.constant 3 : i32
      %shift_right_arithmetic3A_183 = arith.shrsi %scan3A_180, %shift_right_arithmetic3A : i32
      %mul3A_184 = arith.constant 16 : i32
      %mul3A_185 = arith.muli %shift_right_arithmetic3A_183, %mul3A_184 : i32
      %get3A = arith.constant 3 : i32
      %get3A_186 = arith.constant 0 : i32
      %get3A_187 = arith.index_cast %get3A : i32 to index
      %get3A_188 = arith.index_cast %get3A_186 : i32 to index
      %get3A_189 = arith.index_cast %and3A_182 : i32 to index
      %get3A_190 = arith.index_cast %mul3A_185 : i32 to index
      %get3A_191 = tpu.vector_load %arg4[%get3A_187, %get3A_188, %get3A_189, %get3A_190] {strides = array<i32>} : memref<4x23x8x128xf32, #tpu.memory_space<vmem>>, vector<16xf32>,
      %exp3A = math.exp %get3A_191 : vector<16xf32>
      %get3A_192 = arith.constant 3 : i32
      %get3A_193 = arith.constant 1 : i32
      %get3A_194 = arith.index_cast %get3A_192 : i32 to index
      %get3A_195 = arith.index_cast %get3A_193 : i32 to index
      %get3A_196 = arith.index_cast %and3A_182 : i32 to index
      %get3A_197 = arith.index_cast %mul3A_185 : i32 to index
      %get3A_198 = tpu.vector_load %arg4[%get3A_194, %get3A_195, %get3A_196, %get3A_197] {strides = array<i32>} : memref<4x23x8x128xf32, #tpu.memory_space<vmem>>, vector<16xf32>,
      %exp3A_199 = math.exp %get3A_198 : vector<16xf32>
      %get3A_200 = arith.constant 3 : i32
      %get3A_201 = arith.constant 2 : i32
      %get3A_202 = arith.index_cast %get3A_200 : i32 to index
      %get3A_203 = arith.index_cast %get3A_201 : i32 to index
      %get3A_204 = arith.index_cast %and3A_182 : i32 to index
      %get3A_205 = arith.index_cast %mul3A_185 : i32 to index
      %get3A_206 = tpu.vector_load %arg4[%get3A_202, %get3A_203, %get3A_204, %get3A_205] {strides = array<i32>} : memref<4x23x8x128xf32, #tpu.memory_space<vmem>>, vector<16xf32>,
      %exp3A_207 = math.exp %get3A_206 : vector<16xf32>
      %get3A_208 = arith.constant 3 : i32
      %get3A_209 = arith.constant 3 : i32
      %get3A_210 = arith.index_cast %get3A_208 : i32 to index
      %get3A_211 = arith.index_cast %get3A_209 : i32 to index
      %get3A_212 = arith.index_cast %and3A_182 : i32 to index
      %get3A_213 = arith.index_cast %mul3A_185 : i32 to index
      %get3A_214 = tpu.vector_load %arg4[%get3A_210, %get3A_211, %get3A_212, %get3A_213] {strides = array<i32>} : memref<4x23x8x128xf32, #tpu.memory_space<vmem>>, vector<16xf32>,
      %exp3A_215 = math.exp %get3A_214 : vector<16xf32>
      %get3A_216 = arith.constant 3 : i32
      %get3A_217 = arith.constant 4 : i32
      %get3A_218 = arith.index_cast %get3A_216 : i32 to index
      %get3A_219 = arith.index_cast %get3A_217 : i32 to index
      %get3A_220 = arith.index_cast %and3A_182 : i32 to index
      %get3A_221 = arith.index_cast %mul3A_185 : i32 to index
      %get3A_222 = tpu.vector_load %arg4[%get3A_218, %get3A_219, %get3A_220, %get3A_221] {strides = array<i32>} : memref<4x23x8x128xf32, #tpu.memory_space<vmem>>, vector<16xf32>,
      %exp3A_223 = math.exp %get3A_222 : vector<16xf32>
      %get3A_224 = arith.constant 3 : i32
      %get3A_225 = arith.constant 5 : i32
      %get3A_226 = arith.index_cast %get3A_224 : i32 to index
      %get3A_227 = arith.index_cast %get3A_225 : i32 to index
      %get3A_228 = arith.index_cast %and3A_182 : i32 to index
      %get3A_229 = arith.index_cast %mul3A_185 : i32 to index
      %get3A_230 = tpu.vector_load %arg4[%get3A_226, %get3A_227, %get3A_228, %get3A_229] {strides = array<i32>} : memref<4x23x8x128xf32, #tpu.memory_space<vmem>>, vector<16xf32>,
      %exp3A_231 = math.exp %get3A_230 : vector<16xf32>
      %get3A_232 = arith.constant 3 : i32
      %get3A_233 = arith.constant 6 : i32
      %get3A_234 = arith.index_cast %get3A_232 : i32 to index
      %get3A_235 = arith.index_cast %get3A_233 : i32 to index
      %get3A_236 = arith.index_cast %and3A_182 : i32 to index
      %get3A_237 = arith.index_cast %mul3A_185 : i32 to index
      %get3A_238 = tpu.vector_load %arg4[%get3A_234, %get3A_235, %get3A_236, %get3A_237] {strides = array<i32>} : memref<4x23x8x128xf32, #tpu.memory_space<vmem>>, vector<16xf32>,
      %exp3A_239 = math.exp %get3A_238 : vector<16xf32>
      %get3A_240 = arith.constant 3 : i32
      %get3A_241 = arith.constant 7 : i32
      %get3A_242 = arith.index_cast %get3A_240 : i32 to index
      %get3A_243 = arith.index_cast %get3A_241 : i32 to index
      %get3A_244 = arith.index_cast %and3A_182 : i32 to index
      %get3A_245 = arith.index_cast %mul3A_185 : i32 to index
      %get3A_246 = tpu.vector_load %arg4[%get3A_242, %get3A_243, %get3A_244, %get3A_245] {strides = array<i32>} : memref<4x23x8x128xf32, #tpu.memory_space<vmem>>, vector<16xf32>,
      %exp3A_247 = math.exp %get3A_246 : vector<16xf32>
      %get3A_248 = arith.constant 3 : i32
      %get3A_249 = arith.constant 8 : i32
      %get3A_250 = arith.index_cast %get3A_248 : i32 to index
      %get3A_251 = arith.index_cast %get3A_249 : i32 to index
      %get3A_252 = arith.index_cast %and3A_182 : i32 to index
      %get3A_253 = arith.index_cast %mul3A_185 : i32 to index
      %get3A_254 = tpu.vector_load %arg4[%get3A_250, %get3A_251, %get3A_252, %get3A_253] {strides = array<i32>} : memref<4x23x8x128xf32, #tpu.memory_space<vmem>>, vector<16xf32>,
      %exp3A_255 = math.exp %get3A_254 : vector<16xf32>
      %get3A_256 = arith.constant 3 : i32
      %get3A_257 = arith.constant 9 : i32
      %get3A_258 = arith.index_cast %get3A_256 : i32 to index
      %get3A_259 = arith.index_cast %get3A_257 : i32 to index
      %get3A_260 = arith.index_cast %and3A_182 : i32 to index
      %get3A_261 = arith.index_cast %mul3A_185 : i32 to index
      %get3A_262 = tpu.vector_load %arg4[%get3A_258, %get3A_259, %get3A_260, %get3A_261] {strides = array<i32>} : memref<4x23x8x128xf32, #tpu.memory_space<vmem>>, vector<16xf32>,
      %exp3A_263 = math.exp %get3A_262 : vector<16xf32>
      %get3A_264 = arith.constant 3 : i32
      %get3A_265 = arith.constant 10 : i32
      %get3A_266 = arith.index_cast %get3A_264 : i32 to index
      %get3A_267 = arith.index_cast %get3A_265 : i32 to index
      %get3A_268 = arith.index_cast %and3A_182 : i32 to index
      %get3A_269 = arith.index_cast %mul3A_185 : i32 to index
      %get3A_270 = tpu.vector_load %arg4[%get3A_266, %get3A_267, %get3A_268, %get3A_269] {strides = array<i32>} : memref<4x23x8x128xf32, #tpu.memory_space<vmem>>, vector<16xf32>,
      %exp3A_271 = math.exp %get3A_270 : vector<16xf32>
      %get3A_272 = arith.constant 3 : i32
      %get3A_273 = arith.constant 11 : i32
      %get3A_274 = arith.index_cast %get3A_272 : i32 to index
      %get3A_275 = arith.index_cast %get3A_273 : i32 to index
      %get3A_276 = arith.index_cast %and3A_182 : i32 to index
      %get3A_277 = arith.index_cast %mul3A_185 : i32 to index
      %get3A_278 = tpu.vector_load %arg4[%get3A_274, %get3A_275, %get3A_276, %get3A_277] {strides = array<i32>} : memref<4x23x8x128xf32, #tpu.memory_space<vmem>>, vector<16xf32>,
      %exp3A_279 = math.exp %get3A_278 : vector<16xf32>
      %get3A_280 = arith.constant 3 : i32
      %get3A_281 = arith.constant 12 : i32
      %get3A_282 = arith.index_cast %get3A_280 : i32 to index
      %get3A_283 = arith.index_cast %get3A_281 : i32 to index
      %get3A_284 = arith.index_cast %and3A_182 : i32 to index
      %get3A_285 = arith.index_cast %mul3A_185 : i32 to index
      %get3A_286 = tpu.vector_load %arg4[%get3A_282, %get3A_283, %get3A_284, %get3A_285] {strides = array<i32>} : memref<4x23x8x128xf32, #tpu.memory_space<vmem>>, vector<16xf32>,
      %exp3A_287 = math.exp %get3A_286 : vector<16xf32>
      %get3A_288 = arith.constant 3 : i32
      %get3A_289 = arith.constant 13 : i32
      %get3A_290 = arith.index_cast %get3A_288 : i32 to index
      %get3A_291 = arith.index_cast %get3A_289 : i32 to index
      %get3A_292 = arith.index_cast %and3A_182 : i32 to index
      %get3A_293 = arith.index_cast %mul3A_185 : i32 to index
      %get3A_294 = tpu.vector_load %arg4[%get3A_290, %get3A_291, %get3A_292, %get3A_293] {strides = array<i32>} : memref<4x23x8x128xf32, #tpu.memory_space<vmem>>, vector<16xf32>,
      %exp3A_295 = math.exp %get3A_294 : vector<16xf32>
      %get3A_296 = arith.constant 3 : i32
      %get3A_297 = arith.constant 14 : i32
      %get3A_298 = arith.index_cast %get3A_296 : i32 to index
      %get3A_299 = arith.index_cast %get3A_297 : i32 to index
      %get3A_300 = arith.index_cast %and3A_182 : i32 to index
      %get3A_301 = arith.index_cast %mul3A_185 : i32 to index
      %get3A_302 = tpu.vector_load %arg4[%get3A_298, %get3A_299, %get3A_300, %get3A_301] {strides = array<i32>} : memref<4x23x8x128xf32, #tpu.memory_space<vmem>>, vector<16xf32>,
      %exp3A_303 = math.exp %get3A_302 : vector<16xf32>
      %get3A_304 = arith.constant 3 : i32
      %get3A_305 = arith.constant 15 : i32
      %get3A_306 = arith.index_cast %get3A_304 : i32 to index
      %get3A_307 = arith.index_cast %get3A_305 : i32 to index
      %get3A_308 = arith.index_cast %and3A_182 : i32 to index
      %get3A_309 = arith.index_cast %mul3A_185 : i32 to index
      %get3A_310 = tpu.vector_load %arg4[%get3A_306, %get3A_307, %get3A_308, %get3A_309] {strides = array<i32>} : memref<4x23x8x128xf32, #tpu.memory_space<vmem>>, vector<16xf32>,
      %exp3A_311 = math.exp %get3A_310 : vector<16xf32>
      %get3A_312 = arith.constant 3 : i32
      %get3A_313 = arith.constant 16 : i32
      %get3A_314 = arith.index_cast %get3A_312 : i32 to index
      %get3A_315 = arith.index_cast %get3A_313 : i32 to index
      %get3A_316 = arith.index_cast %and3A_182 : i32 to index
      %get3A_317 = arith.index_cast %mul3A_185 : i32 to index
      %get3A_318 = tpu.vector_load %arg4[%get3A_314, %get3A_315, %get3A_316, %get3A_317] {strides = array<i32>} : memref<4x23x8x128xf32, #tpu.memory_space<vmem>>, vector<16xf32>,
      %exp3A_319 = math.exp %get3A_318 : vector<16xf32>
      %get3A_320 = arith.constant 3 : i32
      %get3A_321 = arith.constant 17 : i32
      %get3A_322 = arith.index_cast %get3A_320 : i32 to index
      %get3A_323 = arith.index_cast %get3A_321 : i32 to index
      %get3A_324 = arith.index_cast %and3A_182 : i32 to index
      %get3A_325 = arith.index_cast %mul3A_185 : i32 to index
      %get3A_326 = tpu.vector_load %arg4[%get3A_322, %get3A_323, %get3A_324, %get3A_325] {strides = array<i32>} : memref<4x23x8x128xf32, #tpu.memory_space<vmem>>, vector<16xf32>,
      %exp3A_327 = math.exp %get3A_326 : vector<16xf32>
      %get3A_328 = arith.constant 3 : i32
      %get3A_329 = arith.constant 18 : i32
      %get3A_330 = arith.index_cast %get3A_328 : i32 to index
      %get3A_331 = arith.index_cast %get3A_329 : i32 to index
      %get3A_332 = arith.index_cast %and3A_182 : i32 to index
      %get3A_333 = arith.index_cast %mul3A_185 : i32 to index
      %get3A_334 = tpu.vector_load %arg4[%get3A_330, %get3A_331, %get3A_332, %get3A_333] {strides = array<i32>} : memref<4x23x8x128xf32, #tpu.memory_space<vmem>>, vector<16xf32>,
      %exp3A_335 = math.exp %get3A_334 : vector<16xf32>
      %get3A_336 = arith.constant 3 : i32
      %get3A_337 = arith.constant 19 : i32
      %get3A_338 = arith.index_cast %get3A_336 : i32 to index
      %get3A_339 = arith.index_cast %get3A_337 : i32 to index
      %get3A_340 = arith.index_cast %and3A_182 : i32 to index
      %get3A_341 = arith.index_cast %mul3A_185 : i32 to index
      %get3A_342 = tpu.vector_load %arg4[%get3A_338, %get3A_339, %get3A_340, %get3A_341] {strides = array<i32>} : memref<4x23x8x128xf32, #tpu.memory_space<vmem>>, vector<16xf32>,
      %exp3A_343 = math.exp %get3A_342 : vector<16xf32>
      %get3A_344 = arith.constant 3 : i32
      %get3A_345 = arith.constant 20 : i32
      %get3A_346 = arith.index_cast %get3A_344 : i32 to index
      %get3A_347 = arith.index_cast %get3A_345 : i32 to index
      %get3A_348 = arith.index_cast %and3A_182 : i32 to index
      %get3A_349 = arith.index_cast %mul3A_185 : i32 to index
      %get3A_350 = tpu.vector_load %arg4[%get3A_346, %get3A_347, %get3A_348, %get3A_349] {strides = array<i32>} : memref<4x23x8x128xf32, #tpu.memory_space<vmem>>, vector<16xf32>,
      %exp3A_351 = math.exp %get3A_350 : vector<16xf32>
      %get3A_352 = arith.constant 3 : i32
      %get3A_353 = arith.constant 21 : i32
      %get3A_354 = arith.index_cast %get3A_352 : i32 to index
      %get3A_355 = arith.index_cast %get3A_353 : i32 to index
      %get3A_356 = arith.index_cast %and3A_182 : i32 to index
      %get3A_357 = arith.index_cast %mul3A_185 : i32 to index
      %get3A_358 = tpu.vector_load %arg4[%get3A_354, %get3A_355, %get3A_356, %get3A_357] {strides = array<i32>} : memref<4x23x8x128xf32, #tpu.memory_space<vmem>>, vector<16xf32>,
      %exp3A_359 = math.exp %get3A_358 : vector<16xf32>
      %get3A_360 = arith.constant 3 : i32
      %get3A_361 = arith.constant 22 : i32
      %get3A_362 = arith.index_cast %get3A_360 : i32 to index
      %get3A_363 = arith.index_cast %get3A_361 : i32 to index
      %get3A_364 = arith.index_cast %and3A_182 : i32 to index
      %get3A_365 = arith.index_cast %mul3A_185 : i32 to index
      %get3A_366 = tpu.vector_load %arg4[%get3A_362, %get3A_363, %get3A_364, %get3A_365] {strides = array<i32>} : memref<4x23x8x128xf32, #tpu.memory_space<vmem>>, vector<16xf32>,
      %exp3A_367 = math.exp %get3A_366 : vector<16xf32>
      %add3A_368 = arith.addf %exp3A_351, %exp3A_359 : vector<16xf32>
      %add3A_369 = arith.addf %add3A_368, %exp3A_367 : vector<16xf32>
      %add3A_370 = arith.addf %exp3A, %exp3A_199 : vector<16xf32>
      %add3A_371 = arith.addf %exp3A_207, %exp3A_215 : vector<16xf32>
      %add3A_372 = arith.addf %exp3A_223, %exp3A_231 : vector<16xf32>
      %add3A_373 = arith.addf %exp3A_239, %exp3A_247 : vector<16xf32>
      %add3A_374 = arith.addf %exp3A_255, %exp3A_263 : vector<16xf32>
      %add3A_375 = arith.addf %exp3A_271, %exp3A_279 : vector<16xf32>
      %add3A_376 = arith.addf %exp3A_287, %exp3A_295 : vector<16xf32>
      %add3A_377 = arith.addf %exp3A_303, %exp3A_311 : vector<16xf32>
      %add3A_378 = arith.addf %exp3A_319, %exp3A_327 : vector<16xf32>
      %add3A_379 = arith.addf %exp3A_335, %exp3A_343 : vector<16xf32>
      %add3A_380 = arith.addf %add3A_370, %add3A_371 : vector<16xf32>
      %add3A_381 = arith.addf %add3A_372, %add3A_373 : vector<16xf32>
      %add3A_382 = arith.addf %add3A_374, %add3A_375 : vector<16xf32>
      %add3A_383 = arith.addf %add3A_376, %add3A_377 : vector<16xf32>
      %add3A_384 = arith.addf %add3A_378, %add3A_379 : vector<16xf32>
      %add3A_385 = arith.addf %add3A_380, %add3A_381 : vector<16xf32>
      %add3A_386 = arith.addf %add3A_382, %add3A_383 : vector<16xf32>
      %add3A_387 = arith.addf %add3A_385, %add3A_386 : vector<16xf32>
      %add3A_388 = arith.addf %add3A_387, %add3A_384 : vector<16xf32>
      %add3A_389 = arith.addf %add3A_388, %add3A_369 : vector<16xf32>
      %sub3A = arith.subf %add3A_389, %add3A_369 : vector<16xf32>
      %mul3A_390 = arith.mulf %add3A_389, %add3A_389 : vector<16xf32>
      %div3A = arith.divf %sub3A, %mul3A_390 : vector<16xf32>
      %mul3A_391 = arith.constant 16 : i32
      %mul3A_392 = arith.muli %and3A_182, %mul3A_391 : i32
      %add3A_393 = arith.constant 0 : i32
      %add3A_394 = arith.addi %add3A_393, %mul3A_392 : i32
      %mul3A_395 = arith.mulf %exp3A, %div3A : vector<16xf32>
      %swap3A = arith.index_cast %add3A_394 : i32 to index
      %swap3A_396 = tpu.vector_load %arg5[%swap3A] {strides = array<i32>} : memref<2944xf32, #tpu.memory_space<vmem>>, vector<16xf32>,
      tpu.vector_store %arg5[%swap3A], %mul3A_395 {add = true, strides = array<i32>} : memref<2944xf32, #tpu.memory_space<vmem>>, vector<16xf32>,
      %mul3A_397 = arith.constant 16 : i32
      %mul3A_398 = arith.muli %and3A_182, %mul3A_397 : i32
      %add3A_399 = arith.constant 128 : i32
      %add3A_400 = arith.addi %add3A_399, %mul3A_398 : i32
      %mul3A_401 = arith.mulf %exp3A_199, %div3A : vector<16xf32>
      %swap3A_402 = arith.index_cast %add3A_400 : i32 to index
      %swap3A_403 = tpu.vector_load %arg5[%swap3A_402] {strides = array<i32>} : memref<2944xf32, #tpu.memory_space<vmem>>, vector<16xf32>,
      tpu.vector_store %arg5[%swap3A_402], %mul3A_401 {add = true, strides = array<i32>} : memref<2944xf32, #tpu.memory_space<vmem>>, vector<16xf32>,
      %mul3A_404 = arith.constant 16 : i32
      %mul3A_405 = arith.muli %and3A_182, %mul3A_404 : i32
      %add3A_406 = arith.constant 256 : i32
      %add3A_407 = arith.addi %add3A_406, %mul3A_405 : i32
      %mul3A_408 = arith.mulf %exp3A_207, %div3A : vector<16xf32>
      %swap3A_409 = arith.index_cast %add3A_407 : i32 to index
      %swap3A_410 = tpu.vector_load %arg5[%swap3A_409] {strides = array<i32>} : memref<2944xf32, #tpu.memory_space<vmem>>, vector<16xf32>,
      tpu.vector_store %arg5[%swap3A_409], %mul3A_408 {add = true, strides = array<i32>} : memref<2944xf32, #tpu.memory_space<vmem>>, vector<16xf32>,
      %mul3A_411 = arith.constant 16 : i32
      %mul3A_412 = arith.muli %and3A_182, %mul3A_411 : i32
      %add3A_413 = arith.constant 384 : i32
      %add3A_414 = arith.addi %add3A_413, %mul3A_412 : i32
      %mul3A_415 = arith.mulf %exp3A_215, %div3A : vector<16xf32>
      %swap3A_416 = arith.index_cast %add3A_414 : i32 to index
      %swap3A_417 = tpu.vector_load %arg5[%swap3A_416] {strides = array<i32>} : memref<2944xf32, #tpu.memory_space<vmem>>, vector<16xf32>,
      tpu.vector_store %arg5[%swap3A_416], %mul3A_415 {add = true, strides = array<i32>} : memref<2944xf32, #tpu.memory_space<vmem>>, vector<16xf32>,
      %mul3A_418 = arith.constant 16 : i32
      %mul3A_419 = arith.muli %and3A_182, %mul3A_418 : i32
      %add3A_420 = arith.constant 512 : i32
      %add3A_421 = arith.addi %add3A_420, %mul3A_419 : i32
      %mul3A_422 = arith.mulf %exp3A_223, %div3A : vector<16xf32>
      %swap3A_423 = arith.index_cast %add3A_421 : i32 to index
      %swap3A_424 = tpu.vector_load %arg5[%swap3A_423] {strides = array<i32>} : memref<2944xf32, #tpu.memory_space<vmem>>, vector<16xf32>,
      tpu.vector_store %arg5[%swap3A_423], %mul3A_422 {add = true, strides = array<i32>} : memref<2944xf32, #tpu.memory_space<vmem>>, vector<16xf32>,
      %mul3A_425 = arith.constant 16 : i32
      %mul3A_426 = arith.muli %and3A_182, %mul3A_425 : i32
      %add3A_427 = arith.constant 640 : i32
      %add3A_428 = arith.addi %add3A_427, %mul3A_426 : i32
      %mul3A_429 = arith.mulf %exp3A_231, %div3A : vector<16xf32>
      %swap3A_430 = arith.index_cast %add3A_428 : i32 to index
      %swap3A_431 = tpu.vector_load %arg5[%swap3A_430] {strides = array<i32>} : memref<2944xf32, #tpu.memory_space<vmem>>, vector<16xf32>,
      tpu.vector_store %arg5[%swap3A_430], %mul3A_429 {add = true, strides = array<i32>} : memref<2944xf32, #tpu.memory_space<vmem>>, vector<16xf32>,
      %mul3A_432 = arith.constant 16 : i32
      %mul3A_433 = arith.muli %and3A_182, %mul3A_432 : i32
      %add3A_434 = arith.constant 768 : i32
      %add3A_435 = arith.addi %add3A_434, %mul3A_433 : i32
      %mul3A_436 = arith.mulf %exp3A_239, %div3A : vector<16xf32>
      %swap3A_437 = arith.index_cast %add3A_435 : i32 to index
      %swap3A_438 = tpu.vector_load %arg5[%swap3A_437] {strides = array<i32>} : memref<2944xf32, #tpu.memory_space<vmem>>, vector<16xf32>,
      tpu.vector_store %arg5[%swap3A_437], %mul3A_436 {add = true, strides = array<i32>} : memref<2944xf32, #tpu.memory_space<vmem>>, vector<16xf32>,
      %mul3A_439 = arith.constant 16 : i32
      %mul3A_440 = arith.muli %and3A_182, %mul3A_439 : i32
      %add3A_441 = arith.constant 896 : i32
      %add3A_442 = arith.addi %add3A_441, %mul3A_440 : i32
      %mul3A_443 = arith.mulf %exp3A_247, %div3A : vector<16xf32>
      %swap3A_444 = arith.index_cast %add3A_442 : i32 to index
      %swap3A_445 = tpu.vector_load %arg5[%swap3A_444] {strides = array<i32>} : memref<2944xf32, #tpu.memory_space<vmem>>, vector<16xf32>,
      tpu.vector_store %arg5[%swap3A_444], %mul3A_443 {add = true, strides = array<i32>} : memref<2944xf32, #tpu.memory_space<vmem>>, vector<16xf32>,
      %mul3A_446 = arith.constant 16 : i32
      %mul3A_447 = arith.muli %and3A_182, %mul3A_446 : i32
      %add3A_448 = arith.constant 1024 : i32
      %add3A_449 = arith.addi %add3A_448, %mul3A_447 : i32
      %mul3A_450 = arith.mulf %exp3A_255, %div3A : vector<16xf32>
      %swap3A_451 = arith.index_cast %add3A_449 : i32 to index
      %swap3A_452 = tpu.vector_load %arg5[%swap3A_451] {strides = array<i32>} : memref<2944xf32, #tpu.memory_space<vmem>>, vector<16xf32>,
      tpu.vector_store %arg5[%swap3A_451], %mul3A_450 {add = true, strides = array<i32>} : memref<2944xf32, #tpu.memory_space<vmem>>, vector<16xf32>,
      %mul3A_453 = arith.constant 16 : i32
      %mul3A_454 = arith.muli %and3A_182, %mul3A_453 : i32
      %add3A_455 = arith.constant 1152 : i32
      %add3A_456 = arith.addi %add3A_455, %mul3A_454 : i32
      %mul3A_457 = arith.mulf %exp3A_263, %div3A : vector<16xf32>
      %swap3A_458 = arith.index_cast %add3A_456 : i32 to index
      %swap3A_459 = tpu.vector_load %arg5[%swap3A_458] {strides = array<i32>} : memref<2944xf32, #tpu.memory_space<vmem>>, vector<16xf32>,
      tpu.vector_store %arg5[%swap3A_458], %mul3A_457 {add = true, strides = array<i32>} : memref<2944xf32, #tpu.memory_space<vmem>>, vector<16xf32>,
      %mul3A_460 = arith.constant 16 : i32
      %mul3A_461 = arith.muli %and3A_182, %mul3A_460 : i32
      %add3A_462 = arith.constant 1280 : i32
      %add3A_463 = arith.addi %add3A_462, %mul3A_461 : i32
      %mul3A_464 = arith.mulf %exp3A_271, %div3A : vector<16xf32>
      %swap3A_465 = arith.index_cast %add3A_463 : i32 to index
      %swap3A_466 = tpu.vector_load %arg5[%swap3A_465] {strides = array<i32>} : memref<2944xf32, #tpu.memory_space<vmem>>, vector<16xf32>,
      tpu.vector_store %arg5[%swap3A_465], %mul3A_464 {add = true, strides = array<i32>} : memref<2944xf32, #tpu.memory_space<vmem>>, vector<16xf32>,
      %mul3A_467 = arith.constant 16 : i32
      %mul3A_468 = arith.muli %and3A_182, %mul3A_467 : i32
      %add3A_469 = arith.constant 1408 : i32
      %add3A_470 = arith.addi %add3A_469, %mul3A_468 : i32
      %mul3A_471 = arith.mulf %exp3A_279, %div3A : vector<16xf32>
      %swap3A_472 = arith.index_cast %add3A_470 : i32 to index
      %swap3A_473 = tpu.vector_load %arg5[%swap3A_472] {strides = array<i32>} : memref<2944xf32, #tpu.memory_space<vmem>>, vector<16xf32>,
      tpu.vector_store %arg5[%swap3A_472], %mul3A_471 {add = true, strides = array<i32>} : memref<2944xf32, #tpu.memory_space<vmem>>, vector<16xf32>,
      %mul3A_474 = arith.constant 16 : i32
      %mul3A_475 = arith.muli %and3A_182, %mul3A_474 : i32
      %add3A_476 = arith.constant 1536 : i32
      %add3A_477 = arith.addi %add3A_476, %mul3A_475 : i32
      %mul3A_478 = arith.mulf %exp3A_287, %div3A : vector<16xf32>
      %swap3A_479 = arith.index_cast %add3A_477 : i32 to index
      %swap3A_480 = tpu.vector_load %arg5[%swap3A_479] {strides = array<i32>} : memref<2944xf32, #tpu.memory_space<vmem>>, vector<16xf32>,
      tpu.vector_store %arg5[%swap3A_479], %mul3A_478 {add = true, strides = array<i32>} : memref<2944xf32, #tpu.memory_space<vmem>>, vector<16xf32>,
      %mul3A_481 = arith.constant 16 : i32
      %mul3A_482 = arith.muli %and3A_182, %mul3A_481 : i32
      %add3A_483 = arith.constant 1664 : i32
      %add3A_484 = arith.addi %add3A_483, %mul3A_482 : i32
      %mul3A_485 = arith.mulf %exp3A_295, %div3A : vector<16xf32>
      %swap3A_486 = arith.index_cast %add3A_484 : i32 to index
      %swap3A_487 = tpu.vector_load %arg5[%swap3A_486] {strides = array<i32>} : memref<2944xf32, #tpu.memory_space<vmem>>, vector<16xf32>,
      tpu.vector_store %arg5[%swap3A_486], %mul3A_485 {add = true, strides = array<i32>} : memref<2944xf32, #tpu.memory_space<vmem>>, vector<16xf32>,
      %mul3A_488 = arith.constant 16 : i32
      %mul3A_489 = arith.muli %and3A_182, %mul3A_488 : i32
      %add3A_490 = arith.constant 1792 : i32
      %add3A_491 = arith.addi %add3A_490, %mul3A_489 : i32
      %mul3A_492 = arith.mulf %exp3A_303, %div3A : vector<16xf32>
      %swap3A_493 = arith.index_cast %add3A_491 : i32 to index
      %swap3A_494 = tpu.vector_load %arg5[%swap3A_493] {strides = array<i32>} : memref<2944xf32, #tpu.memory_space<vmem>>, vector<16xf32>,
      tpu.vector_store %arg5[%swap3A_493], %mul3A_492 {add = true, strides = array<i32>} : memref<2944xf32, #tpu.memory_space<vmem>>, vector<16xf32>,
      %mul3A_495 = arith.constant 16 : i32
      %mul3A_496 = arith.muli %and3A_182, %mul3A_495 : i32
      %add3A_497 = arith.constant 1920 : i32
      %add3A_498 = arith.addi %add3A_497, %mul3A_496 : i32
      %mul3A_499 = arith.mulf %exp3A_311, %div3A : vector<16xf32>
      %swap3A_500 = arith.index_cast %add3A_498 : i32 to index
      %swap3A_501 = tpu.vector_load %arg5[%swap3A_500] {strides = array<i32>} : memref<2944xf32, #tpu.memory_space<vmem>>, vector<16xf32>,
      tpu.vector_store %arg5[%swap3A_500], %mul3A_499 {add = true, strides = array<i32>} : memref<2944xf32, #tpu.memory_space<vmem>>, vector<16xf32>,
      %mul3A_502 = arith.constant 16 : i32
      %mul3A_503 = arith.muli %and3A_182, %mul3A_502 : i32
      %add3A_504 = arith.constant 2048 : i32
      %add3A_505 = arith.addi %add3A_504, %mul3A_503 : i32
      %mul3A_506 = arith.mulf %exp3A_319, %div3A : vector<16xf32>
      %swap3A_507 = arith.index_cast %add3A_505 : i32 to index
      %swap3A_508 = tpu.vector_load %arg5[%swap3A_507] {strides = array<i32>} : memref<2944xf32, #tpu.memory_space<vmem>>, vector<16xf32>,
      tpu.vector_store %arg5[%swap3A_507], %mul3A_506 {add = true, strides = array<i32>} : memref<2944xf32, #tpu.memory_space<vmem>>, vector<16xf32>,
      %mul3A_509 = arith.constant 16 : i32
      %mul3A_510 = arith.muli %and3A_182, %mul3A_509 : i32
      %add3A_511 = arith.constant 2176 : i32
      %add3A_512 = arith.addi %add3A_511, %mul3A_510 : i32
      %mul3A_513 = arith.mulf %exp3A_327, %div3A : vector<16xf32>
      %swap3A_514 = arith.index_cast %add3A_512 : i32 to index
      %swap3A_515 = tpu.vector_load %arg5[%swap3A_514] {strides = array<i32>} : memref<2944xf32, #tpu.memory_space<vmem>>, vector<16xf32>,
      tpu.vector_store %arg5[%swap3A_514], %mul3A_513 {add = true, strides = array<i32>} : memref<2944xf32, #tpu.memory_space<vmem>>, vector<16xf32>,
      %mul3A_516 = arith.constant 16 : i32
      %mul3A_517 = arith.muli %and3A_182, %mul3A_516 : i32
      %add3A_518 = arith.constant 2304 : i32
      %add3A_519 = arith.addi %add3A_518, %mul3A_517 : i32
      %mul3A_520 = arith.mulf %exp3A_335, %div3A : vector<16xf32>
      %swap3A_521 = arith.index_cast %add3A_519 : i32 to index
      %swap3A_522 = tpu.vector_load %arg5[%swap3A_521] {strides = array<i32>} : memref<2944xf32, #tpu.memory_space<vmem>>, vector<16xf32>,
      tpu.vector_store %arg5[%swap3A_521], %mul3A_520 {add = true, strides = array<i32>} : memref<2944xf32, #tpu.memory_space<vmem>>, vector<16xf32>,
      %mul3A_523 = arith.constant 16 : i32
      %mul3A_524 = arith.muli %and3A_182, %mul3A_523 : i32
      %add3A_525 = arith.constant 2432 : i32
      %add3A_526 = arith.addi %add3A_525, %mul3A_524 : i32
      %mul3A_527 = arith.mulf %exp3A_343, %div3A : vector<16xf32>
      %swap3A_528 = arith.index_cast %add3A_526 : i32 to index
      %swap3A_529 = tpu.vector_load %arg5[%swap3A_528] {strides = array<i32>} : memref<2944xf32, #tpu.memory_space<vmem>>, vector<16xf32>,
      tpu.vector_store %arg5[%swap3A_528], %mul3A_527 {add = true, strides = array<i32>} : memref<2944xf32, #tpu.memory_space<vmem>>, vector<16xf32>,
      %mul3A_530 = arith.constant 16 : i32
      %mul3A_531 = arith.muli %and3A_182, %mul3A_530 : i32
      %add3A_532 = arith.constant 2560 : i32
      %add3A_533 = arith.addi %add3A_532, %mul3A_531 : i32
      %mul3A_534 = arith.mulf %exp3A_351, %div3A : vector<16xf32>
      %swap3A_535 = arith.index_cast %add3A_533 : i32 to index
      %swap3A_536 = tpu.vector_load %arg5[%swap3A_535] {strides = array<i32>} : memref<2944xf32, #tpu.memory_space<vmem>>, vector<16xf32>,
      tpu.vector_store %arg5[%swap3A_535], %mul3A_534 {add = true, strides = array<i32>} : memref<2944xf32, #tpu.memory_space<vmem>>, vector<16xf32>,
      %mul3A_537 = arith.constant 16 : i32
      %mul3A_538 = arith.muli %and3A_182, %mul3A_537 : i32
      %add3A_539 = arith.constant 2688 : i32
      %add3A_540 = arith.addi %add3A_539, %mul3A_538 : i32
      %mul3A_541 = arith.mulf %exp3A_359, %div3A : vector<16xf32>
      %swap3A_542 = arith.index_cast %add3A_540 : i32 to index
      %swap3A_543 = tpu.vector_load %arg5[%swap3A_542] {strides = array<i32>} : memref<2944xf32, #tpu.memory_space<vmem>>, vector<16xf32>,
      tpu.vector_store %arg5[%swap3A_542], %mul3A_541 {add = true, strides = array<i32>} : memref<2944xf32, #tpu.memory_space<vmem>>, vector<16xf32>,
      %mul3A_544 = arith.constant 16 : i32
      %mul3A_545 = arith.muli %and3A_182, %mul3A_544 : i32
      %add3A_546 = arith.constant 2816 : i32
      %add3A_547 = arith.addi %add3A_546, %mul3A_545 : i32
      %mul3A_548 = arith.mulf %exp3A_367, %div3A : vector<16xf32>
      %swap3A_549 = arith.index_cast %add3A_547 : i32 to index
      %swap3A_550 = tpu.vector_load %arg5[%swap3A_549] {strides = array<i32>} : memref<2944xf32, #tpu.memory_space<vmem>>, vector<16xf32>,
      tpu.vector_store %arg5[%swap3A_549], %mul3A_548 {add = true, strides = array<i32>} : memref<2944xf32, #tpu.memory_space<vmem>>, vector<16xf32>,
      %scan3A_551 = arith.constant 0 : i32
      scf.yield %scan3A_551 : i32
    }
    %scan3A_177 = arith.constant 64 : i32
    %mul3A_178 = arith.constant 2944 : i32
    %mul3A_179 = arith.muli %add3A, %mul3A_178 : i32
    "tpu.region"() ({
      %run_scoped3A = tpu.sem_alloc : memref<!tpu.dma_semaphore, #tpu.memory_space<semaphore_mem>>
      %dma_start3A_180 = tpu.memref_slice %arg3[%mul3A_179] : memref<94208xf32, #tpu.memory_space<hbm>> -> memref<2944xf32, #tpu.memory_space<hbm>>
      %dma_start3A_181 = tpu.memref_slice %arg3[%mul3A_179] : memref<94208xf32, #tpu.memory_space<hbm>> -> memref<2944xf32, #tpu.memory_space<hbm>>
      tpu.enqueue_dma source(%arg5 : memref<2944xf32, #tpu.memory_space<vmem>>) target(%dma_start3A_181 : memref<2944xf32, #tpu.memory_space<hbm>>) target_semaphore(%run_scoped3A : memref<!tpu.dma_semaphore, #tpu.memory_space<semaphore_mem>>)
      %dma_wait3A_182 = tpu.memref_slice %arg3[%mul3A_179] : memref<94208xf32, #tpu.memory_space<hbm>> -> memref<2944xf32, #tpu.memory_space<hbm>>
      %dma_wait3A_183 = tpu.memref_slice %arg3[%mul3A_179] : memref<94208xf32, #tpu.memory_space<hbm>> -> memref<2944xf32, #tpu.memory_space<hbm>>
      tpu.wait_dma2 semaphore(%run_scoped3A : memref<!tpu.dma_semaphore, #tpu.memory_space<semaphore_mem>>) src(%arg5 : memref<2944xf32, #tpu.memory_space<vmem>>) dst(%dma_wait3A_183 : memref<2944xf32, #tpu.memory_space<hbm>>)
      tpu.yield
    }) : () -> ()
    return
  }
}

module attributes {stable_mosaic.version = 14 : i64} {
  func.func @_epilogue_body(%arg0: memref<736x128xf32, #tpu.memory_space<vmem>>, %arg1: memref<16x8xf32, #tpu.memory_space<vmem>>, %arg2: memref<1x1xf32, #tpu.memory_space<vmem>>) attributes {dimension_semantics = [], scalar_prefetch = 0 : i64, scratch_operands = 0 : i64, tpu.core_type = #tpu.core_type<tc>} {
    %get3A = arith.constant 0 : index
    %get3A_0 = arith.constant 0 : index
    %get3A_1 = vector.load %arg0[%get3A, %get3A_0] : memref<736x128xf32, #tpu.memory_space<vmem>>, vector<736x128xf32>
    %reshape3A = vector.shape_cast %get3A_1 : vector<736x128xf32> to vector<2x16x23x128xf32>
    %reduce_sum3A = arith.constant dense<0.000000e+00> : vector<2x23x128xf32>
    %reduce_sum3A_2 = vector.multi_reduction <add>, %reshape3A, %reduce_sum3A [1] : vector<2x16x23x128xf32> to vector<2x23x128xf32>
    %reshape3A_3 = vector.shape_cast %reduce_sum3A_2 : vector<2x23x128xf32> to vector<46x128xf32>
    %iota3A = tpu.iota {dimensions = array<i32: 0>} : vector<128x8xi32>
    %jit3A = arith.constant 16 : i32
    %div3A = vector.broadcast %jit3A : i32 to vector<128x8xi32>
    %div3A_4 = arith.divsi %iota3A, %div3A : vector<128x8xi32>
    %sign3A = arith.constant 0 : i32
    %sign3A_5 = vector.broadcast %sign3A : i32 to vector<128x8xi32>
    %sign3A_6 = arith.cmpi sgt, %iota3A, %sign3A_5 : vector<128x8xi32>
    %sign3A_7 = arith.extui %sign3A_6 : vector<128x8xi1> to vector<128x8xi32>
    %sign3A_8 = arith.constant 0 : i32
    %sign3A_9 = vector.broadcast %sign3A_8 : i32 to vector<128x8xi32>
    %sign3A_10 = arith.cmpi slt, %iota3A, %sign3A_9 : vector<128x8xi32>
    %sign3A_11 = arith.extui %sign3A_10 : vector<128x8xi1> to vector<128x8xi32>
    %sign3A_12 = arith.subi %sign3A_7, %sign3A_11 : vector<128x8xi32>
    %sign3A_13 = arith.constant 0 : i32
    %sign3A_14 = arith.cmpi sgt, %jit3A, %sign3A_13 : i32
    %sign3A_15 = arith.extui %sign3A_14 : i1 to i32
    %sign3A_16 = arith.constant 0 : i32
    %sign3A_17 = arith.cmpi slt, %jit3A, %sign3A_16 : i32
    %sign3A_18 = arith.extui %sign3A_17 : i1 to i32
    %sign3A_19 = arith.subi %sign3A_15, %sign3A_18 : i32
    %ne3A = vector.broadcast %sign3A_19 : i32 to vector<128x8xi32>
    %ne3A_20 = arith.cmpi ne, %sign3A_12, %ne3A : vector<128x8xi32>
    %rem3A = vector.broadcast %jit3A : i32 to vector<128x8xi32>
    %rem3A_21 = arith.remsi %iota3A, %rem3A : vector<128x8xi32>
    %ne3A_22 = arith.constant 0 : i32
    %ne3A_23 = vector.broadcast %ne3A_22 : i32 to vector<128x8xi32>
    %ne3A_24 = arith.cmpi ne, %rem3A_21, %ne3A_23 : vector<128x8xi32>
    %and3A = arith.andi %ne3A_20, %ne3A_24 : vector<128x8xi1>
    %sub3A = arith.constant 1 : i32
    %sub3A_25 = vector.broadcast %sub3A : i32 to vector<128x8xi32>
    %sub3A_26 = arith.subi %div3A_4, %sub3A_25 : vector<128x8xi32>
    %select_n3A = arith.select %and3A, %sub3A_26, %div3A_4 : vector<128x8xi1>, vector<128x8xi32>
    %iota3A_27 = tpu.iota {dimensions = array<i32: 1>} : vector<128x8xi32>
    %eq3A = arith.cmpi eq, %select_n3A, %iota3A_27 : vector<128x8xi32>
    %convert_element_type3A = arith.extui %eq3A : vector<128x8xi1> to vector<128x8xi32>
    %convert_element_type3A_28 = arith.sitofp %convert_element_type3A : vector<128x8xi32> to vector<128x8xf32>
    %dot_general3A = arith.constant dense<0.000000e+00> : vector<46x8xf32>
    %dot_general3A_29 = tpu.matmul %reshape3A_3, %convert_element_type3A_28, %dot_general3A {dimension_numbers = #tpu.dot_dimension_numbers<[1], [0], [0], [1], [0, 0, 1, 1], [], []>, precision = #tpu.contract_precision<fp32>, transpose_lhs_hint = false} : vector<46x128xf32>, vector<128x8xf32>, vector<46x8xf32> -> vector<46x8xf32>
    %reshape3A_30 = vector.shape_cast %dot_general3A_29 : vector<46x8xf32> to vector<2x23x8xf32>
    %iota3A_31 = tpu.iota {dimensions = array<i32: 0>} : vector<23x8xi32>
    %iota3A_32 = tpu.iota {dimensions = array<i32: 1>} : vector<23x8xi32>
    %broadcast_in_dim3A = arith.constant 0 : i32
    %broadcast_in_dim3A_33 = vector.broadcast %broadcast_in_dim3A : i32 to vector<23x8xi32>
    %ge3A = arith.constant 3 : i32
    %ge3A_34 = vector.broadcast %ge3A : i32 to vector<23x8xi32>
    %ge3A_35 = arith.cmpi sge, %iota3A_31, %ge3A_34 : vector<23x8xi32>
    %convert_element_type3A_36 = arith.extui %ge3A_35 : vector<23x8xi1> to vector<23x8xi32>
    %add3A = arith.addi %broadcast_in_dim3A_33, %convert_element_type3A_36 : vector<23x8xi32>
    %ge3A_37 = arith.constant 6 : i32
    %ge3A_38 = vector.broadcast %ge3A_37 : i32 to vector<23x8xi32>
    %ge3A_39 = arith.cmpi sge, %iota3A_31, %ge3A_38 : vector<23x8xi32>
    %convert_element_type3A_40 = arith.extui %ge3A_39 : vector<23x8xi1> to vector<23x8xi32>
    %add3A_41 = arith.addi %add3A, %convert_element_type3A_40 : vector<23x8xi32>
    %ge3A_42 = arith.constant 9 : i32
    %ge3A_43 = vector.broadcast %ge3A_42 : i32 to vector<23x8xi32>
    %ge3A_44 = arith.cmpi sge, %iota3A_31, %ge3A_43 : vector<23x8xi32>
    %convert_element_type3A_45 = arith.extui %ge3A_44 : vector<23x8xi1> to vector<23x8xi32>
    %add3A_46 = arith.addi %add3A_41, %convert_element_type3A_45 : vector<23x8xi32>
    %ge3A_47 = arith.constant 12 : i32
    %ge3A_48 = vector.broadcast %ge3A_47 : i32 to vector<23x8xi32>
    %ge3A_49 = arith.cmpi sge, %iota3A_31, %ge3A_48 : vector<23x8xi32>
    %convert_element_type3A_50 = arith.extui %ge3A_49 : vector<23x8xi1> to vector<23x8xi32>
    %add3A_51 = arith.addi %add3A_46, %convert_element_type3A_50 : vector<23x8xi32>
    %ge3A_52 = arith.constant 15 : i32
    %ge3A_53 = vector.broadcast %ge3A_52 : i32 to vector<23x8xi32>
    %ge3A_54 = arith.cmpi sge, %iota3A_31, %ge3A_53 : vector<23x8xi32>
    %convert_element_type3A_55 = arith.extui %ge3A_54 : vector<23x8xi1> to vector<23x8xi32>
    %add3A_56 = arith.addi %add3A_51, %convert_element_type3A_55 : vector<23x8xi32>
    %ge3A_57 = arith.constant 18 : i32
    %ge3A_58 = vector.broadcast %ge3A_57 : i32 to vector<23x8xi32>
    %ge3A_59 = arith.cmpi sge, %iota3A_31, %ge3A_58 : vector<23x8xi32>
    %convert_element_type3A_60 = arith.extui %ge3A_59 : vector<23x8xi1> to vector<23x8xi32>
    %add3A_61 = arith.addi %add3A_56, %convert_element_type3A_60 : vector<23x8xi32>
    %ge3A_62 = arith.constant 20 : i32
    %ge3A_63 = vector.broadcast %ge3A_62 : i32 to vector<23x8xi32>
    %ge3A_64 = arith.cmpi sge, %iota3A_31, %ge3A_63 : vector<23x8xi32>
    %convert_element_type3A_65 = arith.extui %ge3A_64 : vector<23x8xi1> to vector<23x8xi32>
    %add3A_66 = arith.addi %add3A_61, %convert_element_type3A_65 : vector<23x8xi32>
    %eq3A_67 = arith.cmpi eq, %add3A_66, %iota3A_32 : vector<23x8xi32>
    %convert_element_type3A_68 = arith.extui %eq3A_67 : vector<23x8xi1> to vector<23x8xi32>
    %convert_element_type3A_69 = arith.sitofp %convert_element_type3A_68 : vector<23x8xi32> to vector<23x8xf32>
    %dot_general3A_70 = arith.constant dense<0.000000e+00> : vector<2x8x8xf32>
    %dot_general3A_71 = tpu.matmul %reshape3A_30, %convert_element_type3A_69, %dot_general3A_70 {dimension_numbers = #tpu.dot_dimension_numbers<[1], [0], [0, 2], [1], [0, 0, 0, 2, 1, 1], [], []>, precision = #tpu.contract_precision<fp32>, transpose_lhs_hint = false} : vector<2x23x8xf32>, vector<23x8xf32>, vector<2x8x8xf32> -> vector<2x8x8xf32>
    %reshape3A_72 = vector.shape_cast %dot_general3A_71 : vector<2x8x8xf32> to vector<16x8xf32>
    %reduce_max3A = arith.constant dense<0xFF800000> : vector<16xf32>
    %reduce_max3A_73 = vector.multi_reduction <maximumf>, %reshape3A_72, %reduce_max3A [1] : vector<16x8xf32> to vector<16xf32>
    %max3A = arith.constant 0xFF800000 : f32
    %max3A_74 = vector.broadcast %max3A : f32 to vector<16xf32>
    %max3A_75 = arith.maximumf %max3A_74, %reduce_max3A_73 : vector<16xf32>
    %broadcast_in_dim3A_76 = vector.shape_cast %max3A_75 : vector<16xf32> to vector<16x1xf32>
    %sub3A_77 = vector.broadcast %broadcast_in_dim3A_76 : vector<16x1xf32> to vector<16x8xf32>
    %sub3A_78 = arith.subf %reshape3A_72, %sub3A_77 : vector<16x8xf32>
    %exp3A = math.exp %sub3A_78 : vector<16x8xf32>
    %reduce_sum3A_79 = arith.constant dense<0.000000e+00> : vector<16xf32>
    %reduce_sum3A_80 = vector.multi_reduction <add>, %exp3A, %reduce_sum3A_79 [1] : vector<16x8xf32> to vector<16xf32>
    %broadcast_in_dim3A_81 = vector.shape_cast %reduce_sum3A_80 : vector<16xf32> to vector<16x1xf32>
    %div3A_82 = vector.broadcast %broadcast_in_dim3A_81 : vector<16x1xf32> to vector<16x8xf32>
    %div3A_83 = arith.divf %exp3A, %div3A_82 : vector<16x8xf32>
    %get3A_84 = arith.constant 0 : index
    %get3A_85 = arith.constant 0 : index
    %get3A_86 = vector.load %arg1[%get3A_84, %get3A_85] : memref<16x8xf32, #tpu.memory_space<vmem>>, vector<16x8xf32>
    %div3A_87 = arith.constant 1.000000e+02 : f32
    %div3A_88 = vector.broadcast %div3A_87 : f32 to vector<16x8xf32>
    %div3A_89 = arith.divf %get3A_86, %div3A_88 : vector<16x8xf32>
    %reduce_max3A_90 = arith.constant dense<0xFF800000> : vector<16xf32>
    %reduce_max3A_91 = vector.multi_reduction <maximumf>, %div3A_89, %reduce_max3A_90 [1] : vector<16x8xf32> to vector<16xf32>
    %max3A_92 = arith.constant 0xFF800000 : f32
    %max3A_93 = vector.broadcast %max3A_92 : f32 to vector<16xf32>
    %max3A_94 = arith.maximumf %max3A_93, %reduce_max3A_91 : vector<16xf32>
    %broadcast_in_dim3A_95 = vector.shape_cast %max3A_94 : vector<16xf32> to vector<16x1xf32>
    %sub3A_96 = vector.broadcast %broadcast_in_dim3A_95 : vector<16x1xf32> to vector<16x8xf32>
    %sub3A_97 = arith.subf %div3A_89, %sub3A_96 : vector<16x8xf32>
    %exp3A_98 = math.exp %sub3A_97 : vector<16x8xf32>
    %reduce_sum3A_99 = arith.constant dense<0.000000e+00> : vector<16xf32>
    %reduce_sum3A_100 = vector.multi_reduction <add>, %exp3A_98, %reduce_sum3A_99 [1] : vector<16x8xf32> to vector<16xf32>
    %broadcast_in_dim3A_101 = vector.shape_cast %reduce_sum3A_100 : vector<16xf32> to vector<16x1xf32>
    %div3A_102 = vector.broadcast %broadcast_in_dim3A_101 : vector<16x1xf32> to vector<16x8xf32>
    %div3A_103 = arith.divf %exp3A_98, %div3A_102 : vector<16x8xf32>
    %add3A_104 = arith.constant 9.99999993E-9 : f32
    %add3A_105 = vector.broadcast %add3A_104 : f32 to vector<16x8xf32>
    %add3A_106 = arith.addf %div3A_83, %add3A_105 : vector<16x8xf32>
    %log3A = math.log %add3A_106 : vector<16x8xf32>
    %log3A_107 = math.log %div3A_103 : vector<16x8xf32>
    %sub3A_108 = arith.subf %log3A_107, %log3A : vector<16x8xf32>
    %mul3A = arith.mulf %div3A_103, %sub3A_108 : vector<16x8xf32>
    %reduce_sum3A_109 = arith.constant dense<0.000000e+00> : vector<16xf32>
    %reduce_sum3A_110 = vector.multi_reduction <add>, %mul3A, %reduce_sum3A_109 [1] : vector<16x8xf32> to vector<16xf32>
    %div3A_111 = arith.constant 8.000000e+00 : f32
    %div3A_112 = vector.broadcast %div3A_111 : f32 to vector<16xf32>
    %div3A_113 = arith.divf %reduce_sum3A_110, %div3A_112 : vector<16xf32>
    %reduce_sum3A_114 = vector.shape_cast %div3A_113 : vector<16xf32> to vector<1x16xf32>
    %reduce_sum3A_115 = arith.constant dense<0.000000e+00> : vector<1xf32>
    %reduce_sum3A_116 = vector.multi_reduction <add>, %reduce_sum3A_114, %reduce_sum3A_115 [1] : vector<1x16xf32> to vector<1xf32>
    %reduce_sum3A_117 = vector.shape_cast %reduce_sum3A_116 : vector<1xf32> to vector<1x1xf32>
    %reduce_sum3A_118 = vector.extract %reduce_sum3A_117[0, 0] : f32 from vector<1x1xf32>
    %div3A_119 = arith.constant 1.600000e+01 : f32
    %div3A_120 = arith.divf %reduce_sum3A_118, %div3A_119 : f32
    %broadcast_in_dim3A_121 = vector.broadcast %div3A_120 : f32 to vector<1x1xf32>
    %swap3A = arith.constant 0 : index
    %swap3A_122 = arith.constant 0 : index
    %swap3A_123 = vector.load %arg2[%swap3A, %swap3A_122] : memref<1x1xf32, #tpu.memory_space<vmem>>, vector<1x1xf32>
    tpu.vector_store %arg2[%swap3A, %swap3A_122], %broadcast_in_dim3A_121 {strides = array<i32>} : memref<1x1xf32, #tpu.memory_space<vmem>>, vector<1x1xf32>,
    return
  }
}

</mosaic_0001>

<sc_bundles>
// kernel: kernel.4.cloned.1.call-start
scs
__scs_entry_jumppad:
0x0: {  	(pc) =	sbr.rel $0x88, $3  }
0x1: {  	(tag) =	ssettag $0x0;
	lr =	simm.s32 $0x1  }
0x2: {  	[smem:$0x3F9F] =	sst lr;
	_ =	strace $0xD0000000  }
0x3: {  	_ = 	snop  }
0x4: {  	_ = 	snop  }
0x5: {  	_ = 	snop  }
0x6: {  	_ = 	snop  }
0x7: {  	_ = 	snop  }
__scs_overlays_trampoline_lowered:
0x8: {  	[smem:$0x3FAE] =	sst s0  }
0x9: {  	[smem:$0x3FAF] =	sst s1  }
0xa: {  	[smem:$0x3FB0] =	sst s2  }
0xb: {  	[smem:$0x3FB1] =	sst s3  }
0xc: {  	[smem:$0x3FB2] =	sst s4  }
0xd: {  	[smem:$0x3FB3] =	sst s5  }
0xe: {  	[smem:$0x3FB4] =	sst s6  }
0xf: {  	[smem:$0x3FB5] =	sst s7  }
0x10: {  	[smem:$0x3FB6] =	sst s8  }
0x11: {  	[smem:$0x3FB7] =	sst s9;
	s0 =	simm.s32 @!p0 $0x0  }
0x12: {  	s1 =	sld [smem:$0x3F9D];
	s0 =	simm.s32 @p0 $0x1  }
0x13: {  	[smem:$0x3FB8] =	sst s0;
	s0 =	simm.s32 @!p1 $0x0  }
0x14: {  	s2 =	sld [smem:$0x3F9C];
	s0 =	simm.s32 @p1 $0x1  }
0x15: {  	[smem:$0x3FB9] =	sst s0;
	s0 =	simm.s32 @!p2 $0x0  }
0x16: {  	s3 =	sld [smem:$0x3FDB];
	s0 =	simm.s32 @p2 $0x1  }
0x17: {  	s4 =	simm.s32 $0x1BF5;
	[smem:$0x3FBB] =	sst s0  }
0x18: {  	s0 =	sld [smem:$0x3F9E];
	_ =	swait.ge [sflag:s4], $0x0  }
0x19: {  	s7 =	sld [smem:$0x3F9F]  }
0x1a: {  	s8 =	sadd.s32 $0xFFFFE003, lr  }
0x1b: {  	s9 =	sadd.s32 $0xFFFFFEF7, lr;
	s5 =	simm.s32 $0xFFFFFFFF;
	p2 =	slt.u32 s8, $0xFFFFF086  }
0x1c: {  	p1 =	slt.u32 s9, $0xF7A;
	s5 =	simm.s32 @!p2 $0x0  }
0x1d: {  	s5 =	simm.s32 @p1 $0x1;
	p0 =	seq.s32 s7, s2  }
0x1e: {  	s7 =	smul.u32 @!p0 $0xF7A, s2;
	p2 =	seq.s32 @!p0 s5, $0x0  }
0x1f: {  	s9 =	smul.u32 $0xF7A, s1;
	s8 =	simm.s32 @!p0 $0x1BF5;
	p2 =	por !p2, p0  }
0x20: {  	[sflag:s8] =	ssyncset.s32 @!p0 $0xFFFFF086;
	s6 =	sadd.s32 @!p0 s3, s7;
	s7 =	simm.s32 @!p0 $0x108  }
0x21: {  	s3 =	sadd.s32 s3, s9;
	s6 =	sadd.s32 @!p0 $0x88, s6;
	s7 =	simm.s32 @p2 $0x1082  }
0x22: {  	[simem:s7], [sflag:s8] =	dma.local @!p0 [hbm:s6], $0xF7A  }
0x23: {  	s9 =	sor.u32 $0xD0000000, s2;
	s6 =	simm.s32 $0x108;
	_ =	swait.ge @!p0 [sflag:s8], $0x0  }
0x24: {  	s3 =	sadd.s32 $0x88, s3;
	s6 =	simm.s32 @!p1 $0x1082;
	[sflag:s4] =	ssyncset.s32 $0xFFFFF086  }
0x25: {  	[simem:s6], [sflag:s4] =	dma.local [hbm:s3], $0xF7A  }
0x26: {  	[smem:$0x3F9F] =	sst s1;
	(tag) =	ssettag s2;
	_ =	strace s9  }
0x27: {  	s1 =	sld [smem:$0x3FAF]  }
0x28: {  	s2 =	sld [smem:$0x3FB0]  }
0x29: {  	s4 =	sld [smem:$0x3FB2]  }
0x2a: {  	p0 =	seq.s32 s5, $0x0;
	s5 =	sld [smem:$0x3FB3]  }
0x2b: {  	s6 =	sld [smem:$0x3FB4]  }
0x2c: {  	s7 =	sld [smem:$0x3FB5]  }
0x2d: {  	s3 =	simm.s32 $0x108;
	s8 =	sld [smem:$0x3FB6]  }
0x2e: {  	s3 =	simm.s32 @!p0 $0x1082;
	s9 =	sld [smem:$0x3FB7]  }
0x2f: {  	lr =	sadd.s32 s0, s3;
	s0 =	sld [smem:$0x3FAE]  }
0x30: {  	s3 =	sld [smem:$0x3FB1]  }
0x31: {  	[smem:$0x3FBA] =	sst s10  }
0x32: {  	s10 =	sld [smem:$0x3FB8];
	_ =	sdelay $0x3  }
0x33: {  	p0 =	seq.s32 s10, $0x1;
	s10 =	sld [smem:$0x3FBA];
	_ =	sdelay $0x3  }
0x34: {  	[smem:$0x3FBA] =	sst s10  }
0x35: {  	s10 =	sld [smem:$0x3FB9];
	_ =	sdelay $0x3  }
0x36: {  	p1 =	seq.s32 s10, $0x1;
	s10 =	sld [smem:$0x3FBA];
	_ =	sdelay $0x3  }
0x37: {  	[smem:$0x3FBA] =	sst s10  }
0x38: {  	s10 =	sld [smem:$0x3FBB]  }
0x39: {  	_ = 	snop;
	(pc) =	sbr.ind lr, $3  }
0x3a: {  	_ = 	snop  }
0x3b: {  	_ = 	snop  }
0x3c: {  	p2 =	seq.s32 s10, $0x1;
	s10 =	sld [smem:$0x3FBA]  }
0x3d: {  	_ =	shalt  }
0x3e: {  	_ =	shalt  }
0x3f: {  	_ =	shalt  }
0x40: {  	_ =	shalt  }
0x41: {  	_ =	shalt  }
0x42: {  	_ =	shalt  }
0x43: {  	_ =	shalt  }
0x44: {  	_ =	shalt  }
0x45: {  	_ =	shalt  }
0x46: {  	_ =	shalt  }
0x47: {  	_ =	shalt  }
0x48: {  	_ =	shalt  }
0x49: {  	_ =	shalt  }
0x4a: {  	_ =	shalt  }
0x4b: {  	_ =	shalt  }
0x4c: {  	_ =	shalt  }
0x4d: {  	_ =	shalt  }
0x4e: {  	_ =	shalt  }
0x4f: {  	_ =	shalt  }
0x50: {  	_ =	shalt  }
0x51: {  	_ =	shalt  }
0x52: {  	_ =	shalt  }
0x53: {  	_ =	shalt  }
0x54: {  	_ =	shalt  }
0x55: {  	_ =	shalt  }
0x56: {  	_ =	shalt  }
0x57: {  	_ =	shalt  }
0x58: {  	_ =	shalt  }
0x59: {  	_ =	shalt  }
0x5a: {  	_ =	shalt  }
0x5b: {  	_ =	shalt  }
0x5c: {  	_ =	shalt  }
0x5d: {  	_ =	shalt  }
0x5e: {  	_ =	shalt  }
0x5f: {  	_ =	shalt  }
0x60: {  	_ =	shalt  }
0x61: {  	_ =	shalt  }
0x62: {  	_ =	shalt  }
0x63: {  	_ =	shalt  }
0x64: {  	_ =	shalt  }
0x65: {  	_ =	shalt  }
0x66: {  	_ =	shalt  }
0x67: {  	_ =	shalt  }
0x68: {  	_ =	shalt  }
0x69: {  	_ =	shalt  }
0x6a: {  	_ =	shalt  }
0x6b: {  	_ =	shalt  }
0x6c: {  	_ =	shalt  }
0x6d: {  	_ =	shalt  }
0x6e: {  	_ =	shalt  }
0x6f: {  	_ =	shalt  }
0x70: {  	_ =	shalt  }
0x71: {  	_ =	shalt  }
0x72: {  	_ =	shalt  }
0x73: {  	_ =	shalt  }
0x74: {  	_ =	shalt  }
0x75: {  	_ =	shalt  }
0x76: {  	_ =	shalt  }
0x77: {  	_ =	shalt  }
0x78: {  	_ =	shalt  }
0x79: {  	_ =	shalt  }
0x7a: {  	_ =	shalt  }
0x7b: {  	_ =	shalt  }
0x7c: {  	_ =	shalt  }
0x7d: {  	_ =	shalt  }
0x7e: {  	_ =	shalt  }
0x7f: {  	_ =	shalt  }
0x80: {  	_ =	shalt  }
0x81: {  	_ =	shalt  }
0x82: {  	_ =	shalt  }
0x83: {  	_ =	shalt  }
0x84: {  	_ =	shalt  }
0x85: {  	_ =	shalt  }
0x86: {  	_ =	shalt  }
0x87: {  	_ =	shalt  }
.Lfunc_end0:
.L_simem_size_0:
called_computation_lowered:
.L_overlay_start_0:
0x88: {  	s2 =	sld [smem:$0x3FD9]  }
0x89: {  	s3 =	sld [smem:$0x3FFE];
	_ =	sdelay $0x1  }
0x8a: {  	s1 =	srdreg.scid  }
0x8b: {  	s0 =	sand.u32 $0x1, s1  }
0x8c: {  	s17 =	sshll.u32 s0, $0xA;
	s2 =	sadd.s32 s3, s2  }
0x8d: {  	s2 =	sadd.s32 s2, s17  }
0x8e: {  	[smem:$0x3FC6] =	sst s2  }
0x8f: {  	_ = 	snop  }
0x90: {  	s2 =	sld [smem:$0x3FC9];
	(tm) =	ssettm $0x1  }
0x91: {  	s18 =	sld [smem:$0x3FFB];
	_ =	sdelay $0x3  }
0x92: {  	_ =	strace s18  }
0x93: {  	s3 =	sld [smem:$0x3FFC];
	_ =	sdelay $0x3  }
0x94: {  	_ =	strace s3  }
0x95: {  	s3 =	sld [smem:$0x3FFD];
	_ =	sdelay $0x3  }
0x96: {  	_ =	strace s3  }
0x97: {  	_ =	strace $0x8FFFFFFF  }
0x98: {  	s19 =	sld [smem:$0x3FDB];
	_ =	sdelay $0x1  }
0x99: {  	s4 =	simm.s32 $_scs_section_size  }
0x9a: {  	s5 =	simm.s32 $_size__tile_overlayer_lowered;
	s6 =	simm.s32 $_tile_overlayer_lowered  }
0x9b: {  	s22 =	simm.s32 $0x1BFF;
	s21 =	sshll.u32 s6, $0x1;
	s3 =	sadd.s32 s4, s19  }
0x9c: {  	s7 =	simm.s32 $0x0;
	s20 =	sshll.u32 s5, $0x1;
	s5 =	sadd.s32 s21, s3  }
0x9d: {  	[timem:s7], [sflag:s22] =	dma.local [hbm:s5], s20  }
0x9e: {  	_ =	swait.ge [sflag:s22], s20  }
0x9f: {  	s4 =	ssub.s32 $0x0, s20;
	[sflag:s22] =	ssyncset.done $0x0  }
0xa0: {  	[sflag:s22] =	ssyncadd.s32 s4;
	_ =	sdelay $0x1  }
0xa1: {  	s23 =	simm.s32 $0x1B8B  }
0xa2: {  	_ =	swait.ge [sflag:s23], $0x1  }
0xa3: {  	[sflag:s23] =	ssyncset.done $0x0  }
0xa4: {  	s25 =	simm.s32 $0x1B8E;
	s24 =	sld [smem:$0x3FFE];
	[sflag:s23] =	ssyncadd.s32 $0xFFFFFFFF  }
0xa5: {  	s26 =	simm.s32 $execute0_lowered;
	[smem:$0x3FD2] =	sst s25  }
0xa6: {  	s5 =	sshll.u32 s26, $0x1;
	_ =	strace $0x80000046;
	[dreg:$0x1] =	wrdreg $0xFFFFFFFF  }
0xa7: {  	s28 =	simm.s32 $_size_execute0_lowered;
	s3 =	sadd.s32 s3, s5;
	[dreg:$0x0] =	wrdreg $0x0  }
0xa8: {  	s5 =	sshll.u32 s28, $0x1;
	[dreg:$0x2] =	wrdreg s3  }
0xa9: {  	[dreg:$0x3] =	wrdreg s5  }
0xaa: {  	[dreg:$0x4] =	wrdreg $0xC0  }
0xab: {  	_ =	task [dreg:s7], $0x5FFFF  }
0xac: {  	[dreg:$0x1] =	wrdreg $0xFFFFFFFF  }
0xad: {  	[dreg:$0x0] =	wrdreg $0x60  }
0xae: {  	[dreg:$0x2] =	wrdreg s2  }
0xaf: {  	[dreg:$0x3] =	wrdreg s24  }
0xb0: {  	[dreg:$0x4] =	wrdreg $0x9  }
0xb1: {  	_ =	task.clear_ibuf [dreg:s7], $0x5FFFF;
	_ =	strace $0x90000046  }
0xb2: {  	s29 =	simm.s32 $0x9;
	_ =	strace $0x80000048  }
0xb3: {  	_ =	swait.ge [sflag:s29], $0x1  }
0xb4: {  	[sflag:s29] =	ssyncadd.s32 $0xFFFFFFFF  }
0xb5: {  	_ =	strace $0x90000048  }
0xb6: {  	_ =	sfence  }
0xb7: {  	s30 =	sld [smem:$0x0];
	_ =	sdelay $0x2  }
0xb8: {  	s31 =	sshll.u32 s1, $0xD;
	s1 =	sshrl.u32 s1, $0x2  }
0xb9: {  	s3 =	sand.u32 $0x4000, s31;
	s1 =	sadd.s32 s1, s30  }
0xba: {  	s0 =	sor.u32 s3, s0;
	s1 =	sshll.u32 s1, $0x11  }
0xbb: {  	s0 =	sor.u32 s1, s0  }
0xbc: {  	s0 =	sadd.s32 $0x8F2B, s0  }
0xbd: {  	[sflag:s0] =	ssyncadd.remote.s32 $0x1  }
0xbe: {  	_ =	sfence.sel $0xFFFF  }
0xbf: {  	[dreg:$0x0] =	wrdreg $0xFFFFFFFF;
	(pc) =	sbr.abs _section_cstart, $3  }
0xc0: {  	[dreg:$0x1] =	wrdreg $0xFFFFFFFF  }
0xc1: {  	_ =	task.clear_ibuf [dreg:s7], $0x2FFFF;
	_ =	strace $0x9FFFFFFF  }
0xc2: {  	(tm) =	ssettm $0x7FFFFFFF  }
0xc3: {  	_ =	shalt  }
tec
execute0_lowered:
.L_overlay_start_1:
0x0: {  	(tag) =	ssettag $0x1  }
0x1: {  	s3 =	rddreg [dreg:$0x0]  }
0x2: {  	s4 =	rddreg [dreg:$0x1]  }
0x3: {  	s1 =	srdreg.scid;
	s0 =	rddreg [dreg:$0x2]  }
0x4: {  	s2 =	simm.s32 $0x0;
	s10 =	simm.s32 $0x20000;
	s11 =	simm.s32 $0x5C00  }
0x5: {  	s12 =	simm.s32 $0xB800;
	s13 =	simm.s32 $0x11400;
	s14 =	simm.s32 $0x1  }
0x6: {  	s15 =	simm.s32 $0x2;
	s16 =	simm.s32 $0x3;
	s17 =	simm.s32 $0x4  }
0x7: {  	s18 =	simm.s32 $0x17000;
	s19 =	simm.s32 $0x5;
	s20 =	simm.s32 $0x0  }
0x8: {  	s5 =	sand.u32 $0x1, s1;
	s1 =	stileid.u32;
	[smem:$0x7FF] =	sst s2  }
0x9: {  	s6 =	sshll.u32 s5, $0x4;
	s7 =	sshll.u32 s5, $0xD;
	s8 =	sshll.u32 s1, $0x9  }
0xa: {  	s5 =	ssub.s32 $0x2, s5;
	s6 =	sor.u32 s1, s6;
	s7 =	sor.u32 s8, s7  }
0xb: {  	s31 =	sshrl.u32 s5, $0x1;
	s6 =	smul.u32 $0x170, s6;
	s3 =	sadd.s32 s3, s7  }
0xc: {  	_ =	strace $0x80000047;
	s9 =	ssub.s32 s5, s31;
	s5 =	sadd.s32 $0x100, s3  }
0xd: {  	s8 =	smax.u32 s9, $0x1;
	s9 =	simm.s32 $0x400;
	s30 =	sadd.s32 s6, s4  }
0xe: {  	v0 =	vimm.f32 $0.0e+00;
	s4 =	sadd.s32 $0x80, s3;
	s6 =	sadd.s32 $0x180, s3;
	s7 =	sadd.s32 $0x800, s30  }
.LBB2_1:
0xf: {  	[tilespmem:s2], [sflag:$0x1] =	stream.strided.gather [hbm4b:s3+s9], $0x5C00, s10, s9, $0x38;
	[tilespmem:$0x17B80] =	vst v63  }
0x10: {  	_ = 	snop  }
0x11: {  	[tilespmem:s11], [sflag:$0x2] =	stream.strided.gather [hbm4b:s4+s9], $0x5C00, s10, s9, $0x38;
	[tilespmem:$0x17B80] =	vst v63  }
0x12: {  	_ = 	snop  }
0x13: {  	[tilespmem:s12], [sflag:$0x3] =	stream.strided.gather [hbm4b:s5+s9], $0x5C00, s10, s9, $0x38;
	[tilespmem:$0x17B80] =	vst v63  }
0x14: {  	s21 =	simm.s32 $0x40;
	s22 =	simm.s32 $0x0  }
0x15: {  	[tilespmem:s13], [sflag:$0x4] =	stream.strided.gather [hbm4b:s6+s9], $0x5C00, s10, s9, $0x38;
	[tilespmem:$0x17B80] =	vst v63  }
.LBB2_2:
0x16: {  	p0 =	sne.s32 s21, $0x2DC0;
	[tilespmem:s22+$0x17000] =	vst v0;
	s22 =	smov.u32 s21;
	s21 =	sadd.s32 $0x40, s21  }
.Ltmp0:
0x17: {  	(pc) =	sbr.rel @p0 .LBB2_2-.Ltmp0, $2  }
0x18: {  	_ =	sdelay $0x2  }
0x19: {  	s22 =	sshra.s32 s22, $0x2  }
0x1a: {  	[tilespmem:s22+$0x17000] =	vst v0;
	s21 =	simm.s32 $0x0  }
0x1b: {  	_ =	swait.ge [sflag:s14], $0x5C00;
	s31 =	sand.u32 $0x7, s21  }
0x1c: {  	s23 =	sand.u32 $0x70, s21;
	[sflag:s14] =	ssyncset.done $0x0;
	s24 =	sshll.u32 s31, $0x7  }
0x1d: {  	[sflag:s14] =	ssyncadd.s32 $0xFFFFA400;
	s23 =	sor.u32 s23, s24  }
0x1e: {  	v1 =	vld [tilespmem:s23+$0xC00]  }
0x1f: {  	v2 =	vld [tilespmem:s23+$0x3000]  }
0x20: {  	v3 =	vld [tilespmem:s23+$0x2000]  }
0x21: {  	v4 =	vld [tilespmem:s23+$0x3C00]  }
0x22: {  	v5 =	vld [tilespmem:s23+$0x1C00]  }
0x23: {  	v6 =	vld [tilespmem:s23+$0x3800]  }
0x24: {  	v7 =	vld [tilespmem:s23+$0x3400];
	v1 =	vmul.f32 $1.442695020e+00, v1  }
0x25: {  	v8 =	vld [tilespmem:s23+$0x2800];
	v2 =	vmul.f32 $1.442695020e+00, v2;
	v3 =	vmul.f32 $1.442695020e+00, v3  }
0x26: {  	v4 =	vmul.f32 $1.442695020e+00, v4;
	(erf) = vpow2.f32 v1;
	v1 =	vld [tilespmem:s23+$0x1800]  }
0x27: {  	v5 =	vmul.f32 $1.442695020e+00, v5;
	(erf) = vpow2.f32 v2;
	v2 =	vld [tilespmem:s23+$0x0]  }
0x28: {  	(erf) = vpow2.f32 v3;
	v3 =	vmul.f32 $1.442695020e+00, v6;
	v6 =	vld [tilespmem:s23+$0x2400]  }
0x29: {  	v7 =	vmul.f32 $1.442695020e+00, v7;
	(erf) = vpow2.f32 v4;
	v4 =	vld [tilespmem:s23+$0x1400]  }
0x2a: {  	(erf) = vpow2.f32 v5;
	v5 =	vmul.f32 $1.442695020e+00, v8;
	v8 =	vld [tilespmem:s23+$0x2C00]  }
0x2b: {  	(erf) = vpow2.f32 v3;
	v1 =	vmul.f32 $1.442695020e+00, v1  }
0x2c: {  	v3 =	vld [tilespmem:s23+$0x400];
	(erf) = vpow2.f32 v7;
	v2 =	vmul.f32 $1.442695020e+00, v2  }
0x2d: {  	(erf) = vpow2.f32 v5;
	v5 =	vld [tilespmem:s23+$0x1000];
	v9 =	vmul.f32 $1.442695020e+00, v6  }
0x2e: {  	v7 =	vld [tilespmem:s23+$0x800];
	(erf) = vpow2.f32 v1;
	v4 =	vmul.f32 $1.442695020e+00, v4  }
0x2f: {  	(erf) = vpow2.f32 v2;
	v2 =	vmul.f32 $1.442695020e+00, v8  }
0x30: {  	v10 =	vld [tilespmem:s23+$0x4C00];
	v6 =	vpop (erf)  }
0x31: {  	v8 =	vld [tilespmem:s23+$0x4800];
	(erf) = vpow2.f32 v9;
	v1 =	vpop (erf);
	v3 =	vmul.f32 $1.442695020e+00, v3  }
0x32: {  	v9 =	vld [tilespmem:s23+$0x4400];
	(erf) = vpow2.f32 v4;
	v4 =	vpop (erf);
	v5 =	vmul.f32 $1.442695020e+00, v5  }
0x33: {  	v12 =	vld [tilespmem:s23+$0x4000];
	v11 =	vmul.f32 $1.442695020e+00, v7;
	(erf) = vpow2.f32 v2;
	v2 =	vpop (erf)  }
0x34: {  	(erf) = vpow2.f32 v3;
	v7 =	vpop (erf)  }
0x35: {  	v13 =	vld [tilespmem:s23+$0x5400];
	v10 =	vmul.f32 $1.442695020e+00, v10;
	(erf) = vpow2.f32 v11;
	v3 =	vpop (erf)  }
0x36: {  	v11 =	vld [tilespmem:s23+$0x5000];
	v14 =	vmul.f32 $1.442695020e+00, v8;
	(erf) = vpow2.f32 v5;
	v5 =	vpop (erf)  }
0x37: {  	v9 =	vmul.f32 $1.442695020e+00, v9;
	(erf) = vpow2.f32 v10;
	v8 =	vpop (erf)  }
0x38: {  	v15 =	vmul.f32 $1.442695020e+00, v12;
	v10 =	vld [tilespmem:s23+$0x5800];
	(erf) = vpow2.f32 v14;
	v12 =	vpop (erf)  }
0x39: {  	(erf) = vpow2.f32 v9;
	v20 =	vpop (erf)  }
0x3a: {  	v9 =	vmul.f32 $1.442695020e+00, v13;
	v13 =	vpop (erf);
	(erf) = vpow2.f32 v15  }
0x3b: {  	v11 =	vmul.f32 $1.442695020e+00, v11;
	v19 =	vpop (erf)  }
0x3c: {  	v16 =	vadd.f32 v5, v1;
	(erf) = vpow2.f32 v9;
	v14 =	vpop (erf)  }
0x3d: {  	v15 =	vadd.f32 v2, v3;
	v9 =	vmul.f32 $1.442695020e+00, v10;
	(erf) = vpow2.f32 v11;
	v23 =	vpop (erf)  }
0x3e: {  	v17 =	vadd.f32 v7, v12;
	v18 =	vadd.f32 v13, v4;
	v22 =	vpop (erf)  }
0x3f: {  	v15 =	vadd.f32 v15, v16;
	(erf) = vpow2.f32 v9;
	v9 =	vadd.f32 v14, v8;
	v21 =	vpop (erf)  }
0x40: {  	v24 =	vadd.f32 v23, v20;
	v10 =	vpop (erf);
	v26 =	vadd.f32 v19, v21  }
0x41: {  	v25 =	vadd.f32 v6, v22;
	v9 =	vadd.f32 v9, v18;
	v11 =	vpop (erf)  }
0x42: {  	v16 =	vpop (erf);
	v17 =	vadd.f32 v17, v26  }
0x43: {  	v24 =	vadd.f32 v25, v24;
	v9 =	vadd.f32 v15, v9;
	v18 =	vpop (erf)  }
0x44: {  	v25 =	vadd.f32 v10, v11;
	v26 =	vadd.f32 v16, v18  }
0x45: {  	v24 =	vadd.f32 v17, v24;
	v15 =	vpop (erf)  }
0x46: {  	v17 =	vpop (erf);
	v25 =	vadd.f32 v25, v26  }
0x47: {  	v24 =	vadd.f32 v9, v24;
	v26 =	vadd.f32 v15, v17  }
0x48: {  	v9 =	vpop (erf)  }
0x49: {  	s22 =	sshll.u32 s31, $0x4;
	s23 =	simm.s32 $0x1;
	v25 =	vadd.f32 v25, v24;
	v24 =	vadd.f32 v9, v26  }
.LBB2_4:
0x4a: {  	p0 =	sne.s32 s23, $0x3F  }
0x4b: {  	s21 =	sadd.s32 $0x2, s21;
	s24 =	smov.u32 s23;
	s23 =	sadd.s32 $0x1, s23;
	v25 =	vadd.f32 v24, v25  }
0x4c: {  	_ = 	snop  }
0x4d: {  	v24 =	vsub.f32 v25, v24;
	v25 =	vmul.f32 v25, v25;
	_ =	sdelay $0x1  }
0x4e: {  	(erf) = vrcp.f32 v25;
	_ =	sdelay $0x8  }
0x4f: {  	v25 =	vpop (erf)  }
0x50: {  	v24 =	vmul.f32 v25, v24;
	_ =	sdelay $0x1  }
0x51: {  	s26 =	sor.u32 $0x17000, s22;
	s28 =	sor.u32 $0x17080, s22;
	s24 =	sand.u32 $0x7, s24;
	v20 =	vmul.f32 v24, v20;
	v23 =	vmul.f32 v24, v23  }
0x52: {  	s29 =	sand.u32 $0x70, s21;
	s30 =	sshll.u32 s24, $0x7;
	s25 =	sshll.u32 s24, $0x4;
	v22 =	vmul.f32 v24, v22;
	v6 =	vmul.f32 v24, v6  }
0x53: {  	s24 =	sor.u32 s29, s30;
	v19 =	vmul.f32 v24, v19;
	[tilespmem:s26+$0x0] =	vst.add.f32.msk $0xffff, v20;
	s26 =	sor.u32 $0x17100, s22;
	v20 =	vmul.f32 v24, v21  }
0x54: {  	v12 =	vmul.f32 v24, v12;
	v7 =	vmul.f32 v24, v7;
	[tilespmem:s28+$0x0] =	vst.add.f32.msk $0xffff, v23;
	s28 =	sor.u32 $0x17180, s22  }
0x55: {  	v4 =	vmul.f32 v24, v4;
	v13 =	vmul.f32 v24, v13;
	[tilespmem:s26+$0x0] =	vst.add.f32.msk $0xffff, v22;
	s26 =	sor.u32 $0x17200, s22  }
0x56: {  	[tilespmem:s28+$0x0] =	vst.add.f32.msk $0xffff, v6;
	s28 =	sor.u32 $0x17280, s22;
	v6 =	vmul.f32 v24, v8;
	v8 =	vmul.f32 v24, v14  }
0x57: {  	v1 =	vmul.f32 v24, v1;
	v5 =	vmul.f32 v24, v5;
	[tilespmem:s26+$0x0] =	vst.add.f32.msk $0xffff, v20;
	s26 =	sor.u32 $0x17300, s22  }
0x58: {  	v3 =	vmul.f32 v24, v3;
	v2 =	vmul.f32 v24, v2;
	[tilespmem:s28+$0x0] =	vst.add.f32.msk $0xffff, v19;
	s28 =	sor.u32 $0x17380, s22  }
0x59: {  	v14 =	vmul.f32 v24, v16;
	[tilespmem:s26+$0x0] =	vst.add.f32.msk $0xffff, v12;
	s26 =	sor.u32 $0x17400, s22;
	v12 =	vmul.f32 v24, v18  }
0x5a: {  	v10 =	vmul.f32 v24, v10;
	[tilespmem:s28+$0x0] =	vst.add.f32.msk $0xffff, v7;
	s28 =	sor.u32 $0x17480, s22;
	v7 =	vmul.f32 v24, v11  }
0x5b: {  	v11 =	vmul.f32 v24, v15;
	[tilespmem:s26+$0x0] =	vst.add.f32.msk $0xffff, v4;
	s26 =	sor.u32 $0x17500, s22;
	v4 =	vmul.f32 v24, v17  }
0x5c: {  	[tilespmem:s28+$0x0] =	vst.add.f32.msk $0xffff, v13;
	s28 =	sor.u32 $0x17580, s22  }
0x5d: {  	[tilespmem:s26+$0x0] =	vst.add.f32.msk $0xffff, v6;
	s26 =	sor.u32 $0x17600, s22  }
0x5e: {  	[tilespmem:s28+$0x0] =	vst.add.f32.msk $0xffff, v8;
	s28 =	sor.u32 $0x17680, s22  }
0x5f: {  	[tilespmem:s26+$0x0] =	vst.add.f32.msk $0xffff, v1;
	s26 =	sor.u32 $0x17700, s22  }
0x60: {  	[tilespmem:s28+$0x0] =	vst.add.f32.msk $0xffff, v5;
	s28 =	sor.u32 $0x17780, s22  }
0x61: {  	[tilespmem:s26+$0x0] =	vst.add.f32.msk $0xffff, v3;
	s26 =	sor.u32 $0x17800, s22  }
0x62: {  	[tilespmem:s28+$0x0] =	vst.add.f32.msk $0xffff, v2;
	s28 =	sor.u32 $0x17880, s22  }
0x63: {  	[tilespmem:s26+$0x0] =	vst.add.f32.msk $0xffff, v12;
	s26 =	sor.u32 $0x17900, s22  }
0x64: {  	[tilespmem:s28+$0x0] =	vst.add.f32.msk $0xffff, v14;
	s28 =	sor.u32 $0x17980, s22  }
0x65: {  	[tilespmem:s26+$0x0] =	vst.add.f32.msk $0xffff, v7;
	s26 =	sor.u32 $0x17A00, s22  }
0x66: {  	v1 =	vmul.f32 v24, v9;
	[tilespmem:s28+$0x0] =	vst.add.f32.msk $0xffff, v10;
	s28 =	sor.u32 $0x17A80, s22  }
0x67: {  	[tilespmem:s26+$0x0] =	vst.add.f32.msk $0xffff, v4;
	s26 =	sor.u32 $0x17B00, s22;
	s22 =	smov.u32 s25  }
0x68: {  	[tilespmem:s28+$0x0] =	vst.add.f32.msk $0xffff, v11  }
0x69: {  	[tilespmem:s26+$0x0] =	vst.add.f32.msk $0xffff, v1  }
0x6a: {  	v1 =	vld [tilespmem:s24+$0x2000]  }
0x6b: {  	v2 =	vld [tilespmem:s24+$0xC00]  }
0x6c: {  	v3 =	vld [tilespmem:s24+$0x2800]  }
0x6d: {  	v4 =	vld [tilespmem:s24+$0x3000]  }
0x6e: {  	v5 =	vld [tilespmem:s24+$0x3C00]  }
0x6f: {  	v6 =	vld [tilespmem:s24+$0x3800]  }
0x70: {  	v7 =	vld [tilespmem:s24+$0x1C00]  }
0x71: {  	v2 =	vmul.f32 $1.442695020e+00, v2;
	v3 =	vmul.f32 $1.442695020e+00, v3;
	v8 =	vld [tilespmem:s24+$0x3400]  }
0x72: {  	v1 =	vmul.f32 $1.442695020e+00, v1;
	v9 =	vld [tilespmem:s24+$0x1800];
	v4 =	vmul.f32 $1.442695020e+00, v4  }
0x73: {  	v10 =	vld [tilespmem:s24+$0x1400];
	v5 =	vmul.f32 $1.442695020e+00, v5;
	(erf) = vpow2.f32 v2  }
0x74: {  	v2 =	vld [tilespmem:s24+$0x1000];
	v6 =	vmul.f32 $1.442695020e+00, v6;
	(erf) = vpow2.f32 v4  }
0x75: {  	v4 =	vld [tilespmem:s24+$0x0];
	v7 =	vmul.f32 $1.442695020e+00, v7;
	(erf) = vpow2.f32 v1  }
0x76: {  	v1 =	vld [tilespmem:s24+$0x2400];
	v8 =	vmul.f32 $1.442695020e+00, v8;
	(erf) = vpow2.f32 v5  }
0x77: {  	v5 =	vmul.f32 $1.442695020e+00, v9;
	(erf) = vpow2.f32 v7  }
0x78: {  	v7 =	vmul.f32 $1.442695020e+00, v10;
	v9 =	vld [tilespmem:s24+$0x2C00];
	(erf) = vpow2.f32 v6  }
0x79: {  	v10 =	vld [tilespmem:s24+$0x400];
	v11 =	vmul.f32 $1.442695020e+00, v2;
	(erf) = vpow2.f32 v8  }
0x7a: {  	v2 =	vmul.f32 $1.442695020e+00, v4;
	v8 =	vld [tilespmem:s24+$0x800];
	(erf) = vpow2.f32 v3  }
0x7b: {  	v12 =	vmul.f32 $1.442695020e+00, v1;
	(erf) = vpow2.f32 v5  }
0x7c: {  	v3 =	vld [tilespmem:s24+$0x4C00];
	(erf) = vpow2.f32 v2;
	v6 =	vpop (erf)  }
0x7d: {  	v13 =	vmul.f32 $1.442695020e+00, v9;
	v5 =	vld [tilespmem:s24+$0x4800];
	(erf) = vpow2.f32 v12;
	v1 =	vpop (erf)  }
0x7e: {  	v9 =	vmul.f32 $1.442695020e+00, v10;
	v10 =	vld [tilespmem:s24+$0x4400];
	(erf) = vpow2.f32 v7;
	v4 =	vpop (erf)  }
0x7f: {  	v8 =	vmul.f32 $1.442695020e+00, v8;
	v12 =	vld [tilespmem:s24+$0x4000];
	(erf) = vpow2.f32 v13;
	v2 =	vpop (erf)  }
0x80: {  	v13 =	vld [tilespmem:s24+$0x5400];
	(erf) = vpow2.f32 v9;
	v7 =	vpop (erf)  }
0x81: {  	v9 =	vmul.f32 $1.442695020e+00, v3;
	v14 =	vld [tilespmem:s24+$0x5000];
	(erf) = vpow2.f32 v8;
	v3 =	vpop (erf)  }
0x82: {  	v15 =	vmul.f32 $1.442695020e+00, v5;
	v16 =	vadd.f32 v2, v3;
	(erf) = vpow2.f32 v11;
	v5 =	vpop (erf)  }
0x83: {  	v10 =	vmul.f32 $1.442695020e+00, v10;
	v11 =	vld [tilespmem:s24+$0x5800];
	v17 =	vadd.f32 v5, v1;
	v8 =	vpop (erf);
	(erf) = vpow2.f32 v9  }
0x84: {  	v9 =	vmul.f32 $1.442695020e+00, v12;
	v12 =	vpop (erf);
	(erf) = vpow2.f32 v15  }
0x85: {  	v15 =	vmul.f32 $1.442695020e+00, v13;
	v17 =	vadd.f32 v16, v17;
	v20 =	vpop (erf);
	(erf) = vpow2.f32 v10  }
0x86: {  	v16 =	vadd.f32 v7, v12;
	v10 =	vmul.f32 $1.442695020e+00, v14;
	v13 =	vpop (erf);
	(erf) = vpow2.f32 v9  }
0x87: {  	v9 =	vadd.f32 v13, v4;
	v19 =	vpop (erf);
	(erf) = vpow2.f32 v15  }
0x88: {  	v11 =	vmul.f32 $1.442695020e+00, v11;
	v14 =	vpop (erf);
	(erf) = vpow2.f32 v10  }
0x89: {  	v23 =	vpop (erf)  }
0x8a: {  	v25 =	vadd.f32 v14, v8;
	v22 =	vpop (erf);
	(erf) = vpow2.f32 v11  }
0x8b: {  	v15 =	vadd.f32 v23, v20;
	v18 =	vadd.f32 v6, v22;
	v21 =	vpop (erf)  }
0x8c: {  	v9 =	vadd.f32 v25, v9;
	v24 =	vadd.f32 v19, v21;
	v10 =	vpop (erf)  }
0x8d: {  	v11 =	vpop (erf)  }
0x8e: {  	v27 =	vadd.f32 v18, v15;
	v24 =	vadd.f32 v16, v24;
	v16 =	vpop (erf)  }
0x8f: {  	v9 =	vadd.f32 v17, v9;
	v25 =	vadd.f32 v10, v11;
	v18 =	vpop (erf)  }
0x90: {  	v26 =	vadd.f32 v16, v18;
	v24 =	vadd.f32 v24, v27;
	v15 =	vpop (erf)  }
.Ltmp1:
0x91: {  	v17 =	vpop (erf);
	(pc) =	sbr.rel @p0 .LBB2_4-.Ltmp1, $4  }
0x92: {  	v25 =	vadd.f32 v25, v26;
	v24 =	vadd.f32 v9, v24  }
0x93: {  	v26 =	vadd.f32 v15, v17;
	v9 =	vpop (erf)  }
0x94: {  	v25 =	vadd.f32 v25, v24  }
0x95: {  	v24 =	vadd.f32 v9, v26  }
0x96: {  	_ = 	snop  }
0x97: {  	v25 =	vadd.f32 v24, v25;
	_ =	sdelay $0x1  }
0x98: {  	v26 =	vmul.f32 v25, v25;
	_ =	sdelay $0x1  }
0x99: {  	(erf) = vrcp.f32 v26;
	_ =	sdelay $0x7  }
0x9a: {  	v24 =	vsub.f32 v25, v24  }
0x9b: {  	v25 =	vpop (erf)  }
0x9c: {  	v24 =	vmul.f32 v25, v24;
	_ =	sdelay $0x1  }
0x9d: {  	v20 =	vmul.f32 v24, v20  }
0x9e: {  	s21 =	sor.u32 $0x17000, s22;
	v23 =	vmul.f32 v24, v23  }
0x9f: {  	s23 =	sor.u32 $0x17080, s22;
	v22 =	vmul.f32 v24, v22;
	[tilespmem:s21+$0x0] =	vst.add.f32.msk $0xffff, v20  }
0xa0: {  	s30 =	sor.u32 $0x17100, s22;
	v6 =	vmul.f32 v24, v6;
	[tilespmem:s23+$0x0] =	vst.add.f32.msk $0xffff, v23  }
0xa1: {  	s31 =	sor.u32 $0x17180, s22;
	v20 =	vmul.f32 v24, v21;
	[tilespmem:s30+$0x0] =	vst.add.f32.msk $0xffff, v22  }
0xa2: {  	s24 =	sor.u32 $0x17200, s22;
	v19 =	vmul.f32 v24, v19;
	[tilespmem:s31+$0x0] =	vst.add.f32.msk $0xffff, v6  }
0xa3: {  	s25 =	sor.u32 $0x17280, s22;
	v6 =	vmul.f32 v24, v12;
	[tilespmem:s24+$0x0] =	vst.add.f32.msk $0xffff, v20  }
0xa4: {  	s26 =	sor.u32 $0x17300, s22;
	v7 =	vmul.f32 v24, v7;
	[tilespmem:s25+$0x0] =	vst.add.f32.msk $0xffff, v19  }
0xa5: {  	s28 =	sor.u32 $0x17380, s22;
	v4 =	vmul.f32 v24, v4;
	[tilespmem:s26+$0x0] =	vst.add.f32.msk $0xffff, v6  }
0xa6: {  	s29 =	sor.u32 $0x17400, s22;
	v6 =	vmul.f32 v24, v13;
	[tilespmem:s28+$0x0] =	vst.add.f32.msk $0xffff, v7  }
0xa7: {  	s30 =	sor.u32 $0x17480, s22;
	v7 =	vmul.f32 v24, v8;
	[tilespmem:s29+$0x0] =	vst.add.f32.msk $0xffff, v4  }
0xa8: {  	s31 =	sor.u32 $0x17500, s22;
	v4 =	vmul.f32 v24, v14;
	[tilespmem:s30+$0x0] =	vst.add.f32.msk $0xffff, v6  }
0xa9: {  	v1 =	vmul.f32 v24, v1;
	s24 =	sor.u32 $0x17580, s22;
	[tilespmem:s31+$0x0] =	vst.add.f32.msk $0xffff, v7  }
0xaa: {  	v5 =	vmul.f32 v24, v5;
	s25 =	sor.u32 $0x17600, s22;
	[tilespmem:s24+$0x0] =	vst.add.f32.msk $0xffff, v4  }
0xab: {  	v3 =	vmul.f32 v24, v3;
	s26 =	sor.u32 $0x17680, s22;
	[tilespmem:s25+$0x0] =	vst.add.f32.msk $0xffff, v1  }
0xac: {  	s28 =	sor.u32 $0x17700, s22;
	v1 =	vmul.f32 v24, v2;
	[tilespmem:s26+$0x0] =	vst.add.f32.msk $0xffff, v5  }
0xad: {  	s29 =	sor.u32 $0x17780, s22;
	v2 =	vmul.f32 v24, v18;
	[tilespmem:s28+$0x0] =	vst.add.f32.msk $0xffff, v3  }
0xae: {  	s30 =	sor.u32 $0x17800, s22;
	v3 =	vmul.f32 v24, v16;
	[tilespmem:s29+$0x0] =	vst.add.f32.msk $0xffff, v1  }
0xaf: {  	s31 =	sor.u32 $0x17880, s22;
	v1 =	vmul.f32 v24, v11;
	[tilespmem:s30+$0x0] =	vst.add.f32.msk $0xffff, v2  }
0xb0: {  	s24 =	sor.u32 $0x17900, s22;
	v2 =	vmul.f32 v24, v10;
	[tilespmem:s31+$0x0] =	vst.add.f32.msk $0xffff, v3  }
0xb1: {  	s25 =	sor.u32 $0x17980, s22;
	v3 =	vmul.f32 v24, v17;
	[tilespmem:s24+$0x0] =	vst.add.f32.msk $0xffff, v1  }
0xb2: {  	s26 =	sor.u32 $0x17A00, s22;
	v1 =	vmul.f32 v24, v15;
	[tilespmem:s25+$0x0] =	vst.add.f32.msk $0xffff, v2  }
0xb3: {  	s28 =	sor.u32 $0x17A80, s22;
	v2 =	vmul.f32 v24, v9;
	[tilespmem:s26+$0x0] =	vst.add.f32.msk $0xffff, v3  }
0xb4: {  	s29 =	sor.u32 $0x17B00, s22;
	[tilespmem:s28+$0x0] =	vst.add.f32.msk $0xffff, v1  }
0xb5: {  	s21 =	simm.s32 $0x0;
	[tilespmem:s29+$0x0] =	vst.add.f32.msk $0xffff, v2  }
0xb6: {  	s30 =	sand.u32 $0x7, s21;
	_ =	swait.ge [sflag:s15], $0x5C00  }
0xb7: {  	s31 =	sand.u32 $0x70, s21;
	s24 =	sshll.u32 s30, $0x7;
	[sflag:s15] =	ssyncset.done $0x0  }
0xb8: {  	s23 =	sor.u32 s31, s24;
	[sflag:s15] =	ssyncadd.s32 $0xFFFFA400  }
0xb9: {  	v1 =	vld [tilespmem:s23+$0x6800]  }
0xba: {  	v2 =	vld [tilespmem:s23+$0x8C00]  }
0xbb: {  	v3 =	vld [tilespmem:s23+$0x7C00]  }
0xbc: {  	v4 =	vld [tilespmem:s23+$0x9800]  }
0xbd: {  	v5 =	vld [tilespmem:s23+$0x7800]  }
0xbe: {  	v6 =	vld [tilespmem:s23+$0x9400]  }
0xbf: {  	v7 =	vld [tilespmem:s23+$0x9000];
	v1 =	vmul.f32 $1.442695020e+00, v1  }
0xc0: {  	v8 =	vld [tilespmem:s23+$0x8400];
	v2 =	vmul.f32 $1.442695020e+00, v2;
	v3 =	vmul.f32 $1.442695020e+00, v3  }
0xc1: {  	v4 =	vmul.f32 $1.442695020e+00, v4;
	(erf) = vpow2.f32 v1;
	v1 =	vld [tilespmem:s23+$0x7400]  }
0xc2: {  	v5 =	vmul.f32 $1.442695020e+00, v5;
	(erf) = vpow2.f32 v2;
	v2 =	vld [tilespmem:s23+$0x5C00]  }
0xc3: {  	(erf) = vpow2.f32 v3;
	v3 =	vmul.f32 $1.442695020e+00, v6;
	v6 =	vld [tilespmem:s23+$0x8000]  }
0xc4: {  	v7 =	vmul.f32 $1.442695020e+00, v7;
	(erf) = vpow2.f32 v4;
	v4 =	vld [tilespmem:s23+$0x7000]  }
0xc5: {  	(erf) = vpow2.f32 v5;
	v5 =	vmul.f32 $1.442695020e+00, v8;
	v8 =	vld [tilespmem:s23+$0x8800]  }
0xc6: {  	(erf) = vpow2.f32 v3;
	v1 =	vmul.f32 $1.442695020e+00, v1  }
0xc7: {  	v3 =	vld [tilespmem:s23+$0x6000];
	(erf) = vpow2.f32 v7;
	v2 =	vmul.f32 $1.442695020e+00, v2  }
0xc8: {  	(erf) = vpow2.f32 v5;
	v5 =	vld [tilespmem:s23+$0x6C00];
	v9 =	vmul.f32 $1.442695020e+00, v6  }
0xc9: {  	v7 =	vld [tilespmem:s23+$0x6400];
	(erf) = vpow2.f32 v1;
	v4 =	vmul.f32 $1.442695020e+00, v4  }
0xca: {  	(erf) = vpow2.f32 v2;
	v2 =	vmul.f32 $1.442695020e+00, v8  }
0xcb: {  	v10 =	vld [tilespmem:s23+$0xA800];
	v6 =	vpop (erf)  }
0xcc: {  	v8 =	vld [tilespmem:s23+$0xA400];
	(erf) = vpow2.f32 v9;
	v1 =	vpop (erf);
	v3 =	vmul.f32 $1.442695020e+00, v3  }
0xcd: {  	v9 =	vld [tilespmem:s23+$0xA000];
	(erf) = vpow2.f32 v4;
	v4 =	vpop (erf);
	v5 =	vmul.f32 $1.442695020e+00, v5  }
0xce: {  	v12 =	vld [tilespmem:s23+$0x9C00];
	v11 =	vmul.f32 $1.442695020e+00, v7;
	(erf) = vpow2.f32 v2;
	v2 =	vpop (erf)  }
0xcf: {  	(erf) = vpow2.f32 v3;
	v7 =	vpop (erf)  }
0xd0: {  	v13 =	vld [tilespmem:s23+$0xB000];
	v10 =	vmul.f32 $1.442695020e+00, v10;
	(erf) = vpow2.f32 v11;
	v3 =	vpop (erf)  }
0xd1: {  	v11 =	vld [tilespmem:s23+$0xAC00];
	v14 =	vmul.f32 $1.442695020e+00, v8;
	(erf) = vpow2.f32 v5;
	v5 =	vpop (erf)  }
0xd2: {  	v9 =	vmul.f32 $1.442695020e+00, v9;
	(erf) = vpow2.f32 v10;
	v8 =	vpop (erf)  }
0xd3: {  	v15 =	vmul.f32 $1.442695020e+00, v12;
	v10 =	vld [tilespmem:s23+$0xB400];
	(erf) = vpow2.f32 v14;
	v12 =	vpop (erf)  }
0xd4: {  	(erf) = vpow2.f32 v9;
	v20 =	vpop (erf)  }
0xd5: {  	v9 =	vmul.f32 $1.442695020e+00, v13;
	v13 =	vpop (erf);
	(erf) = vpow2.f32 v15  }
0xd6: {  	v11 =	vmul.f32 $1.442695020e+00, v11;
	v19 =	vpop (erf)  }
0xd7: {  	v16 =	vadd.f32 v5, v1;
	(erf) = vpow2.f32 v9;
	v14 =	vpop (erf)  }
0xd8: {  	v15 =	vadd.f32 v2, v3;
	v9 =	vmul.f32 $1.442695020e+00, v10;
	(erf) = vpow2.f32 v11;
	v23 =	vpop (erf)  }
0xd9: {  	v17 =	vadd.f32 v7, v12;
	v18 =	vadd.f32 v13, v4;
	v22 =	vpop (erf)  }
0xda: {  	v15 =	vadd.f32 v15, v16;
	(erf) = vpow2.f32 v9;
	v9 =	vadd.f32 v14, v8;
	v21 =	vpop (erf)  }
0xdb: {  	v24 =	vadd.f32 v23, v20;
	v10 =	vpop (erf);
	v26 =	vadd.f32 v19, v21  }
0xdc: {  	v25 =	vadd.f32 v6, v22;
	v9 =	vadd.f32 v9, v18;
	v11 =	vpop (erf)  }
0xdd: {  	v16 =	vpop (erf);
	v17 =	vadd.f32 v17, v26  }
0xde: {  	v24 =	vadd.f32 v25, v24;
	v9 =	vadd.f32 v15, v9;
	v18 =	vpop (erf)  }
0xdf: {  	v25 =	vadd.f32 v10, v11;
	v26 =	vadd.f32 v16, v18  }
0xe0: {  	v24 =	vadd.f32 v17, v24;
	v15 =	vpop (erf)  }
0xe1: {  	v17 =	vpop (erf);
	v25 =	vadd.f32 v25, v26  }
0xe2: {  	v24 =	vadd.f32 v9, v24;
	v26 =	vadd.f32 v15, v17  }
0xe3: {  	v9 =	vpop (erf)  }
0xe4: {  	s22 =	sshll.u32 s30, $0x4;
	s23 =	simm.s32 $0x1;
	v25 =	vadd.f32 v25, v24;
	v24 =	vadd.f32 v9, v26  }
.LBB2_6:
0xe5: {  	p0 =	sne.s32 s23, $0x3F  }
0xe6: {  	s21 =	sadd.s32 $0x2, s21;
	s24 =	smov.u32 s23;
	s23 =	sadd.s32 $0x1, s23;
	v25 =	vadd.f32 v24, v25  }
0xe7: {  	_ = 	snop  }
0xe8: {  	v24 =	vsub.f32 v25, v24;
	v25 =	vmul.f32 v25, v25;
	_ =	sdelay $0x1  }
0xe9: {  	(erf) = vrcp.f32 v25;
	_ =	sdelay $0x8  }
0xea: {  	v25 =	vpop (erf)  }
0xeb: {  	v24 =	vmul.f32 v25, v24;
	_ =	sdelay $0x1  }
0xec: {  	s26 =	sor.u32 $0x17000, s22;
	s28 =	sor.u32 $0x17080, s22;
	s24 =	sand.u32 $0x7, s24;
	v20 =	vmul.f32 v24, v20;
	v23 =	vmul.f32 v24, v23  }
0xed: {  	s29 =	sand.u32 $0x70, s21;
	s30 =	sshll.u32 s24, $0x7;
	s25 =	sshll.u32 s24, $0x4;
	v22 =	vmul.f32 v24, v22;
	v6 =	vmul.f32 v24, v6  }
0xee: {  	s24 =	sor.u32 s29, s30;
	v19 =	vmul.f32 v24, v19;
	[tilespmem:s26+$0x0] =	vst.add.f32.msk $0xffff, v20;
	s26 =	sor.u32 $0x17100, s22;
	v20 =	vmul.f32 v24, v21  }
0xef: {  	v12 =	vmul.f32 v24, v12;
	v7 =	vmul.f32 v24, v7;
	[tilespmem:s28+$0x0] =	vst.add.f32.msk $0xffff, v23;
	s28 =	sor.u32 $0x17180, s22  }
0xf0: {  	v4 =	vmul.f32 v24, v4;
	v13 =	vmul.f32 v24, v13;
	[tilespmem:s26+$0x0] =	vst.add.f32.msk $0xffff, v22;
	s26 =	sor.u32 $0x17200, s22  }
0xf1: {  	[tilespmem:s28+$0x0] =	vst.add.f32.msk $0xffff, v6;
	s28 =	sor.u32 $0x17280, s22;
	v6 =	vmul.f32 v24, v8;
	v8 =	vmul.f32 v24, v14  }
0xf2: {  	v1 =	vmul.f32 v24, v1;
	v5 =	vmul.f32 v24, v5;
	[tilespmem:s26+$0x0] =	vst.add.f32.msk $0xffff, v20;
	s26 =	sor.u32 $0x17300, s22  }
0xf3: {  	v3 =	vmul.f32 v24, v3;
	v2 =	vmul.f32 v24, v2;
	[tilespmem:s28+$0x0] =	vst.add.f32.msk $0xffff, v19;
	s28 =	sor.u32 $0x17380, s22  }
0xf4: {  	v14 =	vmul.f32 v24, v16;
	[tilespmem:s26+$0x0] =	vst.add.f32.msk $0xffff, v12;
	s26 =	sor.u32 $0x17400, s22;
	v12 =	vmul.f32 v24, v18  }
0xf5: {  	v10 =	vmul.f32 v24, v10;
	[tilespmem:s28+$0x0] =	vst.add.f32.msk $0xffff, v7;
	s28 =	sor.u32 $0x17480, s22;
	v7 =	vmul.f32 v24, v11  }
0xf6: {  	v11 =	vmul.f32 v24, v15;
	[tilespmem:s26+$0x0] =	vst.add.f32.msk $0xffff, v4;
	s26 =	sor.u32 $0x17500, s22;
	v4 =	vmul.f32 v24, v17  }
0xf7: {  	[tilespmem:s28+$0x0] =	vst.add.f32.msk $0xffff, v13;
	s28 =	sor.u32 $0x17580, s22  }
0xf8: {  	[tilespmem:s26+$0x0] =	vst.add.f32.msk $0xffff, v6;
	s26 =	sor.u32 $0x17600, s22  }
0xf9: {  	[tilespmem:s28+$0x0] =	vst.add.f32.msk $0xffff, v8;
	s28 =	sor.u32 $0x17680, s22  }
0xfa: {  	[tilespmem:s26+$0x0] =	vst.add.f32.msk $0xffff, v1;
	s26 =	sor.u32 $0x17700, s22  }
0xfb: {  	[tilespmem:s28+$0x0] =	vst.add.f32.msk $0xffff, v5;
	s28 =	sor.u32 $0x17780, s22  }
0xfc: {  	[tilespmem:s26+$0x0] =	vst.add.f32.msk $0xffff, v3;
	s26 =	sor.u32 $0x17800, s22  }
0xfd: {  	[tilespmem:s28+$0x0] =	vst.add.f32.msk $0xffff, v2;
	s28 =	sor.u32 $0x17880, s22  }
0xfe: {  	[tilespmem:s26+$0x0] =	vst.add.f32.msk $0xffff, v12;
	s26 =	sor.u32 $0x17900, s22  }
0xff: {  	[tilespmem:s28+$0x0] =	vst.add.f32.msk $0xffff, v14;
	s28 =	sor.u32 $0x17980, s22  }
0x100: {  	[tilespmem:s26+$0x0] =	vst.add.f32.msk $0xffff, v7;
	s26 =	sor.u32 $0x17A00, s22  }
0x101: {  	v1 =	vmul.f32 v24, v9;
	[tilespmem:s28+$0x0] =	vst.add.f32.msk $0xffff, v10;
	s28 =	sor.u32 $0x17A80, s22  }
0x102: {  	[tilespmem:s26+$0x0] =	vst.add.f32.msk $0xffff, v4;
	s26 =	sor.u32 $0x17B00, s22;
	s22 =	smov.u32 s25  }
0x103: {  	[tilespmem:s28+$0x0] =	vst.add.f32.msk $0xffff, v11  }
0x104: {  	[tilespmem:s26+$0x0] =	vst.add.f32.msk $0xffff, v1  }
0x105: {  	v1 =	vld [tilespmem:s24+$0x7C00]  }
0x106: {  	v2 =	vld [tilespmem:s24+$0x6800]  }
0x107: {  	v3 =	vld [tilespmem:s24+$0x8400]  }
0x108: {  	v4 =	vld [tilespmem:s24+$0x8C00]  }
0x109: {  	v5 =	vld [tilespmem:s24+$0x9800]  }
0x10a: {  	v6 =	vld [tilespmem:s24+$0x9400]  }
0x10b: {  	v7 =	vld [tilespmem:s24+$0x7800]  }
0x10c: {  	v2 =	vmul.f32 $1.442695020e+00, v2;
	v3 =	vmul.f32 $1.442695020e+00, v3;
	v8 =	vld [tilespmem:s24+$0x9000]  }
0x10d: {  	v1 =	vmul.f32 $1.442695020e+00, v1;
	v9 =	vld [tilespmem:s24+$0x7400];
	v4 =	vmul.f32 $1.442695020e+00, v4  }
0x10e: {  	v10 =	vld [tilespmem:s24+$0x7000];
	v5 =	vmul.f32 $1.442695020e+00, v5;
	(erf) = vpow2.f32 v2  }
0x10f: {  	v2 =	vld [tilespmem:s24+$0x6C00];
	v6 =	vmul.f32 $1.442695020e+00, v6;
	(erf) = vpow2.f32 v4  }
0x110: {  	v4 =	vld [tilespmem:s24+$0x5C00];
	v7 =	vmul.f32 $1.442695020e+00, v7;
	(erf) = vpow2.f32 v1  }
0x111: {  	v1 =	vld [tilespmem:s24+$0x8000];
	v8 =	vmul.f32 $1.442695020e+00, v8;
	(erf) = vpow2.f32 v5  }
0x112: {  	v5 =	vmul.f32 $1.442695020e+00, v9;
	(erf) = vpow2.f32 v7  }
0x113: {  	v7 =	vmul.f32 $1.442695020e+00, v10;
	v9 =	vld [tilespmem:s24+$0x8800];
	(erf) = vpow2.f32 v6  }
0x114: {  	v10 =	vld [tilespmem:s24+$0x6000];
	v11 =	vmul.f32 $1.442695020e+00, v2;
	(erf) = vpow2.f32 v8  }
0x115: {  	v2 =	vmul.f32 $1.442695020e+00, v4;
	v8 =	vld [tilespmem:s24+$0x6400];
	(erf) = vpow2.f32 v3  }
0x116: {  	v12 =	vmul.f32 $1.442695020e+00, v1;
	(erf) = vpow2.f32 v5  }
0x117: {  	v3 =	vld [tilespmem:s24+$0xA800];
	(erf) = vpow2.f32 v2;
	v6 =	vpop (erf)  }
0x118: {  	v13 =	vmul.f32 $1.442695020e+00, v9;
	v5 =	vld [tilespmem:s24+$0xA400];
	(erf) = vpow2.f32 v12;
	v1 =	vpop (erf)  }
0x119: {  	v9 =	vmul.f32 $1.442695020e+00, v10;
	v10 =	vld [tilespmem:s24+$0xA000];
	(erf) = vpow2.f32 v7;
	v4 =	vpop (erf)  }
0x11a: {  	v8 =	vmul.f32 $1.442695020e+00, v8;
	v12 =	vld [tilespmem:s24+$0x9C00];
	(erf) = vpow2.f32 v13;
	v2 =	vpop (erf)  }
0x11b: {  	v13 =	vld [tilespmem:s24+$0xB000];
	(erf) = vpow2.f32 v9;
	v7 =	vpop (erf)  }
0x11c: {  	v9 =	vmul.f32 $1.442695020e+00, v3;
	v14 =	vld [tilespmem:s24+$0xAC00];
	(erf) = vpow2.f32 v8;
	v3 =	vpop (erf)  }
0x11d: {  	v15 =	vmul.f32 $1.442695020e+00, v5;
	v16 =	vadd.f32 v2, v3;
	(erf) = vpow2.f32 v11;
	v5 =	vpop (erf)  }
0x11e: {  	v10 =	vmul.f32 $1.442695020e+00, v10;
	v11 =	vld [tilespmem:s24+$0xB400];
	v17 =	vadd.f32 v5, v1;
	v8 =	vpop (erf);
	(erf) = vpow2.f32 v9  }
0x11f: {  	v9 =	vmul.f32 $1.442695020e+00, v12;
	v12 =	vpop (erf);
	(erf) = vpow2.f32 v15  }
0x120: {  	v15 =	vmul.f32 $1.442695020e+00, v13;
	v17 =	vadd.f32 v16, v17;
	v20 =	vpop (erf);
	(erf) = vpow2.f32 v10  }
0x121: {  	v16 =	vadd.f32 v7, v12;
	v10 =	vmul.f32 $1.442695020e+00, v14;
	v13 =	vpop (erf);
	(erf) = vpow2.f32 v9  }
0x122: {  	v9 =	vadd.f32 v13, v4;
	v19 =	vpop (erf);
	(erf) = vpow2.f32 v15  }
0x123: {  	v11 =	vmul.f32 $1.442695020e+00, v11;
	v14 =	vpop (erf);
	(erf) = vpow2.f32 v10  }
0x124: {  	v23 =	vpop (erf)  }
0x125: {  	v25 =	vadd.f32 v14, v8;
	v22 =	vpop (erf);
	(erf) = vpow2.f32 v11  }
0x126: {  	v15 =	vadd.f32 v23, v20;
	v18 =	vadd.f32 v6, v22;
	v21 =	vpop (erf)  }
0x127: {  	v9 =	vadd.f32 v25, v9;
	v24 =	vadd.f32 v19, v21;
	v10 =	vpop (erf)  }
0x128: {  	v11 =	vpop (erf)  }
0x129: {  	v27 =	vadd.f32 v18, v15;
	v24 =	vadd.f32 v16, v24;
	v16 =	vpop (erf)  }
0x12a: {  	v9 =	vadd.f32 v17, v9;
	v25 =	vadd.f32 v10, v11;
	v18 =	vpop (erf)  }
0x12b: {  	v26 =	vadd.f32 v16, v18;
	v24 =	vadd.f32 v24, v27;
	v15 =	vpop (erf)  }
.Ltmp2:
0x12c: {  	v17 =	vpop (erf);
	(pc) =	sbr.rel @p0 .LBB2_6-.Ltmp2, $4  }
0x12d: {  	v25 =	vadd.f32 v25, v26;
	v24 =	vadd.f32 v9, v24  }
0x12e: {  	v26 =	vadd.f32 v15, v17;
	v9 =	vpop (erf)  }
0x12f: {  	v25 =	vadd.f32 v25, v24  }
0x130: {  	v24 =	vadd.f32 v9, v26  }
0x131: {  	_ = 	snop  }
0x132: {  	v25 =	vadd.f32 v24, v25;
	_ =	sdelay $0x1  }
0x133: {  	v26 =	vmul.f32 v25, v25;
	_ =	sdelay $0x1  }
0x134: {  	(erf) = vrcp.f32 v26;
	_ =	sdelay $0x7  }
0x135: {  	v24 =	vsub.f32 v25, v24  }
0x136: {  	v25 =	vpop (erf)  }
0x137: {  	v24 =	vmul.f32 v25, v24;
	_ =	sdelay $0x1  }
0x138: {  	v20 =	vmul.f32 v24, v20  }
0x139: {  	s21 =	sor.u32 $0x17000, s22;
	v23 =	vmul.f32 v24, v23  }
0x13a: {  	s23 =	sor.u32 $0x17080, s22;
	v22 =	vmul.f32 v24, v22;
	[tilespmem:s21+$0x0] =	vst.add.f32.msk $0xffff, v20  }
0x13b: {  	s30 =	sor.u32 $0x17100, s22;
	v6 =	vmul.f32 v24, v6;
	[tilespmem:s23+$0x0] =	vst.add.f32.msk $0xffff, v23  }
0x13c: {  	s31 =	sor.u32 $0x17180, s22;
	v20 =	vmul.f32 v24, v21;
	[tilespmem:s30+$0x0] =	vst.add.f32.msk $0xffff, v22  }
0x13d: {  	s24 =	sor.u32 $0x17200, s22;
	v19 =	vmul.f32 v24, v19;
	[tilespmem:s31+$0x0] =	vst.add.f32.msk $0xffff, v6  }
0x13e: {  	s25 =	sor.u32 $0x17280, s22;
	v6 =	vmul.f32 v24, v12;
	[tilespmem:s24+$0x0] =	vst.add.f32.msk $0xffff, v20  }
0x13f: {  	s26 =	sor.u32 $0x17300, s22;
	v7 =	vmul.f32 v24, v7;
	[tilespmem:s25+$0x0] =	vst.add.f32.msk $0xffff, v19  }
0x140: {  	s28 =	sor.u32 $0x17380, s22;
	v4 =	vmul.f32 v24, v4;
	[tilespmem:s26+$0x0] =	vst.add.f32.msk $0xffff, v6  }
0x141: {  	s29 =	sor.u32 $0x17400, s22;
	v6 =	vmul.f32 v24, v13;
	[tilespmem:s28+$0x0] =	vst.add.f32.msk $0xffff, v7  }
0x142: {  	s30 =	sor.u32 $0x17480, s22;
	v7 =	vmul.f32 v24, v8;
	[tilespmem:s29+$0x0] =	vst.add.f32.msk $0xffff, v4  }
0x143: {  	s31 =	sor.u32 $0x17500, s22;
	v4 =	vmul.f32 v24, v14;
	[tilespmem:s30+$0x0] =	vst.add.f32.msk $0xffff, v6  }
0x144: {  	v1 =	vmul.f32 v24, v1;
	s24 =	sor.u32 $0x17580, s22;
	[tilespmem:s31+$0x0] =	vst.add.f32.msk $0xffff, v7  }
0x145: {  	v5 =	vmul.f32 v24, v5;
	s25 =	sor.u32 $0x17600, s22;
	[tilespmem:s24+$0x0] =	vst.add.f32.msk $0xffff, v4  }
0x146: {  	v3 =	vmul.f32 v24, v3;
	s26 =	sor.u32 $0x17680, s22;
	[tilespmem:s25+$0x0] =	vst.add.f32.msk $0xffff, v1  }
0x147: {  	s28 =	sor.u32 $0x17700, s22;
	v1 =	vmul.f32 v24, v2;
	[tilespmem:s26+$0x0] =	vst.add.f32.msk $0xffff, v5  }
0x148: {  	s29 =	sor.u32 $0x17780, s22;
	v2 =	vmul.f32 v24, v18;
	[tilespmem:s28+$0x0] =	vst.add.f32.msk $0xffff, v3  }
0x149: {  	s30 =	sor.u32 $0x17800, s22;
	v3 =	vmul.f32 v24, v16;
	[tilespmem:s29+$0x0] =	vst.add.f32.msk $0xffff, v1  }
0x14a: {  	s31 =	sor.u32 $0x17880, s22;
	v1 =	vmul.f32 v24, v11;
	[tilespmem:s30+$0x0] =	vst.add.f32.msk $0xffff, v2  }
0x14b: {  	s24 =	sor.u32 $0x17900, s22;
	v2 =	vmul.f32 v24, v10;
	[tilespmem:s31+$0x0] =	vst.add.f32.msk $0xffff, v3  }
0x14c: {  	s25 =	sor.u32 $0x17980, s22;
	v3 =	vmul.f32 v24, v17;
	[tilespmem:s24+$0x0] =	vst.add.f32.msk $0xffff, v1  }
0x14d: {  	s26 =	sor.u32 $0x17A00, s22;
	v1 =	vmul.f32 v24, v15;
	[tilespmem:s25+$0x0] =	vst.add.f32.msk $0xffff, v2  }
0x14e: {  	s28 =	sor.u32 $0x17A80, s22;
	v2 =	vmul.f32 v24, v9;
	[tilespmem:s26+$0x0] =	vst.add.f32.msk $0xffff, v3  }
0x14f: {  	s29 =	sor.u32 $0x17B00, s22;
	[tilespmem:s28+$0x0] =	vst.add.f32.msk $0xffff, v1  }
0x150: {  	s21 =	simm.s32 $0x0;
	[tilespmem:s29+$0x0] =	vst.add.f32.msk $0xffff, v2  }
0x151: {  	s30 =	sand.u32 $0x7, s21;
	_ =	swait.ge [sflag:s16], $0x5C00  }
0x152: {  	s31 =	sand.u32 $0x70, s21;
	s24 =	sshll.u32 s30, $0x7;
	[sflag:s16] =	ssyncset.done $0x0  }
0x153: {  	s23 =	sor.u32 s31, s24;
	[sflag:s16] =	ssyncadd.s32 $0xFFFFA400  }
0x154: {  	v1 =	vld [tilespmem:s23+$0xC400]  }
0x155: {  	v2 =	vld [tilespmem:s23+$0xE800]  }
0x156: {  	v3 =	vld [tilespmem:s23+$0xD800]  }
0x157: {  	v4 =	vld [tilespmem:s23+$0xF400]  }
0x158: {  	v5 =	vld [tilespmem:s23+$0xD400]  }
0x159: {  	v6 =	vld [tilespmem:s23+$0xF000]  }
0x15a: {  	v7 =	vld [tilespmem:s23+$0xEC00];
	v1 =	vmul.f32 $1.442695020e+00, v1  }
0x15b: {  	v8 =	vld [tilespmem:s23+$0xE000];
	v2 =	vmul.f32 $1.442695020e+00, v2;
	v3 =	vmul.f32 $1.442695020e+00, v3  }
0x15c: {  	v4 =	vmul.f32 $1.442695020e+00, v4;
	(erf) = vpow2.f32 v1;
	v1 =	vld [tilespmem:s23+$0xD000]  }
0x15d: {  	v5 =	vmul.f32 $1.442695020e+00, v5;
	(erf) = vpow2.f32 v2;
	v2 =	vld [tilespmem:s23+$0xB800]  }
0x15e: {  	(erf) = vpow2.f32 v3;
	v3 =	vmul.f32 $1.442695020e+00, v6;
	v6 =	vld [tilespmem:s23+$0xDC00]  }
0x15f: {  	v7 =	vmul.f32 $1.442695020e+00, v7;
	(erf) = vpow2.f32 v4;
	v4 =	vld [tilespmem:s23+$0xCC00]  }
0x160: {  	(erf) = vpow2.f32 v5;
	v5 =	vmul.f32 $1.442695020e+00, v8;
	v8 =	vld [tilespmem:s23+$0xE400]  }
0x161: {  	(erf) = vpow2.f32 v3;
	v1 =	vmul.f32 $1.442695020e+00, v1  }
0x162: {  	v3 =	vld [tilespmem:s23+$0xBC00];
	(erf) = vpow2.f32 v7;
	v2 =	vmul.f32 $1.442695020e+00, v2  }
0x163: {  	(erf) = vpow2.f32 v5;
	v5 =	vld [tilespmem:s23+$0xC800];
	v9 =	vmul.f32 $1.442695020e+00, v6  }
0x164: {  	v7 =	vld [tilespmem:s23+$0xC000];
	(erf) = vpow2.f32 v1;
	v4 =	vmul.f32 $1.442695020e+00, v4  }
0x165: {  	(erf) = vpow2.f32 v2;
	v2 =	vmul.f32 $1.442695020e+00, v8  }
0x166: {  	v10 =	vld [tilespmem:s23+$0x10400];
	v6 =	vpop (erf)  }
0x167: {  	v8 =	vld [tilespmem:s23+$0x10000];
	(erf) = vpow2.f32 v9;
	v1 =	vpop (erf);
	v3 =	vmul.f32 $1.442695020e+00, v3  }
0x168: {  	v9 =	vld [tilespmem:s23+$0xFC00];
	(erf) = vpow2.f32 v4;
	v4 =	vpop (erf);
	v5 =	vmul.f32 $1.442695020e+00, v5  }
0x169: {  	v12 =	vld [tilespmem:s23+$0xF800];
	v11 =	vmul.f32 $1.442695020e+00, v7;
	(erf) = vpow2.f32 v2;
	v2 =	vpop (erf)  }
0x16a: {  	(erf) = vpow2.f32 v3;
	v7 =	vpop (erf)  }
0x16b: {  	v13 =	vld [tilespmem:s23+$0x10C00];
	v10 =	vmul.f32 $1.442695020e+00, v10;
	(erf) = vpow2.f32 v11;
	v3 =	vpop (erf)  }
0x16c: {  	v11 =	vld [tilespmem:s23+$0x10800];
	v14 =	vmul.f32 $1.442695020e+00, v8;
	(erf) = vpow2.f32 v5;
	v5 =	vpop (erf)  }
0x16d: {  	v9 =	vmul.f32 $1.442695020e+00, v9;
	(erf) = vpow2.f32 v10;
	v8 =	vpop (erf)  }
0x16e: {  	v15 =	vmul.f32 $1.442695020e+00, v12;
	v10 =	vld [tilespmem:s23+$0x11000];
	(erf) = vpow2.f32 v14;
	v12 =	vpop (erf)  }
0x16f: {  	(erf) = vpow2.f32 v9;
	v20 =	vpop (erf)  }
0x170: {  	v9 =	vmul.f32 $1.442695020e+00, v13;
	v13 =	vpop (erf);
	(erf) = vpow2.f32 v15  }
0x171: {  	v11 =	vmul.f32 $1.442695020e+00, v11;
	v19 =	vpop (erf)  }
0x172: {  	v16 =	vadd.f32 v5, v1;
	(erf) = vpow2.f32 v9;
	v14 =	vpop (erf)  }
0x173: {  	v15 =	vadd.f32 v2, v3;
	v9 =	vmul.f32 $1.442695020e+00, v10;
	(erf) = vpow2.f32 v11;
	v23 =	vpop (erf)  }
0x174: {  	v17 =	vadd.f32 v7, v12;
	v18 =	vadd.f32 v13, v4;
	v22 =	vpop (erf)  }
0x175: {  	v15 =	vadd.f32 v15, v16;
	(erf) = vpow2.f32 v9;
	v9 =	vadd.f32 v14, v8;
	v21 =	vpop (erf)  }
0x176: {  	v24 =	vadd.f32 v23, v20;
	v10 =	vpop (erf);
	v26 =	vadd.f32 v19, v21  }
0x177: {  	v25 =	vadd.f32 v6, v22;
	v9 =	vadd.f32 v9, v18;
	v11 =	vpop (erf)  }
0x178: {  	v16 =	vpop (erf);
	v17 =	vadd.f32 v17, v26  }
0x179: {  	v24 =	vadd.f32 v25, v24;
	v9 =	vadd.f32 v15, v9;
	v18 =	vpop (erf)  }
0x17a: {  	v25 =	vadd.f32 v10, v11;
	v26 =	vadd.f32 v16, v18  }
0x17b: {  	v24 =	vadd.f32 v17, v24;
	v15 =	vpop (erf)  }
0x17c: {  	v17 =	vpop (erf);
	v25 =	vadd.f32 v25, v26  }
0x17d: {  	v24 =	vadd.f32 v9, v24;
	v26 =	vadd.f32 v15, v17  }
0x17e: {  	v9 =	vpop (erf)  }
0x17f: {  	s22 =	sshll.u32 s30, $0x4;
	s23 =	simm.s32 $0x1;
	v25 =	vadd.f32 v25, v24;
	v24 =	vadd.f32 v9, v26  }
.LBB2_8:
0x180: {  	p0 =	sne.s32 s23, $0x3F  }
0x181: {  	s21 =	sadd.s32 $0x2, s21;
	s24 =	smov.u32 s23;
	s23 =	sadd.s32 $0x1, s23;
	v25 =	vadd.f32 v24, v25  }
0x182: {  	_ = 	snop  }
0x183: {  	v24 =	vsub.f32 v25, v24;
	v25 =	vmul.f32 v25, v25;
	_ =	sdelay $0x1  }
0x184: {  	(erf) = vrcp.f32 v25;
	_ =	sdelay $0x8  }
0x185: {  	v25 =	vpop (erf)  }
0x186: {  	v24 =	vmul.f32 v25, v24;
	_ =	sdelay $0x1  }
0x187: {  	s26 =	sor.u32 $0x17000, s22;
	s28 =	sor.u32 $0x17080, s22;
	s24 =	sand.u32 $0x7, s24;
	v20 =	vmul.f32 v24, v20;
	v23 =	vmul.f32 v24, v23  }
0x188: {  	s29 =	sand.u32 $0x70, s21;
	s30 =	sshll.u32 s24, $0x7;
	s25 =	sshll.u32 s24, $0x4;
	v22 =	vmul.f32 v24, v22;
	v6 =	vmul.f32 v24, v6  }
0x189: {  	s24 =	sor.u32 s29, s30;
	v19 =	vmul.f32 v24, v19;
	[tilespmem:s26+$0x0] =	vst.add.f32.msk $0xffff, v20;
	s26 =	sor.u32 $0x17100, s22;
	v20 =	vmul.f32 v24, v21  }
0x18a: {  	v12 =	vmul.f32 v24, v12;
	v7 =	vmul.f32 v24, v7;
	[tilespmem:s28+$0x0] =	vst.add.f32.msk $0xffff, v23;
	s28 =	sor.u32 $0x17180, s22  }
0x18b: {  	v4 =	vmul.f32 v24, v4;
	v13 =	vmul.f32 v24, v13;
	[tilespmem:s26+$0x0] =	vst.add.f32.msk $0xffff, v22;
	s26 =	sor.u32 $0x17200, s22  }
0x18c: {  	[tilespmem:s28+$0x0] =	vst.add.f32.msk $0xffff, v6;
	s28 =	sor.u32 $0x17280, s22;
	v6 =	vmul.f32 v24, v8;
	v8 =	vmul.f32 v24, v14  }
0x18d: {  	v1 =	vmul.f32 v24, v1;
	v5 =	vmul.f32 v24, v5;
	[tilespmem:s26+$0x0] =	vst.add.f32.msk $0xffff, v20;
	s26 =	sor.u32 $0x17300, s22  }
0x18e: {  	v3 =	vmul.f32 v24, v3;
	v2 =	vmul.f32 v24, v2;
	[tilespmem:s28+$0x0] =	vst.add.f32.msk $0xffff, v19;
	s28 =	sor.u32 $0x17380, s22  }
0x18f: {  	v14 =	vmul.f32 v24, v16;
	[tilespmem:s26+$0x0] =	vst.add.f32.msk $0xffff, v12;
	s26 =	sor.u32 $0x17400, s22;
	v12 =	vmul.f32 v24, v18  }
0x190: {  	v10 =	vmul.f32 v24, v10;
	[tilespmem:s28+$0x0] =	vst.add.f32.msk $0xffff, v7;
	s28 =	sor.u32 $0x17480, s22;
	v7 =	vmul.f32 v24, v11  }
0x191: {  	v11 =	vmul.f32 v24, v15;
	[tilespmem:s26+$0x0] =	vst.add.f32.msk $0xffff, v4;
	s26 =	sor.u32 $0x17500, s22;
	v4 =	vmul.f32 v24, v17  }
0x192: {  	[tilespmem:s28+$0x0] =	vst.add.f32.msk $0xffff, v13;
	s28 =	sor.u32 $0x17580, s22  }
0x193: {  	[tilespmem:s26+$0x0] =	vst.add.f32.msk $0xffff, v6;
	s26 =	sor.u32 $0x17600, s22  }
0x194: {  	[tilespmem:s28+$0x0] =	vst.add.f32.msk $0xffff, v8;
	s28 =	sor.u32 $0x17680, s22  }
0x195: {  	[tilespmem:s26+$0x0] =	vst.add.f32.msk $0xffff, v1;
	s26 =	sor.u32 $0x17700, s22  }
0x196: {  	[tilespmem:s28+$0x0] =	vst.add.f32.msk $0xffff, v5;
	s28 =	sor.u32 $0x17780, s22  }
0x197: {  	[tilespmem:s26+$0x0] =	vst.add.f32.msk $0xffff, v3;
	s26 =	sor.u32 $0x17800, s22  }
0x198: {  	[tilespmem:s28+$0x0] =	vst.add.f32.msk $0xffff, v2;
	s28 =	sor.u32 $0x17880, s22  }
0x199: {  	[tilespmem:s26+$0x0] =	vst.add.f32.msk $0xffff, v12;
	s26 =	sor.u32 $0x17900, s22  }
0x19a: {  	[tilespmem:s28+$0x0] =	vst.add.f32.msk $0xffff, v14;
	s28 =	sor.u32 $0x17980, s22  }
0x19b: {  	[tilespmem:s26+$0x0] =	vst.add.f32.msk $0xffff, v7;
	s26 =	sor.u32 $0x17A00, s22  }
0x19c: {  	v1 =	vmul.f32 v24, v9;
	[tilespmem:s28+$0x0] =	vst.add.f32.msk $0xffff, v10;
	s28 =	sor.u32 $0x17A80, s22  }
0x19d: {  	[tilespmem:s26+$0x0] =	vst.add.f32.msk $0xffff, v4;
	s26 =	sor.u32 $0x17B00, s22;
	s22 =	smov.u32 s25  }
0x19e: {  	[tilespmem:s28+$0x0] =	vst.add.f32.msk $0xffff, v11  }
0x19f: {  	[tilespmem:s26+$0x0] =	vst.add.f32.msk $0xffff, v1  }
0x1a0: {  	v1 =	vld [tilespmem:s24+$0xD800]  }
0x1a1: {  	v2 =	vld [tilespmem:s24+$0xC400]  }
0x1a2: {  	v3 =	vld [tilespmem:s24+$0xE000]  }
0x1a3: {  	v4 =	vld [tilespmem:s24+$0xE800]  }
0x1a4: {  	v5 =	vld [tilespmem:s24+$0xF400]  }
0x1a5: {  	v6 =	vld [tilespmem:s24+$0xF000]  }
0x1a6: {  	v7 =	vld [tilespmem:s24+$0xD400]  }
0x1a7: {  	v2 =	vmul.f32 $1.442695020e+00, v2;
	v3 =	vmul.f32 $1.442695020e+00, v3;
	v8 =	vld [tilespmem:s24+$0xEC00]  }
0x1a8: {  	v1 =	vmul.f32 $1.442695020e+00, v1;
	v9 =	vld [tilespmem:s24+$0xD000];
	v4 =	vmul.f32 $1.442695020e+00, v4  }
0x1a9: {  	v10 =	vld [tilespmem:s24+$0xCC00];
	v5 =	vmul.f32 $1.442695020e+00, v5;
	(erf) = vpow2.f32 v2  }
0x1aa: {  	v2 =	vld [tilespmem:s24+$0xC800];
	v6 =	vmul.f32 $1.442695020e+00, v6;
	(erf) = vpow2.f32 v4  }
0x1ab: {  	v4 =	vld [tilespmem:s24+$0xB800];
	v7 =	vmul.f32 $1.442695020e+00, v7;
	(erf) = vpow2.f32 v1  }
0x1ac: {  	v1 =	vld [tilespmem:s24+$0xDC00];
	v8 =	vmul.f32 $1.442695020e+00, v8;
	(erf) = vpow2.f32 v5  }
0x1ad: {  	v5 =	vmul.f32 $1.442695020e+00, v9;
	(erf) = vpow2.f32 v7  }
0x1ae: {  	v7 =	vmul.f32 $1.442695020e+00, v10;
	v9 =	vld [tilespmem:s24+$0xE400];
	(erf) = vpow2.f32 v6  }
0x1af: {  	v10 =	vld [tilespmem:s24+$0xBC00];
	v11 =	vmul.f32 $1.442695020e+00, v2;
	(erf) = vpow2.f32 v8  }
0x1b0: {  	v2 =	vmul.f32 $1.442695020e+00, v4;
	v8 =	vld [tilespmem:s24+$0xC000];
	(erf) = vpow2.f32 v3  }
0x1b1: {  	v12 =	vmul.f32 $1.442695020e+00, v1;
	(erf) = vpow2.f32 v5  }
0x1b2: {  	v3 =	vld [tilespmem:s24+$0x10400];
	(erf) = vpow2.f32 v2;
	v6 =	vpop (erf)  }
0x1b3: {  	v13 =	vmul.f32 $1.442695020e+00, v9;
	v5 =	vld [tilespmem:s24+$0x10000];
	(erf) = vpow2.f32 v12;
	v1 =	vpop (erf)  }
0x1b4: {  	v9 =	vmul.f32 $1.442695020e+00, v10;
	v10 =	vld [tilespmem:s24+$0xFC00];
	(erf) = vpow2.f32 v7;
	v4 =	vpop (erf)  }
0x1b5: {  	v8 =	vmul.f32 $1.442695020e+00, v8;
	v12 =	vld [tilespmem:s24+$0xF800];
	(erf) = vpow2.f32 v13;
	v2 =	vpop (erf)  }
0x1b6: {  	v13 =	vld [tilespmem:s24+$0x10C00];
	(erf) = vpow2.f32 v9;
	v7 =	vpop (erf)  }
0x1b7: {  	v9 =	vmul.f32 $1.442695020e+00, v3;
	v14 =	vld [tilespmem:s24+$0x10800];
	(erf) = vpow2.f32 v8;
	v3 =	vpop (erf)  }
0x1b8: {  	v15 =	vmul.f32 $1.442695020e+00, v5;
	v16 =	vadd.f32 v2, v3;
	(erf) = vpow2.f32 v11;
	v5 =	vpop (erf)  }
0x1b9: {  	v10 =	vmul.f32 $1.442695020e+00, v10;
	v11 =	vld [tilespmem:s24+$0x11000];
	v17 =	vadd.f32 v5, v1;
	v8 =	vpop (erf);
	(erf) = vpow2.f32 v9  }
0x1ba: {  	v9 =	vmul.f32 $1.442695020e+00, v12;
	v12 =	vpop (erf);
	(erf) = vpow2.f32 v15  }
0x1bb: {  	v15 =	vmul.f32 $1.442695020e+00, v13;
	v17 =	vadd.f32 v16, v17;
	v20 =	vpop (erf);
	(erf) = vpow2.f32 v10  }
0x1bc: {  	v16 =	vadd.f32 v7, v12;
	v10 =	vmul.f32 $1.442695020e+00, v14;
	v13 =	vpop (erf);
	(erf) = vpow2.f32 v9  }
0x1bd: {  	v9 =	vadd.f32 v13, v4;
	v19 =	vpop (erf);
	(erf) = vpow2.f32 v15  }
0x1be: {  	v11 =	vmul.f32 $1.442695020e+00, v11;
	v14 =	vpop (erf);
	(erf) = vpow2.f32 v10  }
0x1bf: {  	v23 =	vpop (erf)  }
0x1c0: {  	v25 =	vadd.f32 v14, v8;
	v22 =	vpop (erf);
	(erf) = vpow2.f32 v11  }
0x1c1: {  	v15 =	vadd.f32 v23, v20;
	v18 =	vadd.f32 v6, v22;
	v21 =	vpop (erf)  }
0x1c2: {  	v9 =	vadd.f32 v25, v9;
	v24 =	vadd.f32 v19, v21;
	v10 =	vpop (erf)  }
0x1c3: {  	v11 =	vpop (erf)  }
0x1c4: {  	v27 =	vadd.f32 v18, v15;
	v24 =	vadd.f32 v16, v24;
	v16 =	vpop (erf)  }
0x1c5: {  	v9 =	vadd.f32 v17, v9;
	v25 =	vadd.f32 v10, v11;
	v18 =	vpop (erf)  }
0x1c6: {  	v26 =	vadd.f32 v16, v18;
	v24 =	vadd.f32 v24, v27;
	v15 =	vpop (erf)  }
.Ltmp3:
0x1c7: {  	v17 =	vpop (erf);
	(pc) =	sbr.rel @p0 .LBB2_8-.Ltmp3, $4  }
0x1c8: {  	v25 =	vadd.f32 v25, v26;
	v24 =	vadd.f32 v9, v24  }
0x1c9: {  	v26 =	vadd.f32 v15, v17;
	v9 =	vpop (erf)  }
0x1ca: {  	v25 =	vadd.f32 v25, v24  }
0x1cb: {  	v24 =	vadd.f32 v9, v26  }
0x1cc: {  	_ = 	snop  }
0x1cd: {  	v25 =	vadd.f32 v24, v25;
	_ =	sdelay $0x1  }
0x1ce: {  	v26 =	vmul.f32 v25, v25;
	_ =	sdelay $0x1  }
0x1cf: {  	(erf) = vrcp.f32 v26;
	_ =	sdelay $0x7  }
0x1d0: {  	v24 =	vsub.f32 v25, v24  }
0x1d1: {  	v25 =	vpop (erf)  }
0x1d2: {  	v24 =	vmul.f32 v25, v24;
	_ =	sdelay $0x1  }
0x1d3: {  	v20 =	vmul.f32 v24, v20  }
0x1d4: {  	s21 =	sor.u32 $0x17000, s22;
	v23 =	vmul.f32 v24, v23  }
0x1d5: {  	s23 =	sor.u32 $0x17080, s22;
	v22 =	vmul.f32 v24, v22;
	[tilespmem:s21+$0x0] =	vst.add.f32.msk $0xffff, v20  }
0x1d6: {  	s30 =	sor.u32 $0x17100, s22;
	v6 =	vmul.f32 v24, v6;
	[tilespmem:s23+$0x0] =	vst.add.f32.msk $0xffff, v23  }
0x1d7: {  	s31 =	sor.u32 $0x17180, s22;
	v20 =	vmul.f32 v24, v21;
	[tilespmem:s30+$0x0] =	vst.add.f32.msk $0xffff, v22  }
0x1d8: {  	s24 =	sor.u32 $0x17200, s22;
	v19 =	vmul.f32 v24, v19;
	[tilespmem:s31+$0x0] =	vst.add.f32.msk $0xffff, v6  }
0x1d9: {  	s25 =	sor.u32 $0x17280, s22;
	v6 =	vmul.f32 v24, v12;
	[tilespmem:s24+$0x0] =	vst.add.f32.msk $0xffff, v20  }
0x1da: {  	s26 =	sor.u32 $0x17300, s22;
	v7 =	vmul.f32 v24, v7;
	[tilespmem:s25+$0x0] =	vst.add.f32.msk $0xffff, v19  }
0x1db: {  	s28 =	sor.u32 $0x17380, s22;
	v4 =	vmul.f32 v24, v4;
	[tilespmem:s26+$0x0] =	vst.add.f32.msk $0xffff, v6  }
0x1dc: {  	s29 =	sor.u32 $0x17400, s22;
	v6 =	vmul.f32 v24, v13;
	[tilespmem:s28+$0x0] =	vst.add.f32.msk $0xffff, v7  }
0x1dd: {  	s30 =	sor.u32 $0x17480, s22;
	v7 =	vmul.f32 v24, v8;
	[tilespmem:s29+$0x0] =	vst.add.f32.msk $0xffff, v4  }
0x1de: {  	s31 =	sor.u32 $0x17500, s22;
	v4 =	vmul.f32 v24, v14;
	[tilespmem:s30+$0x0] =	vst.add.f32.msk $0xffff, v6  }
0x1df: {  	v1 =	vmul.f32 v24, v1;
	s24 =	sor.u32 $0x17580, s22;
	[tilespmem:s31+$0x0] =	vst.add.f32.msk $0xffff, v7  }
0x1e0: {  	v5 =	vmul.f32 v24, v5;
	s25 =	sor.u32 $0x17600, s22;
	[tilespmem:s24+$0x0] =	vst.add.f32.msk $0xffff, v4  }
0x1e1: {  	v3 =	vmul.f32 v24, v3;
	s26 =	sor.u32 $0x17680, s22;
	[tilespmem:s25+$0x0] =	vst.add.f32.msk $0xffff, v1  }
0x1e2: {  	s28 =	sor.u32 $0x17700, s22;
	v1 =	vmul.f32 v24, v2;
	[tilespmem:s26+$0x0] =	vst.add.f32.msk $0xffff, v5  }
0x1e3: {  	s29 =	sor.u32 $0x17780, s22;
	v2 =	vmul.f32 v24, v18;
	[tilespmem:s28+$0x0] =	vst.add.f32.msk $0xffff, v3  }
0x1e4: {  	s30 =	sor.u32 $0x17800, s22;
	v3 =	vmul.f32 v24, v16;
	[tilespmem:s29+$0x0] =	vst.add.f32.msk $0xffff, v1  }
0x1e5: {  	s31 =	sor.u32 $0x17880, s22;
	v1 =	vmul.f32 v24, v11;
	[tilespmem:s30+$0x0] =	vst.add.f32.msk $0xffff, v2  }
0x1e6: {  	s24 =	sor.u32 $0x17900, s22;
	v2 =	vmul.f32 v24, v10;
	[tilespmem:s31+$0x0] =	vst.add.f32.msk $0xffff, v3  }
0x1e7: {  	s25 =	sor.u32 $0x17980, s22;
	v3 =	vmul.f32 v24, v17;
	[tilespmem:s24+$0x0] =	vst.add.f32.msk $0xffff, v1  }
0x1e8: {  	s26 =	sor.u32 $0x17A00, s22;
	v1 =	vmul.f32 v24, v15;
	[tilespmem:s25+$0x0] =	vst.add.f32.msk $0xffff, v2  }
0x1e9: {  	s28 =	sor.u32 $0x17A80, s22;
	v2 =	vmul.f32 v24, v9;
	[tilespmem:s26+$0x0] =	vst.add.f32.msk $0xffff, v3  }
0x1ea: {  	s29 =	sor.u32 $0x17B00, s22;
	[tilespmem:s28+$0x0] =	vst.add.f32.msk $0xffff, v1  }
0x1eb: {  	s21 =	simm.s32 $0x0;
	[tilespmem:s29+$0x0] =	vst.add.f32.msk $0xffff, v2  }
0x1ec: {  	s30 =	sand.u32 $0x7, s21;
	_ =	swait.ge [sflag:s17], $0x5C00  }
0x1ed: {  	s31 =	sand.u32 $0x70, s21;
	s24 =	sshll.u32 s30, $0x7;
	[sflag:s17] =	ssyncset.done $0x0  }
0x1ee: {  	s23 =	sor.u32 s31, s24;
	[sflag:s17] =	ssyncadd.s32 $0xFFFFA400  }
0x1ef: {  	v1 =	vld [tilespmem:s23+$0x12000]  }
0x1f0: {  	v2 =	vld [tilespmem:s23+$0x14400]  }
0x1f1: {  	v3 =	vld [tilespmem:s23+$0x13400]  }
0x1f2: {  	v4 =	vld [tilespmem:s23+$0x15000]  }
0x1f3: {  	v5 =	vld [tilespmem:s23+$0x13000]  }
0x1f4: {  	v6 =	vld [tilespmem:s23+$0x14C00]  }
0x1f5: {  	v7 =	vld [tilespmem:s23+$0x14800];
	v1 =	vmul.f32 $1.442695020e+00, v1  }
0x1f6: {  	v8 =	vld [tilespmem:s23+$0x13C00];
	v2 =	vmul.f32 $1.442695020e+00, v2;
	v3 =	vmul.f32 $1.442695020e+00, v3  }
0x1f7: {  	v4 =	vmul.f32 $1.442695020e+00, v4;
	(erf) = vpow2.f32 v1;
	v1 =	vld [tilespmem:s23+$0x12C00]  }
0x1f8: {  	v5 =	vmul.f32 $1.442695020e+00, v5;
	(erf) = vpow2.f32 v2;
	v2 =	vld [tilespmem:s23+$0x11400]  }
0x1f9: {  	(erf) = vpow2.f32 v3;
	v3 =	vmul.f32 $1.442695020e+00, v6;
	v6 =	vld [tilespmem:s23+$0x13800]  }
0x1fa: {  	v7 =	vmul.f32 $1.442695020e+00, v7;
	(erf) = vpow2.f32 v4;
	v4 =	vld [tilespmem:s23+$0x12800]  }
0x1fb: {  	(erf) = vpow2.f32 v5;
	v5 =	vmul.f32 $1.442695020e+00, v8;
	v8 =	vld [tilespmem:s23+$0x14000]  }
0x1fc: {  	(erf) = vpow2.f32 v3;
	v1 =	vmul.f32 $1.442695020e+00, v1  }
0x1fd: {  	v3 =	vld [tilespmem:s23+$0x11800];
	(erf) = vpow2.f32 v7;
	v2 =	vmul.f32 $1.442695020e+00, v2  }
0x1fe: {  	(erf) = vpow2.f32 v5;
	v5 =	vld [tilespmem:s23+$0x12400];
	v9 =	vmul.f32 $1.442695020e+00, v6  }
0x1ff: {  	v7 =	vld [tilespmem:s23+$0x11C00];
	(erf) = vpow2.f32 v1;
	v4 =	vmul.f32 $1.442695020e+00, v4  }
0x200: {  	(erf) = vpow2.f32 v2;
	v2 =	vmul.f32 $1.442695020e+00, v8  }
0x201: {  	v10 =	vld [tilespmem:s23+$0x16000];
	v6 =	vpop (erf)  }
0x202: {  	v8 =	vld [tilespmem:s23+$0x15C00];
	(erf) = vpow2.f32 v9;
	v1 =	vpop (erf);
	v3 =	vmul.f32 $1.442695020e+00, v3  }
0x203: {  	v9 =	vld [tilespmem:s23+$0x15800];
	(erf) = vpow2.f32 v4;
	v4 =	vpop (erf);
	v5 =	vmul.f32 $1.442695020e+00, v5  }
0x204: {  	v12 =	vld [tilespmem:s23+$0x15400];
	v11 =	vmul.f32 $1.442695020e+00, v7;
	(erf) = vpow2.f32 v2;
	v2 =	vpop (erf)  }
0x205: {  	(erf) = vpow2.f32 v3;
	v7 =	vpop (erf)  }
0x206: {  	v13 =	vld [tilespmem:s23+$0x16800];
	v10 =	vmul.f32 $1.442695020e+00, v10;
	(erf) = vpow2.f32 v11;
	v3 =	vpop (erf)  }
0x207: {  	v11 =	vld [tilespmem:s23+$0x16400];
	v14 =	vmul.f32 $1.442695020e+00, v8;
	(erf) = vpow2.f32 v5;
	v5 =	vpop (erf)  }
0x208: {  	v9 =	vmul.f32 $1.442695020e+00, v9;
	(erf) = vpow2.f32 v10;
	v8 =	vpop (erf)  }
0x209: {  	v15 =	vmul.f32 $1.442695020e+00, v12;
	v10 =	vld [tilespmem:s23+$0x16C00];
	(erf) = vpow2.f32 v14;
	v12 =	vpop (erf)  }
0x20a: {  	(erf) = vpow2.f32 v9;
	v20 =	vpop (erf)  }
0x20b: {  	v9 =	vmul.f32 $1.442695020e+00, v13;
	v13 =	vpop (erf);
	(erf) = vpow2.f32 v15  }
0x20c: {  	v11 =	vmul.f32 $1.442695020e+00, v11;
	v19 =	vpop (erf)  }
0x20d: {  	v16 =	vadd.f32 v5, v1;
	(erf) = vpow2.f32 v9;
	v14 =	vpop (erf)  }
0x20e: {  	v15 =	vadd.f32 v2, v3;
	v9 =	vmul.f32 $1.442695020e+00, v10;
	(erf) = vpow2.f32 v11;
	v23 =	vpop (erf)  }
0x20f: {  	v17 =	vadd.f32 v7, v12;
	v18 =	vadd.f32 v13, v4;
	v22 =	vpop (erf)  }
0x210: {  	v15 =	vadd.f32 v15, v16;
	(erf) = vpow2.f32 v9;
	v9 =	vadd.f32 v14, v8;
	v21 =	vpop (erf)  }
0x211: {  	v24 =	vadd.f32 v23, v20;
	v10 =	vpop (erf);
	v26 =	vadd.f32 v19, v21  }
0x212: {  	v25 =	vadd.f32 v6, v22;
	v9 =	vadd.f32 v9, v18;
	v11 =	vpop (erf)  }
0x213: {  	v16 =	vpop (erf);
	v17 =	vadd.f32 v17, v26  }
0x214: {  	v24 =	vadd.f32 v25, v24;
	v9 =	vadd.f32 v15, v9;
	v18 =	vpop (erf)  }
0x215: {  	v25 =	vadd.f32 v10, v11;
	v26 =	vadd.f32 v16, v18  }
0x216: {  	v24 =	vadd.f32 v17, v24;
	v15 =	vpop (erf)  }
0x217: {  	v17 =	vpop (erf);
	v25 =	vadd.f32 v25, v26  }
0x218: {  	v24 =	vadd.f32 v9, v24;
	v26 =	vadd.f32 v15, v17  }
0x219: {  	v9 =	vpop (erf)  }
0x21a: {  	s22 =	sshll.u32 s30, $0x4;
	s23 =	simm.s32 $0x1;
	v25 =	vadd.f32 v25, v24;
	v24 =	vadd.f32 v9, v26  }
.LBB2_10:
0x21b: {  	p0 =	sne.s32 s23, $0x3F  }
0x21c: {  	s21 =	sadd.s32 $0x2, s21;
	s24 =	smov.u32 s23;
	s23 =	sadd.s32 $0x1, s23;
	v25 =	vadd.f32 v24, v25  }
0x21d: {  	_ = 	snop  }
0x21e: {  	v24 =	vsub.f32 v25, v24;
	v25 =	vmul.f32 v25, v25;
	_ =	sdelay $0x1  }
0x21f: {  	(erf) = vrcp.f32 v25;
	_ =	sdelay $0x8  }
0x220: {  	v25 =	vpop (erf)  }
0x221: {  	v24 =	vmul.f32 v25, v24;
	_ =	sdelay $0x1  }
0x222: {  	s26 =	sor.u32 $0x17000, s22;
	s28 =	sor.u32 $0x17080, s22;
	s24 =	sand.u32 $0x7, s24;
	v20 =	vmul.f32 v24, v20;
	v23 =	vmul.f32 v24, v23  }
0x223: {  	s29 =	sand.u32 $0x70, s21;
	s30 =	sshll.u32 s24, $0x7;
	s25 =	sshll.u32 s24, $0x4;
	v22 =	vmul.f32 v24, v22;
	v6 =	vmul.f32 v24, v6  }
0x224: {  	s24 =	sor.u32 s29, s30;
	v19 =	vmul.f32 v24, v19;
	[tilespmem:s26+$0x0] =	vst.add.f32.msk $0xffff, v20;
	s26 =	sor.u32 $0x17100, s22;
	v20 =	vmul.f32 v24, v21  }
0x225: {  	v12 =	vmul.f32 v24, v12;
	v7 =	vmul.f32 v24, v7;
	[tilespmem:s28+$0x0] =	vst.add.f32.msk $0xffff, v23;
	s28 =	sor.u32 $0x17180, s22  }
0x226: {  	v4 =	vmul.f32 v24, v4;
	v13 =	vmul.f32 v24, v13;
	[tilespmem:s26+$0x0] =	vst.add.f32.msk $0xffff, v22;
	s26 =	sor.u32 $0x17200, s22  }
0x227: {  	[tilespmem:s28+$0x0] =	vst.add.f32.msk $0xffff, v6;
	s28 =	sor.u32 $0x17280, s22;
	v6 =	vmul.f32 v24, v8;
	v8 =	vmul.f32 v24, v14  }
0x228: {  	v1 =	vmul.f32 v24, v1;
	v5 =	vmul.f32 v24, v5;
	[tilespmem:s26+$0x0] =	vst.add.f32.msk $0xffff, v20;
	s26 =	sor.u32 $0x17300, s22  }
0x229: {  	v3 =	vmul.f32 v24, v3;
	v2 =	vmul.f32 v24, v2;
	[tilespmem:s28+$0x0] =	vst.add.f32.msk $0xffff, v19;
	s28 =	sor.u32 $0x17380, s22  }
0x22a: {  	v14 =	vmul.f32 v24, v16;
	[tilespmem:s26+$0x0] =	vst.add.f32.msk $0xffff, v12;
	s26 =	sor.u32 $0x17400, s22;
	v12 =	vmul.f32 v24, v18  }
0x22b: {  	v10 =	vmul.f32 v24, v10;
	[tilespmem:s28+$0x0] =	vst.add.f32.msk $0xffff, v7;
	s28 =	sor.u32 $0x17480, s22;
	v7 =	vmul.f32 v24, v11  }
0x22c: {  	v11 =	vmul.f32 v24, v15;
	[tilespmem:s26+$0x0] =	vst.add.f32.msk $0xffff, v4;
	s26 =	sor.u32 $0x17500, s22;
	v4 =	vmul.f32 v24, v17  }
0x22d: {  	[tilespmem:s28+$0x0] =	vst.add.f32.msk $0xffff, v13;
	s28 =	sor.u32 $0x17580, s22  }
0x22e: {  	[tilespmem:s26+$0x0] =	vst.add.f32.msk $0xffff, v6;
	s26 =	sor.u32 $0x17600, s22  }
0x22f: {  	[tilespmem:s28+$0x0] =	vst.add.f32.msk $0xffff, v8;
	s28 =	sor.u32 $0x17680, s22  }
0x230: {  	[tilespmem:s26+$0x0] =	vst.add.f32.msk $0xffff, v1;
	s26 =	sor.u32 $0x17700, s22  }
0x231: {  	[tilespmem:s28+$0x0] =	vst.add.f32.msk $0xffff, v5;
	s28 =	sor.u32 $0x17780, s22  }
0x232: {  	[tilespmem:s26+$0x0] =	vst.add.f32.msk $0xffff, v3;
	s26 =	sor.u32 $0x17800, s22  }
0x233: {  	[tilespmem:s28+$0x0] =	vst.add.f32.msk $0xffff, v2;
	s28 =	sor.u32 $0x17880, s22  }
0x234: {  	[tilespmem:s26+$0x0] =	vst.add.f32.msk $0xffff, v12;
	s26 =	sor.u32 $0x17900, s22  }
0x235: {  	[tilespmem:s28+$0x0] =	vst.add.f32.msk $0xffff, v14;
	s28 =	sor.u32 $0x17980, s22  }
0x236: {  	[tilespmem:s26+$0x0] =	vst.add.f32.msk $0xffff, v7;
	s26 =	sor.u32 $0x17A00, s22  }
0x237: {  	v1 =	vmul.f32 v24, v9;
	[tilespmem:s28+$0x0] =	vst.add.f32.msk $0xffff, v10;
	s28 =	sor.u32 $0x17A80, s22  }
0x238: {  	[tilespmem:s26+$0x0] =	vst.add.f32.msk $0xffff, v4;
	s26 =	sor.u32 $0x17B00, s22;
	s22 =	smov.u32 s25  }
0x239: {  	[tilespmem:s28+$0x0] =	vst.add.f32.msk $0xffff, v11  }
0x23a: {  	[tilespmem:s26+$0x0] =	vst.add.f32.msk $0xffff, v1  }
0x23b: {  	v1 =	vld [tilespmem:s24+$0x13400]  }
0x23c: {  	v2 =	vld [tilespmem:s24+$0x12000]  }
0x23d: {  	v3 =	vld [tilespmem:s24+$0x13C00]  }
0x23e: {  	v4 =	vld [tilespmem:s24+$0x14400]  }
0x23f: {  	v5 =	vld [tilespmem:s24+$0x15000]  }
0x240: {  	v6 =	vld [tilespmem:s24+$0x14C00]  }
0x241: {  	v7 =	vld [tilespmem:s24+$0x13000]  }
0x242: {  	v2 =	vmul.f32 $1.442695020e+00, v2;
	v3 =	vmul.f32 $1.442695020e+00, v3;
	v8 =	vld [tilespmem:s24+$0x14800]  }
0x243: {  	v1 =	vmul.f32 $1.442695020e+00, v1;
	v9 =	vld [tilespmem:s24+$0x12C00];
	v4 =	vmul.f32 $1.442695020e+00, v4  }
0x244: {  	v10 =	vld [tilespmem:s24+$0x12800];
	v5 =	vmul.f32 $1.442695020e+00, v5;
	(erf) = vpow2.f32 v2  }
0x245: {  	v2 =	vld [tilespmem:s24+$0x12400];
	v6 =	vmul.f32 $1.442695020e+00, v6;
	(erf) = vpow2.f32 v4  }
0x246: {  	v4 =	vld [tilespmem:s24+$0x11400];
	v7 =	vmul.f32 $1.442695020e+00, v7;
	(erf) = vpow2.f32 v1  }
0x247: {  	v1 =	vld [tilespmem:s24+$0x13800];
	v8 =	vmul.f32 $1.442695020e+00, v8;
	(erf) = vpow2.f32 v5  }
0x248: {  	v5 =	vmul.f32 $1.442695020e+00, v9;
	(erf) = vpow2.f32 v7  }
0x249: {  	v7 =	vmul.f32 $1.442695020e+00, v10;
	v9 =	vld [tilespmem:s24+$0x14000];
	(erf) = vpow2.f32 v6  }
0x24a: {  	v10 =	vld [tilespmem:s24+$0x11800];
	v11 =	vmul.f32 $1.442695020e+00, v2;
	(erf) = vpow2.f32 v8  }
0x24b: {  	v2 =	vmul.f32 $1.442695020e+00, v4;
	v8 =	vld [tilespmem:s24+$0x11C00];
	(erf) = vpow2.f32 v3  }
0x24c: {  	v12 =	vmul.f32 $1.442695020e+00, v1;
	(erf) = vpow2.f32 v5  }
0x24d: {  	v3 =	vld [tilespmem:s24+$0x16000];
	(erf) = vpow2.f32 v2;
	v6 =	vpop (erf)  }
0x24e: {  	v13 =	vmul.f32 $1.442695020e+00, v9;
	v5 =	vld [tilespmem:s24+$0x15C00];
	(erf) = vpow2.f32 v12;
	v1 =	vpop (erf)  }
0x24f: {  	v9 =	vmul.f32 $1.442695020e+00, v10;
	v10 =	vld [tilespmem:s24+$0x15800];
	(erf) = vpow2.f32 v7;
	v4 =	vpop (erf)  }
0x250: {  	v8 =	vmul.f32 $1.442695020e+00, v8;
	v12 =	vld [tilespmem:s24+$0x15400];
	(erf) = vpow2.f32 v13;
	v2 =	vpop (erf)  }
0x251: {  	v13 =	vld [tilespmem:s24+$0x16800];
	(erf) = vpow2.f32 v9;
	v7 =	vpop (erf)  }
0x252: {  	v9 =	vmul.f32 $1.442695020e+00, v3;
	v14 =	vld [tilespmem:s24+$0x16400];
	(erf) = vpow2.f32 v8;
	v3 =	vpop (erf)  }
0x253: {  	v15 =	vmul.f32 $1.442695020e+00, v5;
	v16 =	vadd.f32 v2, v3;
	(erf) = vpow2.f32 v11;
	v5 =	vpop (erf)  }
0x254: {  	v10 =	vmul.f32 $1.442695020e+00, v10;
	v11 =	vld [tilespmem:s24+$0x16C00];
	v17 =	vadd.f32 v5, v1;
	v8 =	vpop (erf);
	(erf) = vpow2.f32 v9  }
0x255: {  	v9 =	vmul.f32 $1.442695020e+00, v12;
	v12 =	vpop (erf);
	(erf) = vpow2.f32 v15  }
0x256: {  	v15 =	vmul.f32 $1.442695020e+00, v13;
	v17 =	vadd.f32 v16, v17;
	v20 =	vpop (erf);
	(erf) = vpow2.f32 v10  }
0x257: {  	v16 =	vadd.f32 v7, v12;
	v10 =	vmul.f32 $1.442695020e+00, v14;
	v13 =	vpop (erf);
	(erf) = vpow2.f32 v9  }
0x258: {  	v9 =	vadd.f32 v13, v4;
	v19 =	vpop (erf);
	(erf) = vpow2.f32 v15  }
0x259: {  	v11 =	vmul.f32 $1.442695020e+00, v11;
	v14 =	vpop (erf);
	(erf) = vpow2.f32 v10  }
0x25a: {  	v23 =	vpop (erf)  }
0x25b: {  	v25 =	vadd.f32 v14, v8;
	v22 =	vpop (erf);
	(erf) = vpow2.f32 v11  }
0x25c: {  	v15 =	vadd.f32 v23, v20;
	v18 =	vadd.f32 v6, v22;
	v21 =	vpop (erf)  }
0x25d: {  	v9 =	vadd.f32 v25, v9;
	v24 =	vadd.f32 v19, v21;
	v10 =	vpop (erf)  }
0x25e: {  	v11 =	vpop (erf)  }
0x25f: {  	v27 =	vadd.f32 v18, v15;
	v24 =	vadd.f32 v16, v24;
	v16 =	vpop (erf)  }
0x260: {  	v9 =	vadd.f32 v17, v9;
	v25 =	vadd.f32 v10, v11;
	v18 =	vpop (erf)  }
0x261: {  	v26 =	vadd.f32 v16, v18;
	v24 =	vadd.f32 v24, v27;
	v15 =	vpop (erf)  }
.Ltmp4:
0x262: {  	v17 =	vpop (erf);
	(pc) =	sbr.rel @p0 .LBB2_10-.Ltmp4, $4  }
0x263: {  	v25 =	vadd.f32 v25, v26;
	v24 =	vadd.f32 v9, v24  }
0x264: {  	v26 =	vadd.f32 v15, v17;
	v9 =	vpop (erf)  }
0x265: {  	v25 =	vadd.f32 v25, v24  }
0x266: {  	v24 =	vadd.f32 v9, v26  }
0x267: {  	_ = 	snop  }
0x268: {  	v25 =	vadd.f32 v24, v25;
	_ =	sdelay $0x1  }
0x269: {  	v26 =	vmul.f32 v25, v25;
	_ =	sdelay $0x1  }
0x26a: {  	(erf) = vrcp.f32 v26;
	_ =	sdelay $0x7  }
0x26b: {  	v24 =	vsub.f32 v25, v24  }
0x26c: {  	v58 =	vpop (erf)  }
0x26d: {  	v24 =	vmul.f32 v58, v24;
	_ =	sdelay $0x1  }
0x26e: {  	v20 =	vmul.f32 v24, v20  }
0x26f: {  	s21 =	sor.u32 $0x17000, s22;
	v23 =	vmul.f32 v24, v23  }
0x270: {  	s23 =	sor.u32 $0x17080, s22;
	v22 =	vmul.f32 v24, v22;
	[tilespmem:s21+$0x0] =	vst.add.f32.msk $0xffff, v20  }
0x271: {  	s24 =	sor.u32 $0x17100, s22;
	v6 =	vmul.f32 v24, v6;
	[tilespmem:s23+$0x0] =	vst.add.f32.msk $0xffff, v23  }
0x272: {  	s25 =	sor.u32 $0x17180, s22;
	v59 =	vmul.f32 v24, v21;
	[tilespmem:s24+$0x0] =	vst.add.f32.msk $0xffff, v22  }
0x273: {  	s26 =	sor.u32 $0x17200, s22;
	v19 =	vmul.f32 v24, v19;
	[tilespmem:s25+$0x0] =	vst.add.f32.msk $0xffff, v6  }
0x274: {  	s28 =	sor.u32 $0x17280, s22;
	v60 =	vmul.f32 v24, v12;
	[tilespmem:s26+$0x0] =	vst.add.f32.msk $0xffff, v59  }
0x275: {  	s29 =	sor.u32 $0x17300, s22;
	v7 =	vmul.f32 v24, v7;
	[tilespmem:s28+$0x0] =	vst.add.f32.msk $0xffff, v19  }
0x276: {  	s30 =	sor.u32 $0x17380, s22;
	v4 =	vmul.f32 v24, v4;
	[tilespmem:s29+$0x0] =	vst.add.f32.msk $0xffff, v60  }
0x277: {  	s31 =	sor.u32 $0x17400, s22;
	v61 =	vmul.f32 v24, v13;
	[tilespmem:s30+$0x0] =	vst.add.f32.msk $0xffff, v7  }
0x278: {  	v62 =	vmul.f32 v24, v8;
	s24 =	sor.u32 $0x17480, s22;
	[tilespmem:s31+$0x0] =	vst.add.f32.msk $0xffff, v4  }
0x279: {  	v63 =	vmul.f32 v24, v14;
	s25 =	sor.u32 $0x17500, s22;
	[tilespmem:s24+$0x0] =	vst.add.f32.msk $0xffff, v61  }
0x27a: {  	v1 =	vmul.f32 v24, v1;
	s26 =	sor.u32 $0x17580, s22;
	[tilespmem:s25+$0x0] =	vst.add.f32.msk $0xffff, v62  }
0x27b: {  	v5 =	vmul.f32 v24, v5;
	s28 =	sor.u32 $0x17600, s22;
	[tilespmem:s26+$0x0] =	vst.add.f32.msk $0xffff, v63  }
0x27c: {  	v3 =	vmul.f32 v24, v3;
	s29 =	sor.u32 $0x17680, s22;
	[tilespmem:s28+$0x0] =	vst.add.f32.msk $0xffff, v1  }
0x27d: {  	s30 =	sor.u32 $0x17700, s22;
	v1 =	vmul.f32 v24, v2;
	[tilespmem:s29+$0x0] =	vst.add.f32.msk $0xffff, v5  }
0x27e: {  	s31 =	sor.u32 $0x17780, s22;
	v2 =	vmul.f32 v24, v18;
	[tilespmem:s30+$0x0] =	vst.add.f32.msk $0xffff, v3  }
0x27f: {  	s24 =	sor.u32 $0x17800, s22;
	v3 =	vmul.f32 v24, v16;
	[tilespmem:s31+$0x0] =	vst.add.f32.msk $0xffff, v1  }
0x280: {  	s25 =	sor.u32 $0x17880, s22;
	v1 =	vmul.f32 v24, v11;
	[tilespmem:s24+$0x0] =	vst.add.f32.msk $0xffff, v2  }
0x281: {  	s26 =	sor.u32 $0x17900, s22;
	v2 =	vmul.f32 v24, v10;
	[tilespmem:s25+$0x0] =	vst.add.f32.msk $0xffff, v3  }
0x282: {  	s28 =	sor.u32 $0x17980, s22;
	v3 =	vmul.f32 v24, v17;
	[tilespmem:s26+$0x0] =	vst.add.f32.msk $0xffff, v1  }
0x283: {  	s29 =	sor.u32 $0x17A00, s22;
	v1 =	vmul.f32 v24, v15;
	[tilespmem:s28+$0x0] =	vst.add.f32.msk $0xffff, v2  }
0x284: {  	s20 =	sadd.s32 $0x1, s20;
	s30 =	sor.u32 $0x17A80, s22;
	v2 =	vmul.f32 v24, v9;
	[tilespmem:s29+$0x0] =	vst.add.f32.msk $0xffff, v3  }
0x285: {  	p0 =	sne.s32 s20, s8;
	s31 =	sor.u32 $0x17B00, s22;
	[tilespmem:s30+$0x0] =	vst.add.f32.msk $0xffff, v1  }
.Ltmp5:
0x286: {  	[tilespmem:s31+$0x0] =	vst.add.f32.msk $0xffff, v2;
	(pc) =	sbr.rel @p0 .LBB2_1-.Ltmp5, $4  }
0x287: {  	[hbm4b:s7+s2] =	stream.linear.scatter [tilespmem:s18], [sflag:$0x5], $0xB80, $0x38;
	[tilespmem:$0x17B80] =	vst v63  }
0x288: {  	_ =	swait.ge [sflag:s19], $0xB80  }
0x289: {  	[sflag:s19] =	ssyncset.done $0x0  }
0x28a: {  	[sflag:s19] =	ssyncadd.s32 $0xFFFFF480  }
0x28b: {  	_ =	sfence.sel $0x180000  }
0x28c: {  	[bflag:$0x0] =	sbarrier.arrive $0xFFFF  }
0x28d: {  	p0 =	sne.s32 s1, $0x0;
	_ =	strace $0x90000047  }
0x28e: {  	s0 =	sadd.s32 @!p0 $0x100000, s0;
	[bflag:$0x2] =	sbarrier.arrive $0xFFFF  }
0x28f: {  	[sflag:s0] =	ssyncadd.tile.s32 @!p0 $0x1;
	_ =	shalt  }
.Lfunc_end2:
_tile_overlayer_lowered:
.L_overlay_start_2:
0x290: {  	(tag) =	ssettag $0x2  }
0x291: {  	s0 =	rddreg [dreg:$0x0];
	s2 =	stileid.u32  }
0x292: {  	s1 =	rddreg [dreg:$0x1];
	p0 =	sne.s32 s2, $0x0  }
0x293: {  	s3 =	rddreg [dreg:$0x2];
	[bflag:$0x3] =	sbarrier.arrive $0xFFFF;
	s2 =	simm.s32 @!p0 $0x1C05  }
0x294: {  	[timem:s3], [sflag:s2] =	dma.local @!p0 [hbm:s0], s1  }
0x295: {  	s0 =	simm.s32 @!p0 $0x5  }
0x296: {  	_ =	swait.ge @!p0 [sflag:s0], s1  }
0x297: {  	s1 =	ssub.s32 @!p0 $0x0, s1;
	[sflag:s0] =	ssyncset.done @!p0 $0x0  }
0x298: {  	[sflag:s0] =	ssyncadd.s32 @!p0 s1  }
0x299: {  	[bflag:$0x3] =	sbarrier.arrive $0xFFFF  }
0x29a: {  	_ =	shalt  }

</sc_bundles>
